<compile_context>
chip_gen: v7x
topology: tpu7x:2x2x1
jax: 0.10.2.dev20260603
libtpu: 0.0.44.dev20260713+nightly
codegen_flags: <defaults>
</compile_context>

<pallas_src>
import functools

import jax
import jax.numpy as jnp
from jax import lax
from jax.experimental import pallas as pl
from jax.experimental.pallas import tpu as pltpu
from jax.experimental.pallas import tpu_sc as plsc

_INFO = plsc.get_sparse_core_info()
_NC = _INFO.num_cores
_NS = _INFO.num_subcores

_V = 1000000
_D = 32
_R = 50
_N = 16384
_SROWS = _V * _D // 128
_NW = _NC * _NS
_NPW = _N // _NW
_C = 256
_NCH = _R * (_NPW // _C)


def _make_kernel():
    mesh = plsc.VectorSubcoreMesh(core_axis_name="c", subcore_axis_name="s")

    @functools.partial(
        pl.kernel,
        mesh=mesh,
        out_type=jax.ShapeDtypeStruct((_R, _D, _N), jnp.float32),
        scratch_types=[
            pltpu.VMEM((_R, _NPW), jnp.int32),
            pltpu.VMEM((_C,), jnp.int32),
            pltpu.VMEM((_C,), jnp.int32),
            pltpu.VMEM((_C,), jnp.int32),
            pltpu.VMEM((_C,), jnp.int32),
            pltpu.VMEM((_C, 128), jnp.float32),
            pltpu.VMEM((_C, 128), jnp.float32),
            pltpu.VMEM((_D, _C), jnp.float32),
            pltpu.VMEM((_D, _C), jnp.float32),
            pltpu.SemaphoreType.DMA,
            pltpu.SemaphoreType.DMA,
            pltpu.SemaphoreType.DMA,
            pltpu.SemaphoreType.DMA,
        ],
        compiler_params=pltpu.CompilerParams(needs_layout_passes=False),
    )
    def k(tab, idx_t, out_t, ibig, qbuf_0, qbuf_1, cbuf_0, cbuf_1, gbuf_0,
          gbuf_1, obuf_0, obuf_1, g0, g1, w0, w1):
        qbuf = [qbuf_0, qbuf_1]
        cbuf = [cbuf_0, cbuf_1]
        gbuf = [gbuf_0, gbuf_1]
        obuf = [obuf_0, obuf_1]
        p2_g = [g0, g1]
        p2_w = [w0, w1]
        c = lax.axis_index("c")
        s = lax.axis_index("s")
        row_lo = lax.iota(jnp.int32, 16)
        joffs = [jnp.bitwise_and(row_lo + d, 15) for d in range(16)]
        wid = s * _NC + c
        n0w = wid * _NPW
        pltpu.sync_copy(idx_t.at[:, pl.ds(n0w, _NPW)], ibig)

        def p2_start(i, p):
            r = i // (_NPW // _C)
            ch = i % (_NPW // _C)
            for m in range(_C // 16):
                v = ibig[r, pl.ds(ch * _C + m * 16, 16)]
                qbuf[p][pl.ds(m * 16, 16)] = lax.shift_right_logical(v, 2)
                cbuf[p][pl.ds(m * 16, 16)] = lax.shift_left(
                    jnp.bitwise_and(v, 3), 5)
            pltpu.async_copy(tab.at[qbuf[p]], gbuf[p], p2_g[p])

        def p2_finish(i, p):
            pltpu.make_async_copy(tab.at[pl.ds(0, _C), :], gbuf[p],
                                  p2_g[p]).wait()

            @pl.when(i >= 2)
            def _():
                pltpu.make_async_copy(obuf[p], out_t.at[0, :, pl.ds(0, _C)],
                                      p2_w[p]).wait()

            gb = gbuf[p]
            ob = obuf[p]

            def mg_body(mg, carry2):
                m0 = mg * 16
                mv = row_lo + m0
                cb = cbuf[p][pl.ds(m0, 16)]
                for j0 in (0, 16):
                    cbj = cb + j0
                    for d in range(16):
                        joff = joffs[d]
                        vals = plsc.load_gather(gb, [mv, cbj + joff])
                        plsc.store_scatter(ob, [joff + j0, mv], vals)
                return carry2

            lax.fori_loop(0, _C // 16, mg_body, 0)
            r = i // (_NPW // _C)
            ch = i % (_NPW // _C)
            n0 = n0w + ch * _C
            pltpu.async_copy(ob, out_t.at[r, :, pl.ds(n0, _C)], p2_w[p])

        p2_start(0, 0)

        def p2_body(pi, carry):
            i0 = 2 * pi
            p2_start(i0 + 1, 1)
            p2_finish(i0, 0)

            @pl.when(i0 + 2 < _NCH)
            def _():
                p2_start(i0 + 2, 0)

            p2_finish(i0 + 1, 1)
            return carry

        lax.fori_loop(0, _NCH // 2, p2_body, 0)
        pltpu.make_async_copy(obuf[0], out_t.at[0, :, pl.ds(0, _C)],
                              p2_w[0]).wait()
        pltpu.make_async_copy(obuf[1], out_t.at[0, :, pl.ds(0, _C)],
                              p2_w[1]).wait()

    return k


_GATHER = _make_kernel()


def kernel(weights, indices):
    tab = weights.reshape(_SROWS, 128)
    idx_t = indices.astype(jnp.int32).T
    out_t = _GATHER(tab, idx_t)
    return out_t.transpose(2, 0, 1)

# --- scband reference (transcript-rebuilt; emitter-appended) ---
"""Pipeline reference for scband-embedding-24687472017748 (READ-ONLY COPY).

The authoritative reference and input builder live on the scoring server;
editing this copy changes nothing except your own understanding.
"""

import jax, jax.numpy as jnp
import numpy as np

def setup_inputs(seed: int = 0) -> dict:
    key = jax.random.key(seed)
    k1, k2 = jax.random.split(key)
    weights = jax.random.normal(k1, (1000000, 32), dtype=jnp.float32)
    indices = jax.random.randint(k2, (16384, 50), 0, 1000000, dtype=jnp.int64)
    return {"weights": weights, "indices": indices}

def reference(weights, indices):
    # torch.embedding(weights, indices) == gather rows of weights by indices
    return jnp.take(weights, indices, axis=0)

if __name__ == "__main__":
    import jax
    _d = setup_inputs()
    print(jax.jit(kernel)(*tuple(_d.values())))

</pallas_src>

<mosaic_0001>
#map = affine_map<(d0, d1) -> (0, 0)>
#map1 = affine_map<(d0, d1) -> (0, 0, 0)>
module attributes {stable_mosaic.version = 14 : i64} {
  func.func @k(%arg0: i32, %arg1: i32, %arg2: memref<250000x128xf32, #tpu.memory_space<hbm>>, %arg3: memref<50x16384xi32, #tpu.memory_space<hbm>>, %arg4: memref<50x32x16384xf32, #tpu.memory_space<hbm>>, %arg5: memref<50x512xi32, #tpu.memory_space<vmem>>, %arg6: memref<256xi32, #tpu.memory_space<vmem>>, %arg7: memref<256xi32, #tpu.memory_space<vmem>>, %arg8: memref<256xi32, #tpu.memory_space<vmem>>, %arg9: memref<256xi32, #tpu.memory_space<vmem>>, %arg10: memref<256x128xf32, #tpu.memory_space<vmem>>, %arg11: memref<256x128xf32, #tpu.memory_space<vmem>>, %arg12: memref<32x256xf32, #tpu.memory_space<vmem>>, %arg13: memref<32x256xf32, #tpu.memory_space<vmem>>, %arg14: memref<!tpu.dma_semaphore, #tpu.memory_space<semaphore_mem>>, %arg15: memref<!tpu.dma_semaphore, #tpu.memory_space<semaphore_mem>>, %arg16: memref<!tpu.dma_semaphore, #tpu.memory_space<semaphore_mem>>, %arg17: memref<!tpu.dma_semaphore, #tpu.memory_space<semaphore_mem>>) attributes {dimension_semantics = [#tpu.dimension_semantics<core_parallel>, #tpu.dimension_semantics<subcore_parallel>], iteration_bounds = array<i64: 2, 16>, scalar_prefetch = 0 : i64, scratch_operands = 13 : i64, tpu.core_type = #tpu.core_type<sc_vector_subcore>, window_params = [{transform_indices = #map}, {transform_indices = #map}, {transform_indices = #map1}]} {
    %iota3A = tpu.iota {dimensions = array<i32: 0>} : vector<16xi32>
    %add3A = arith.constant 0 : i32
    %add3A_0 = vector.broadcast %add3A : i32 to vector<16xi32>
    %add3A_1 = arith.addi %iota3A, %add3A_0 : vector<16xi32>
    %and3A = arith.constant 15 : i32
    %and3A_2 = vector.broadcast %and3A : i32 to vector<16xi32>
    %and3A_3 = arith.andi %add3A_1, %and3A_2 : vector<16xi32>
    %add3A_4 = arith.constant 1 : i32
    %add3A_5 = vector.broadcast %add3A_4 : i32 to vector<16xi32>
    %add3A_6 = arith.addi %iota3A, %add3A_5 : vector<16xi32>
    %and3A_7 = arith.constant 15 : i32
    %and3A_8 = vector.broadcast %and3A_7 : i32 to vector<16xi32>
    %and3A_9 = arith.andi %add3A_6, %and3A_8 : vector<16xi32>
    %add3A_10 = arith.constant 2 : i32
    %add3A_11 = vector.broadcast %add3A_10 : i32 to vector<16xi32>
    %add3A_12 = arith.addi %iota3A, %add3A_11 : vector<16xi32>
    %and3A_13 = arith.constant 15 : i32
    %and3A_14 = vector.broadcast %and3A_13 : i32 to vector<16xi32>
    %and3A_15 = arith.andi %add3A_12, %and3A_14 : vector<16xi32>
    %add3A_16 = arith.constant 3 : i32
    %add3A_17 = vector.broadcast %add3A_16 : i32 to vector<16xi32>
    %add3A_18 = arith.addi %iota3A, %add3A_17 : vector<16xi32>
    %and3A_19 = arith.constant 15 : i32
    %and3A_20 = vector.broadcast %and3A_19 : i32 to vector<16xi32>
    %and3A_21 = arith.andi %add3A_18, %and3A_20 : vector<16xi32>
    %add3A_22 = arith.constant 4 : i32
    %add3A_23 = vector.broadcast %add3A_22 : i32 to vector<16xi32>
    %add3A_24 = arith.addi %iota3A, %add3A_23 : vector<16xi32>
    %and3A_25 = arith.constant 15 : i32
    %and3A_26 = vector.broadcast %and3A_25 : i32 to vector<16xi32>
    %and3A_27 = arith.andi %add3A_24, %and3A_26 : vector<16xi32>
    %add3A_28 = arith.constant 5 : i32
    %add3A_29 = vector.broadcast %add3A_28 : i32 to vector<16xi32>
    %add3A_30 = arith.addi %iota3A, %add3A_29 : vector<16xi32>
    %and3A_31 = arith.constant 15 : i32
    %and3A_32 = vector.broadcast %and3A_31 : i32 to vector<16xi32>
    %and3A_33 = arith.andi %add3A_30, %and3A_32 : vector<16xi32>
    %add3A_34 = arith.constant 6 : i32
    %add3A_35 = vector.broadcast %add3A_34 : i32 to vector<16xi32>
    %add3A_36 = arith.addi %iota3A, %add3A_35 : vector<16xi32>
    %and3A_37 = arith.constant 15 : i32
    %and3A_38 = vector.broadcast %and3A_37 : i32 to vector<16xi32>
    %and3A_39 = arith.andi %add3A_36, %and3A_38 : vector<16xi32>
    %add3A_40 = arith.constant 7 : i32
    %add3A_41 = vector.broadcast %add3A_40 : i32 to vector<16xi32>
    %add3A_42 = arith.addi %iota3A, %add3A_41 : vector<16xi32>
    %and3A_43 = arith.constant 15 : i32
    %and3A_44 = vector.broadcast %and3A_43 : i32 to vector<16xi32>
    %and3A_45 = arith.andi %add3A_42, %and3A_44 : vector<16xi32>
    %add3A_46 = arith.constant 8 : i32
    %add3A_47 = vector.broadcast %add3A_46 : i32 to vector<16xi32>
    %add3A_48 = arith.addi %iota3A, %add3A_47 : vector<16xi32>
    %and3A_49 = arith.constant 15 : i32
    %and3A_50 = vector.broadcast %and3A_49 : i32 to vector<16xi32>
    %and3A_51 = arith.andi %add3A_48, %and3A_50 : vector<16xi32>
    %add3A_52 = arith.constant 9 : i32
    %add3A_53 = vector.broadcast %add3A_52 : i32 to vector<16xi32>
    %add3A_54 = arith.addi %iota3A, %add3A_53 : vector<16xi32>
    %and3A_55 = arith.constant 15 : i32
    %and3A_56 = vector.broadcast %and3A_55 : i32 to vector<16xi32>
    %and3A_57 = arith.andi %add3A_54, %and3A_56 : vector<16xi32>
    %add3A_58 = arith.constant 10 : i32
    %add3A_59 = vector.broadcast %add3A_58 : i32 to vector<16xi32>
    %add3A_60 = arith.addi %iota3A, %add3A_59 : vector<16xi32>
    %and3A_61 = arith.constant 15 : i32
    %and3A_62 = vector.broadcast %and3A_61 : i32 to vector<16xi32>
    %and3A_63 = arith.andi %add3A_60, %and3A_62 : vector<16xi32>
    %add3A_64 = arith.constant 11 : i32
    %add3A_65 = vector.broadcast %add3A_64 : i32 to vector<16xi32>
    %add3A_66 = arith.addi %iota3A, %add3A_65 : vector<16xi32>
    %and3A_67 = arith.constant 15 : i32
    %and3A_68 = vector.broadcast %and3A_67 : i32 to vector<16xi32>
    %and3A_69 = arith.andi %add3A_66, %and3A_68 : vector<16xi32>
    %add3A_70 = arith.constant 12 : i32
    %add3A_71 = vector.broadcast %add3A_70 : i32 to vector<16xi32>
    %add3A_72 = arith.addi %iota3A, %add3A_71 : vector<16xi32>
    %and3A_73 = arith.constant 15 : i32
    %and3A_74 = vector.broadcast %and3A_73 : i32 to vector<16xi32>
    %and3A_75 = arith.andi %add3A_72, %and3A_74 : vector<16xi32>
    %add3A_76 = arith.constant 13 : i32
    %add3A_77 = vector.broadcast %add3A_76 : i32 to vector<16xi32>
    %add3A_78 = arith.addi %iota3A, %add3A_77 : vector<16xi32>
    %and3A_79 = arith.constant 15 : i32
    %and3A_80 = vector.broadcast %and3A_79 : i32 to vector<16xi32>
    %and3A_81 = arith.andi %add3A_78, %and3A_80 : vector<16xi32>
    %add3A_82 = arith.constant 14 : i32
    %add3A_83 = vector.broadcast %add3A_82 : i32 to vector<16xi32>
    %add3A_84 = arith.addi %iota3A, %add3A_83 : vector<16xi32>
    %and3A_85 = arith.constant 15 : i32
    %and3A_86 = vector.broadcast %and3A_85 : i32 to vector<16xi32>
    %and3A_87 = arith.andi %add3A_84, %and3A_86 : vector<16xi32>
    %add3A_88 = arith.constant 15 : i32
    %add3A_89 = vector.broadcast %add3A_88 : i32 to vector<16xi32>
    %add3A_90 = arith.addi %iota3A, %add3A_89 : vector<16xi32>
    %and3A_91 = arith.constant 15 : i32
    %and3A_92 = vector.broadcast %and3A_91 : i32 to vector<16xi32>
    %and3A_93 = arith.andi %add3A_90, %and3A_92 : vector<16xi32>
    %mul3A = arith.constant 2 : i32
    %mul3A_94 = arith.muli %arg1, %mul3A : i32
    %add3A_95 = arith.addi %mul3A_94, %arg0 : i32
    %mul3A_96 = arith.constant 512 : i32
    %mul3A_97 = arith.muli %add3A_95, %mul3A_96 : i32
    "tpu.region"() ({
      %run_scoped3A = tpu.sem_alloc : memref<!tpu.dma_semaphore, #tpu.memory_space<semaphore_mem>>
      %dma_start3A_390 = arith.constant 0 : i32
      %dma_start3A_391 = tpu.memref_slice %arg3[%dma_start3A_390, %mul3A_97] : memref<50x16384xi32, #tpu.memory_space<hbm>> -> memref<50x512xi32, #tpu.memory_space<hbm>>
      %dma_start3A_392 = arith.constant 0 : i32
      %dma_start3A_393 = tpu.memref_slice %arg3[%dma_start3A_392, %mul3A_97] : memref<50x16384xi32, #tpu.memory_space<hbm>> -> memref<50x512xi32, #tpu.memory_space<hbm>>
      tpu.enqueue_dma source(%dma_start3A_393 : memref<50x512xi32, #tpu.memory_space<hbm>>) target(%arg5 : memref<50x512xi32, #tpu.memory_space<vmem>>) target_semaphore(%run_scoped3A : memref<!tpu.dma_semaphore, #tpu.memory_space<semaphore_mem>>)
      %dma_wait3A_394 = arith.constant 0 : i32
      %dma_wait3A_395 = tpu.memref_slice %arg3[%dma_wait3A_394, %mul3A_97] : memref<50x16384xi32, #tpu.memory_space<hbm>> -> memref<50x512xi32, #tpu.memory_space<hbm>>
      %dma_wait3A_396 = arith.constant 0 : i32
      %dma_wait3A_397 = tpu.memref_slice %arg3[%dma_wait3A_396, %mul3A_97] : memref<50x16384xi32, #tpu.memory_space<hbm>> -> memref<50x512xi32, #tpu.memory_space<hbm>>
      tpu.wait_dma2 semaphore(%run_scoped3A : memref<!tpu.dma_semaphore, #tpu.memory_space<semaphore_mem>>) src(%dma_wait3A_397 : memref<50x512xi32, #tpu.memory_space<hbm>>) dst(%arg5 : memref<50x512xi32, #tpu.memory_space<vmem>>)
      tpu.yield
    }) : () -> ()
    %get3A = arith.constant 0 : i32
    %get3A_98 = arith.index_cast %get3A : i32 to index
    %get3A_99 = arith.constant 0 : index
    %get3A_100 = tpu.vector_load %arg5[%get3A_98, %get3A_99] {strides = array<i32>} : memref<50x512xi32, #tpu.memory_space<vmem>>, vector<16xi32>,
    %shift_right_logical3A = arith.constant 2 : i32
    %shift_right_logical3A_101 = vector.broadcast %shift_right_logical3A : i32 to vector<16xi32>
    %shift_right_logical3A_102 = arith.shrui %get3A_100, %shift_right_logical3A_101 : vector<16xi32>
    %swap3A = arith.constant 0 : index
    %swap3A_103 = tpu.vector_load %arg6[%swap3A] {strides = array<i32>} : memref<256xi32, #tpu.memory_space<vmem>>, vector<16xi32>,
    tpu.vector_store %arg6[%swap3A], %shift_right_logical3A_102 {strides = array<i32>} : memref<256xi32, #tpu.memory_space<vmem>>, vector<16xi32>,
    %and3A_104 = arith.constant 3 : i32
    %and3A_105 = vector.broadcast %and3A_104 : i32 to vector<16xi32>
    %and3A_106 = arith.andi %get3A_100, %and3A_105 : vector<16xi32>
    %shift_left3A = arith.constant 5 : i32
    %shift_left3A_107 = vector.broadcast %shift_left3A : i32 to vector<16xi32>
    %shift_left3A_108 = arith.shli %and3A_106, %shift_left3A_107 : vector<16xi32>
    %swap3A_109 = arith.constant 0 : index
    %swap3A_110 = tpu.vector_load %arg8[%swap3A_109] {strides = array<i32>} : memref<256xi32, #tpu.memory_space<vmem>>, vector<16xi32>,
    tpu.vector_store %arg8[%swap3A_109], %shift_left3A_108 {strides = array<i32>} : memref<256xi32, #tpu.memory_space<vmem>>, vector<16xi32>,
    %get3A_111 = arith.constant 0 : i32
    %get3A_112 = arith.index_cast %get3A_111 : i32 to index
    %get3A_113 = arith.constant 16 : index
    %get3A_114 = tpu.vector_load %arg5[%get3A_112, %get3A_113] {strides = array<i32>} : memref<50x512xi32, #tpu.memory_space<vmem>>, vector<16xi32>,
    %shift_right_logical3A_115 = arith.constant 2 : i32
    %shift_right_logical3A_116 = vector.broadcast %shift_right_logical3A_115 : i32 to vector<16xi32>
    %shift_right_logical3A_117 = arith.shrui %get3A_114, %shift_right_logical3A_116 : vector<16xi32>
    %swap3A_118 = arith.constant 16 : index
    %swap3A_119 = tpu.vector_load %arg6[%swap3A_118] {strides = array<i32>} : memref<256xi32, #tpu.memory_space<vmem>>, vector<16xi32>,
    tpu.vector_store %arg6[%swap3A_118], %shift_right_logical3A_117 {strides = array<i32>} : memref<256xi32, #tpu.memory_space<vmem>>, vector<16xi32>,
    %and3A_120 = arith.constant 3 : i32
    %and3A_121 = vector.broadcast %and3A_120 : i32 to vector<16xi32>
    %and3A_122 = arith.andi %get3A_114, %and3A_121 : vector<16xi32>
    %shift_left3A_123 = arith.constant 5 : i32
    %shift_left3A_124 = vector.broadcast %shift_left3A_123 : i32 to vector<16xi32>
    %shift_left3A_125 = arith.shli %and3A_122, %shift_left3A_124 : vector<16xi32>
    %swap3A_126 = arith.constant 16 : index
    %swap3A_127 = tpu.vector_load %arg8[%swap3A_126] {strides = array<i32>} : memref<256xi32, #tpu.memory_space<vmem>>, vector<16xi32>,
    tpu.vector_store %arg8[%swap3A_126], %shift_left3A_125 {strides = array<i32>} : memref<256xi32, #tpu.memory_space<vmem>>, vector<16xi32>,
    %get3A_128 = arith.constant 0 : i32
    %get3A_129 = arith.index_cast %get3A_128 : i32 to index
    %get3A_130 = arith.constant 32 : index
    %get3A_131 = tpu.vector_load %arg5[%get3A_129, %get3A_130] {strides = array<i32>} : memref<50x512xi32, #tpu.memory_space<vmem>>, vector<16xi32>,
    %shift_right_logical3A_132 = arith.constant 2 : i32
    %shift_right_logical3A_133 = vector.broadcast %shift_right_logical3A_132 : i32 to vector<16xi32>
    %shift_right_logical3A_134 = arith.shrui %get3A_131, %shift_right_logical3A_133 : vector<16xi32>
    %swap3A_135 = arith.constant 32 : index
    %swap3A_136 = tpu.vector_load %arg6[%swap3A_135] {strides = array<i32>} : memref<256xi32, #tpu.memory_space<vmem>>, vector<16xi32>,
    tpu.vector_store %arg6[%swap3A_135], %shift_right_logical3A_134 {strides = array<i32>} : memref<256xi32, #tpu.memory_space<vmem>>, vector<16xi32>,
    %and3A_137 = arith.constant 3 : i32
    %and3A_138 = vector.broadcast %and3A_137 : i32 to vector<16xi32>
    %and3A_139 = arith.andi %get3A_131, %and3A_138 : vector<16xi32>
    %shift_left3A_140 = arith.constant 5 : i32
    %shift_left3A_141 = vector.broadcast %shift_left3A_140 : i32 to vector<16xi32>
    %shift_left3A_142 = arith.shli %and3A_139, %shift_left3A_141 : vector<16xi32>
    %swap3A_143 = arith.constant 32 : index
    %swap3A_144 = tpu.vector_load %arg8[%swap3A_143] {strides = array<i32>} : memref<256xi32, #tpu.memory_space<vmem>>, vector<16xi32>,
    tpu.vector_store %arg8[%swap3A_143], %shift_left3A_142 {strides = array<i32>} : memref<256xi32, #tpu.memory_space<vmem>>, vector<16xi32>,
    %get3A_145 = arith.constant 0 : i32
    %get3A_146 = arith.index_cast %get3A_145 : i32 to index
    %get3A_147 = arith.constant 48 : index
    %get3A_148 = tpu.vector_load %arg5[%get3A_146, %get3A_147] {strides = array<i32>} : memref<50x512xi32, #tpu.memory_space<vmem>>, vector<16xi32>,
    %shift_right_logical3A_149 = arith.constant 2 : i32
    %shift_right_logical3A_150 = vector.broadcast %shift_right_logical3A_149 : i32 to vector<16xi32>
    %shift_right_logical3A_151 = arith.shrui %get3A_148, %shift_right_logical3A_150 : vector<16xi32>
    %swap3A_152 = arith.constant 48 : index
    %swap3A_153 = tpu.vector_load %arg6[%swap3A_152] {strides = array<i32>} : memref<256xi32, #tpu.memory_space<vmem>>, vector<16xi32>,
    tpu.vector_store %arg6[%swap3A_152], %shift_right_logical3A_151 {strides = array<i32>} : memref<256xi32, #tpu.memory_space<vmem>>, vector<16xi32>,
    %and3A_154 = arith.constant 3 : i32
    %and3A_155 = vector.broadcast %and3A_154 : i32 to vector<16xi32>
    %and3A_156 = arith.andi %get3A_148, %and3A_155 : vector<16xi32>
    %shift_left3A_157 = arith.constant 5 : i32
    %shift_left3A_158 = vector.broadcast %shift_left3A_157 : i32 to vector<16xi32>
    %shift_left3A_159 = arith.shli %and3A_156, %shift_left3A_158 : vector<16xi32>
    %swap3A_160 = arith.constant 48 : index
    %swap3A_161 = tpu.vector_load %arg8[%swap3A_160] {strides = array<i32>} : memref<256xi32, #tpu.memory_space<vmem>>, vector<16xi32>,
    tpu.vector_store %arg8[%swap3A_160], %shift_left3A_159 {strides = array<i32>} : memref<256xi32, #tpu.memory_space<vmem>>, vector<16xi32>,
    %get3A_162 = arith.constant 0 : i32
    %get3A_163 = arith.index_cast %get3A_162 : i32 to index
    %get3A_164 = arith.constant 64 : index
    %get3A_165 = tpu.vector_load %arg5[%get3A_163, %get3A_164] {strides = array<i32>} : memref<50x512xi32, #tpu.memory_space<vmem>>, vector<16xi32>,
    %shift_right_logical3A_166 = arith.constant 2 : i32
    %shift_right_logical3A_167 = vector.broadcast %shift_right_logical3A_166 : i32 to vector<16xi32>
    %shift_right_logical3A_168 = arith.shrui %get3A_165, %shift_right_logical3A_167 : vector<16xi32>
    %swap3A_169 = arith.constant 64 : index
    %swap3A_170 = tpu.vector_load %arg6[%swap3A_169] {strides = array<i32>} : memref<256xi32, #tpu.memory_space<vmem>>, vector<16xi32>,
    tpu.vector_store %arg6[%swap3A_169], %shift_right_logical3A_168 {strides = array<i32>} : memref<256xi32, #tpu.memory_space<vmem>>, vector<16xi32>,
    %and3A_171 = arith.constant 3 : i32
    %and3A_172 = vector.broadcast %and3A_171 : i32 to vector<16xi32>
    %and3A_173 = arith.andi %get3A_165, %and3A_172 : vector<16xi32>
    %shift_left3A_174 = arith.constant 5 : i32
    %shift_left3A_175 = vector.broadcast %shift_left3A_174 : i32 to vector<16xi32>
    %shift_left3A_176 = arith.shli %and3A_173, %shift_left3A_175 : vector<16xi32>
    %swap3A_177 = arith.constant 64 : index
    %swap3A_178 = tpu.vector_load %arg8[%swap3A_177] {strides = array<i32>} : memref<256xi32, #tpu.memory_space<vmem>>, vector<16xi32>,
    tpu.vector_store %arg8[%swap3A_177], %shift_left3A_176 {strides = array<i32>} : memref<256xi32, #tpu.memory_space<vmem>>, vector<16xi32>,
    %get3A_179 = arith.constant 0 : i32
    %get3A_180 = arith.index_cast %get3A_179 : i32 to index
    %get3A_181 = arith.constant 80 : index
    %get3A_182 = tpu.vector_load %arg5[%get3A_180, %get3A_181] {strides = array<i32>} : memref<50x512xi32, #tpu.memory_space<vmem>>, vector<16xi32>,
    %shift_right_logical3A_183 = arith.constant 2 : i32
    %shift_right_logical3A_184 = vector.broadcast %shift_right_logical3A_183 : i32 to vector<16xi32>
    %shift_right_logical3A_185 = arith.shrui %get3A_182, %shift_right_logical3A_184 : vector<16xi32>
    %swap3A_186 = arith.constant 80 : index
    %swap3A_187 = tpu.vector_load %arg6[%swap3A_186] {strides = array<i32>} : memref<256xi32, #tpu.memory_space<vmem>>, vector<16xi32>,
    tpu.vector_store %arg6[%swap3A_186], %shift_right_logical3A_185 {strides = array<i32>} : memref<256xi32, #tpu.memory_space<vmem>>, vector<16xi32>,
    %and3A_188 = arith.constant 3 : i32
    %and3A_189 = vector.broadcast %and3A_188 : i32 to vector<16xi32>
    %and3A_190 = arith.andi %get3A_182, %and3A_189 : vector<16xi32>
    %shift_left3A_191 = arith.constant 5 : i32
    %shift_left3A_192 = vector.broadcast %shift_left3A_191 : i32 to vector<16xi32>
    %shift_left3A_193 = arith.shli %and3A_190, %shift_left3A_192 : vector<16xi32>
    %swap3A_194 = arith.constant 80 : index
    %swap3A_195 = tpu.vector_load %arg8[%swap3A_194] {strides = array<i32>} : memref<256xi32, #tpu.memory_space<vmem>>, vector<16xi32>,
    tpu.vector_store %arg8[%swap3A_194], %shift_left3A_193 {strides = array<i32>} : memref<256xi32, #tpu.memory_space<vmem>>, vector<16xi32>,
    %get3A_196 = arith.constant 0 : i32
    %get3A_197 = arith.index_cast %get3A_196 : i32 to index
    %get3A_198 = arith.constant 96 : index
    %get3A_199 = tpu.vector_load %arg5[%get3A_197, %get3A_198] {strides = array<i32>} : memref<50x512xi32, #tpu.memory_space<vmem>>, vector<16xi32>,
    %shift_right_logical3A_200 = arith.constant 2 : i32
    %shift_right_logical3A_201 = vector.broadcast %shift_right_logical3A_200 : i32 to vector<16xi32>
    %shift_right_logical3A_202 = arith.shrui %get3A_199, %shift_right_logical3A_201 : vector<16xi32>
    %swap3A_203 = arith.constant 96 : index
    %swap3A_204 = tpu.vector_load %arg6[%swap3A_203] {strides = array<i32>} : memref<256xi32, #tpu.memory_space<vmem>>, vector<16xi32>,
    tpu.vector_store %arg6[%swap3A_203], %shift_right_logical3A_202 {strides = array<i32>} : memref<256xi32, #tpu.memory_space<vmem>>, vector<16xi32>,
    %and3A_205 = arith.constant 3 : i32
    %and3A_206 = vector.broadcast %and3A_205 : i32 to vector<16xi32>
    %and3A_207 = arith.andi %get3A_199, %and3A_206 : vector<16xi32>
    %shift_left3A_208 = arith.constant 5 : i32
    %shift_left3A_209 = vector.broadcast %shift_left3A_208 : i32 to vector<16xi32>
    %shift_left3A_210 = arith.shli %and3A_207, %shift_left3A_209 : vector<16xi32>
    %swap3A_211 = arith.constant 96 : index
    %swap3A_212 = tpu.vector_load %arg8[%swap3A_211] {strides = array<i32>} : memref<256xi32, #tpu.memory_space<vmem>>, vector<16xi32>,
    tpu.vector_store %arg8[%swap3A_211], %shift_left3A_210 {strides = array<i32>} : memref<256xi32, #tpu.memory_space<vmem>>, vector<16xi32>,
    %get3A_213 = arith.constant 0 : i32
    %get3A_214 = arith.index_cast %get3A_213 : i32 to index
    %get3A_215 = arith.constant 112 : index
    %get3A_216 = tpu.vector_load %arg5[%get3A_214, %get3A_215] {strides = array<i32>} : memref<50x512xi32, #tpu.memory_space<vmem>>, vector<16xi32>,
    %shift_right_logical3A_217 = arith.constant 2 : i32
    %shift_right_logical3A_218 = vector.broadcast %shift_right_logical3A_217 : i32 to vector<16xi32>
    %shift_right_logical3A_219 = arith.shrui %get3A_216, %shift_right_logical3A_218 : vector<16xi32>
    %swap3A_220 = arith.constant 112 : index
    %swap3A_221 = tpu.vector_load %arg6[%swap3A_220] {strides = array<i32>} : memref<256xi32, #tpu.memory_space<vmem>>, vector<16xi32>,
    tpu.vector_store %arg6[%swap3A_220], %shift_right_logical3A_219 {strides = array<i32>} : memref<256xi32, #tpu.memory_space<vmem>>, vector<16xi32>,
    %and3A_222 = arith.constant 3 : i32
    %and3A_223 = vector.broadcast %and3A_222 : i32 to vector<16xi32>
    %and3A_224 = arith.andi %get3A_216, %and3A_223 : vector<16xi32>
    %shift_left3A_225 = arith.constant 5 : i32
    %shift_left3A_226 = vector.broadcast %shift_left3A_225 : i32 to vector<16xi32>
    %shift_left3A_227 = arith.shli %and3A_224, %shift_left3A_226 : vector<16xi32>
    %swap3A_228 = arith.constant 112 : index
    %swap3A_229 = tpu.vector_load %arg8[%swap3A_228] {strides = array<i32>} : memref<256xi32, #tpu.memory_space<vmem>>, vector<16xi32>,
    tpu.vector_store %arg8[%swap3A_228], %shift_left3A_227 {strides = array<i32>} : memref<256xi32, #tpu.memory_space<vmem>>, vector<16xi32>,
    %get3A_230 = arith.constant 0 : i32
    %get3A_231 = arith.index_cast %get3A_230 : i32 to index
    %get3A_232 = arith.constant 128 : index
    %get3A_233 = tpu.vector_load %arg5[%get3A_231, %get3A_232] {strides = array<i32>} : memref<50x512xi32, #tpu.memory_space<vmem>>, vector<16xi32>,
    %shift_right_logical3A_234 = arith.constant 2 : i32
    %shift_right_logical3A_235 = vector.broadcast %shift_right_logical3A_234 : i32 to vector<16xi32>
    %shift_right_logical3A_236 = arith.shrui %get3A_233, %shift_right_logical3A_235 : vector<16xi32>
    %swap3A_237 = arith.constant 128 : index
    %swap3A_238 = tpu.vector_load %arg6[%swap3A_237] {strides = array<i32>} : memref<256xi32, #tpu.memory_space<vmem>>, vector<16xi32>,
    tpu.vector_store %arg6[%swap3A_237], %shift_right_logical3A_236 {strides = array<i32>} : memref<256xi32, #tpu.memory_space<vmem>>, vector<16xi32>,
    %and3A_239 = arith.constant 3 : i32
    %and3A_240 = vector.broadcast %and3A_239 : i32 to vector<16xi32>
    %and3A_241 = arith.andi %get3A_233, %and3A_240 : vector<16xi32>
    %shift_left3A_242 = arith.constant 5 : i32
    %shift_left3A_243 = vector.broadcast %shift_left3A_242 : i32 to vector<16xi32>
    %shift_left3A_244 = arith.shli %and3A_241, %shift_left3A_243 : vector<16xi32>
    %swap3A_245 = arith.constant 128 : index
    %swap3A_246 = tpu.vector_load %arg8[%swap3A_245] {strides = array<i32>} : memref<256xi32, #tpu.memory_space<vmem>>, vector<16xi32>,
    tpu.vector_store %arg8[%swap3A_245], %shift_left3A_244 {strides = array<i32>} : memref<256xi32, #tpu.memory_space<vmem>>, vector<16xi32>,
    %get3A_247 = arith.constant 0 : i32
    %get3A_248 = arith.index_cast %get3A_247 : i32 to index
    %get3A_249 = arith.constant 144 : index
    %get3A_250 = tpu.vector_load %arg5[%get3A_248, %get3A_249] {strides = array<i32>} : memref<50x512xi32, #tpu.memory_space<vmem>>, vector<16xi32>,
    %shift_right_logical3A_251 = arith.constant 2 : i32
    %shift_right_logical3A_252 = vector.broadcast %shift_right_logical3A_251 : i32 to vector<16xi32>
    %shift_right_logical3A_253 = arith.shrui %get3A_250, %shift_right_logical3A_252 : vector<16xi32>
    %swap3A_254 = arith.constant 144 : index
    %swap3A_255 = tpu.vector_load %arg6[%swap3A_254] {strides = array<i32>} : memref<256xi32, #tpu.memory_space<vmem>>, vector<16xi32>,
    tpu.vector_store %arg6[%swap3A_254], %shift_right_logical3A_253 {strides = array<i32>} : memref<256xi32, #tpu.memory_space<vmem>>, vector<16xi32>,
    %and3A_256 = arith.constant 3 : i32
    %and3A_257 = vector.broadcast %and3A_256 : i32 to vector<16xi32>
    %and3A_258 = arith.andi %get3A_250, %and3A_257 : vector<16xi32>
    %shift_left3A_259 = arith.constant 5 : i32
    %shift_left3A_260 = vector.broadcast %shift_left3A_259 : i32 to vector<16xi32>
    %shift_left3A_261 = arith.shli %and3A_258, %shift_left3A_260 : vector<16xi32>
    %swap3A_262 = arith.constant 144 : index
    %swap3A_263 = tpu.vector_load %arg8[%swap3A_262] {strides = array<i32>} : memref<256xi32, #tpu.memory_space<vmem>>, vector<16xi32>,
    tpu.vector_store %arg8[%swap3A_262], %shift_left3A_261 {strides = array<i32>} : memref<256xi32, #tpu.memory_space<vmem>>, vector<16xi32>,
    %get3A_264 = arith.constant 0 : i32
    %get3A_265 = arith.index_cast %get3A_264 : i32 to index
    %get3A_266 = arith.constant 160 : index
    %get3A_267 = tpu.vector_load %arg5[%get3A_265, %get3A_266] {strides = array<i32>} : memref<50x512xi32, #tpu.memory_space<vmem>>, vector<16xi32>,
    %shift_right_logical3A_268 = arith.constant 2 : i32
    %shift_right_logical3A_269 = vector.broadcast %shift_right_logical3A_268 : i32 to vector<16xi32>
    %shift_right_logical3A_270 = arith.shrui %get3A_267, %shift_right_logical3A_269 : vector<16xi32>
    %swap3A_271 = arith.constant 160 : index
    %swap3A_272 = tpu.vector_load %arg6[%swap3A_271] {strides = array<i32>} : memref<256xi32, #tpu.memory_space<vmem>>, vector<16xi32>,
    tpu.vector_store %arg6[%swap3A_271], %shift_right_logical3A_270 {strides = array<i32>} : memref<256xi32, #tpu.memory_space<vmem>>, vector<16xi32>,
    %and3A_273 = arith.constant 3 : i32
    %and3A_274 = vector.broadcast %and3A_273 : i32 to vector<16xi32>
    %and3A_275 = arith.andi %get3A_267, %and3A_274 : vector<16xi32>
    %shift_left3A_276 = arith.constant 5 : i32
    %shift_left3A_277 = vector.broadcast %shift_left3A_276 : i32 to vector<16xi32>
    %shift_left3A_278 = arith.shli %and3A_275, %shift_left3A_277 : vector<16xi32>
    %swap3A_279 = arith.constant 160 : index
    %swap3A_280 = tpu.vector_load %arg8[%swap3A_279] {strides = array<i32>} : memref<256xi32, #tpu.memory_space<vmem>>, vector<16xi32>,
    tpu.vector_store %arg8[%swap3A_279], %shift_left3A_278 {strides = array<i32>} : memref<256xi32, #tpu.memory_space<vmem>>, vector<16xi32>,
    %get3A_281 = arith.constant 0 : i32
    %get3A_282 = arith.index_cast %get3A_281 : i32 to index
    %get3A_283 = arith.constant 176 : index
    %get3A_284 = tpu.vector_load %arg5[%get3A_282, %get3A_283] {strides = array<i32>} : memref<50x512xi32, #tpu.memory_space<vmem>>, vector<16xi32>,
    %shift_right_logical3A_285 = arith.constant 2 : i32
    %shift_right_logical3A_286 = vector.broadcast %shift_right_logical3A_285 : i32 to vector<16xi32>
    %shift_right_logical3A_287 = arith.shrui %get3A_284, %shift_right_logical3A_286 : vector<16xi32>
    %swap3A_288 = arith.constant 176 : index
    %swap3A_289 = tpu.vector_load %arg6[%swap3A_288] {strides = array<i32>} : memref<256xi32, #tpu.memory_space<vmem>>, vector<16xi32>,
    tpu.vector_store %arg6[%swap3A_288], %shift_right_logical3A_287 {strides = array<i32>} : memref<256xi32, #tpu.memory_space<vmem>>, vector<16xi32>,
    %and3A_290 = arith.constant 3 : i32
    %and3A_291 = vector.broadcast %and3A_290 : i32 to vector<16xi32>
    %and3A_292 = arith.andi %get3A_284, %and3A_291 : vector<16xi32>
    %shift_left3A_293 = arith.constant 5 : i32
    %shift_left3A_294 = vector.broadcast %shift_left3A_293 : i32 to vector<16xi32>
    %shift_left3A_295 = arith.shli %and3A_292, %shift_left3A_294 : vector<16xi32>
    %swap3A_296 = arith.constant 176 : index
    %swap3A_297 = tpu.vector_load %arg8[%swap3A_296] {strides = array<i32>} : memref<256xi32, #tpu.memory_space<vmem>>, vector<16xi32>,
    tpu.vector_store %arg8[%swap3A_296], %shift_left3A_295 {strides = array<i32>} : memref<256xi32, #tpu.memory_space<vmem>>, vector<16xi32>,
    %get3A_298 = arith.constant 0 : i32
    %get3A_299 = arith.index_cast %get3A_298 : i32 to index
    %get3A_300 = arith.constant 192 : index
    %get3A_301 = tpu.vector_load %arg5[%get3A_299, %get3A_300] {strides = array<i32>} : memref<50x512xi32, #tpu.memory_space<vmem>>, vector<16xi32>,
    %shift_right_logical3A_302 = arith.constant 2 : i32
    %shift_right_logical3A_303 = vector.broadcast %shift_right_logical3A_302 : i32 to vector<16xi32>
    %shift_right_logical3A_304 = arith.shrui %get3A_301, %shift_right_logical3A_303 : vector<16xi32>
    %swap3A_305 = arith.constant 192 : index
    %swap3A_306 = tpu.vector_load %arg6[%swap3A_305] {strides = array<i32>} : memref<256xi32, #tpu.memory_space<vmem>>, vector<16xi32>,
    tpu.vector_store %arg6[%swap3A_305], %shift_right_logical3A_304 {strides = array<i32>} : memref<256xi32, #tpu.memory_space<vmem>>, vector<16xi32>,
    %and3A_307 = arith.constant 3 : i32
    %and3A_308 = vector.broadcast %and3A_307 : i32 to vector<16xi32>
    %and3A_309 = arith.andi %get3A_301, %and3A_308 : vector<16xi32>
    %shift_left3A_310 = arith.constant 5 : i32
    %shift_left3A_311 = vector.broadcast %shift_left3A_310 : i32 to vector<16xi32>
    %shift_left3A_312 = arith.shli %and3A_309, %shift_left3A_311 : vector<16xi32>
    %swap3A_313 = arith.constant 192 : index
    %swap3A_314 = tpu.vector_load %arg8[%swap3A_313] {strides = array<i32>} : memref<256xi32, #tpu.memory_space<vmem>>, vector<16xi32>,
    tpu.vector_store %arg8[%swap3A_313], %shift_left3A_312 {strides = array<i32>} : memref<256xi32, #tpu.memory_space<vmem>>, vector<16xi32>,
    %get3A_315 = arith.constant 0 : i32
    %get3A_316 = arith.index_cast %get3A_315 : i32 to index
    %get3A_317 = arith.constant 208 : index
    %get3A_318 = tpu.vector_load %arg5[%get3A_316, %get3A_317] {strides = array<i32>} : memref<50x512xi32, #tpu.memory_space<vmem>>, vector<16xi32>,
    %shift_right_logical3A_319 = arith.constant 2 : i32
    %shift_right_logical3A_320 = vector.broadcast %shift_right_logical3A_319 : i32 to vector<16xi32>
    %shift_right_logical3A_321 = arith.shrui %get3A_318, %shift_right_logical3A_320 : vector<16xi32>
    %swap3A_322 = arith.constant 208 : index
    %swap3A_323 = tpu.vector_load %arg6[%swap3A_322] {strides = array<i32>} : memref<256xi32, #tpu.memory_space<vmem>>, vector<16xi32>,
    tpu.vector_store %arg6[%swap3A_322], %shift_right_logical3A_321 {strides = array<i32>} : memref<256xi32, #tpu.memory_space<vmem>>, vector<16xi32>,
    %and3A_324 = arith.constant 3 : i32
    %and3A_325 = vector.broadcast %and3A_324 : i32 to vector<16xi32>
    %and3A_326 = arith.andi %get3A_318, %and3A_325 : vector<16xi32>
    %shift_left3A_327 = arith.constant 5 : i32
    %shift_left3A_328 = vector.broadcast %shift_left3A_327 : i32 to vector<16xi32>
    %shift_left3A_329 = arith.shli %and3A_326, %shift_left3A_328 : vector<16xi32>
    %swap3A_330 = arith.constant 208 : index
    %swap3A_331 = tpu.vector_load %arg8[%swap3A_330] {strides = array<i32>} : memref<256xi32, #tpu.memory_space<vmem>>, vector<16xi32>,
    tpu.vector_store %arg8[%swap3A_330], %shift_left3A_329 {strides = array<i32>} : memref<256xi32, #tpu.memory_space<vmem>>, vector<16xi32>,
    %get3A_332 = arith.constant 0 : i32
    %get3A_333 = arith.index_cast %get3A_332 : i32 to index
    %get3A_334 = arith.constant 224 : index
    %get3A_335 = tpu.vector_load %arg5[%get3A_333, %get3A_334] {strides = array<i32>} : memref<50x512xi32, #tpu.memory_space<vmem>>, vector<16xi32>,
    %shift_right_logical3A_336 = arith.constant 2 : i32
    %shift_right_logical3A_337 = vector.broadcast %shift_right_logical3A_336 : i32 to vector<16xi32>
    %shift_right_logical3A_338 = arith.shrui %get3A_335, %shift_right_logical3A_337 : vector<16xi32>
    %swap3A_339 = arith.constant 224 : index
    %swap3A_340 = tpu.vector_load %arg6[%swap3A_339] {strides = array<i32>} : memref<256xi32, #tpu.memory_space<vmem>>, vector<16xi32>,
    tpu.vector_store %arg6[%swap3A_339], %shift_right_logical3A_338 {strides = array<i32>} : memref<256xi32, #tpu.memory_space<vmem>>, vector<16xi32>,
    %and3A_341 = arith.constant 3 : i32
    %and3A_342 = vector.broadcast %and3A_341 : i32 to vector<16xi32>
    %and3A_343 = arith.andi %get3A_335, %and3A_342 : vector<16xi32>
    %shift_left3A_344 = arith.constant 5 : i32
    %shift_left3A_345 = vector.broadcast %shift_left3A_344 : i32 to vector<16xi32>
    %shift_left3A_346 = arith.shli %and3A_343, %shift_left3A_345 : vector<16xi32>
    %swap3A_347 = arith.constant 224 : index
    %swap3A_348 = tpu.vector_load %arg8[%swap3A_347] {strides = array<i32>} : memref<256xi32, #tpu.memory_space<vmem>>, vector<16xi32>,
    tpu.vector_store %arg8[%swap3A_347], %shift_left3A_346 {strides = array<i32>} : memref<256xi32, #tpu.memory_space<vmem>>, vector<16xi32>,
    %get3A_349 = arith.constant 0 : i32
    %get3A_350 = arith.index_cast %get3A_349 : i32 to index
    %get3A_351 = arith.constant 240 : index
    %get3A_352 = tpu.vector_load %arg5[%get3A_350, %get3A_351] {strides = array<i32>} : memref<50x512xi32, #tpu.memory_space<vmem>>, vector<16xi32>,
    %shift_right_logical3A_353 = arith.constant 2 : i32
    %shift_right_logical3A_354 = vector.broadcast %shift_right_logical3A_353 : i32 to vector<16xi32>
    %shift_right_logical3A_355 = arith.shrui %get3A_352, %shift_right_logical3A_354 : vector<16xi32>
    %swap3A_356 = arith.constant 240 : index
    %swap3A_357 = tpu.vector_load %arg6[%swap3A_356] {strides = array<i32>} : memref<256xi32, #tpu.memory_space<vmem>>, vector<16xi32>,
    tpu.vector_store %arg6[%swap3A_356], %shift_right_logical3A_355 {strides = array<i32>} : memref<256xi32, #tpu.memory_space<vmem>>, vector<16xi32>,
    %and3A_358 = arith.constant 3 : i32
    %and3A_359 = vector.broadcast %and3A_358 : i32 to vector<16xi32>
    %and3A_360 = arith.andi %get3A_352, %and3A_359 : vector<16xi32>
    %shift_left3A_361 = arith.constant 5 : i32
    %shift_left3A_362 = vector.broadcast %shift_left3A_361 : i32 to vector<16xi32>
    %shift_left3A_363 = arith.shli %and3A_360, %shift_left3A_362 : vector<16xi32>
    %swap3A_364 = arith.constant 240 : index
    %swap3A_365 = tpu.vector_load %arg8[%swap3A_364] {strides = array<i32>} : memref<256xi32, #tpu.memory_space<vmem>>, vector<16xi32>,
    tpu.vector_store %arg8[%swap3A_364], %shift_left3A_363 {strides = array<i32>} : memref<256xi32, #tpu.memory_space<vmem>>, vector<16xi32>,
    %dma_start3A = arith.constant 0 : i32
    %dma_start3A_366 = arith.constant 0 : i32
    %dma_start3A_367 = tpu.memref_slice %arg2[%dma_start3A, %dma_start3A_366] : memref<250000x128xf32, #tpu.memory_space<hbm>> -> memref<250000x128xf32, #tpu.memory_space<hbm>>
    tpu.enqueue_indirect_dma source(%dma_start3A_367 : memref<250000x128xf32, #tpu.memory_space<hbm>>) target(%arg10 : memref<256x128xf32, #tpu.memory_space<vmem>>) offsets(%arg6 : memref<256xi32, #tpu.memory_space<vmem>>) semaphore(%arg14 : memref<!tpu.dma_semaphore, #tpu.memory_space<semaphore_mem>>)
    %scan3A = arith.constant 0 : i32
    %scan3A_368 = arith.constant 0 : i32
    %scan3A_369 = arith.constant 50 : i32
    %scan3A_370 = arith.addi %scan3A_368, %scan3A_369 : i32
    %scan3A_371 = arith.constant 1 : i32
    scf.for %scan3A_390 = %scan3A_368 to %scan3A_370 step %scan3A_371  : i32 {
      %mul3A_391 = arith.constant 2 : i32
      %mul3A_392 = arith.muli %mul3A_391, %scan3A_390 : i32
      %add3A_393 = arith.constant 1 : i32
      %add3A_394 = arith.addi %mul3A_392, %add3A_393 : i32
      %jit3A = arith.constant 2 : i32
      %div3A = arith.divsi %add3A_394, %jit3A : i32
      %sign3A = arith.constant 0 : i32
      %sign3A_395 = arith.cmpi sgt, %add3A_394, %sign3A : i32
      %sign3A_396 = arith.extui %sign3A_395 : i1 to i32
      %sign3A_397 = arith.constant 0 : i32
      %sign3A_398 = arith.cmpi slt, %add3A_394, %sign3A_397 : i32
      %sign3A_399 = arith.extui %sign3A_398 : i1 to i32
      %sign3A_400 = arith.subi %sign3A_396, %sign3A_399 : i32
      %sign3A_401 = arith.constant 0 : i32
      %sign3A_402 = arith.cmpi sgt, %jit3A, %sign3A_401 : i32
      %sign3A_403 = arith.extui %sign3A_402 : i1 to i32
      %sign3A_404 = arith.constant 0 : i32
      %sign3A_405 = arith.cmpi slt, %jit3A, %sign3A_404 : i32
      %sign3A_406 = arith.extui %sign3A_405 : i1 to i32
      %sign3A_407 = arith.subi %sign3A_403, %sign3A_406 : i32
      %ne3A = arith.cmpi ne, %sign3A_400, %sign3A_407 : i32
      %rem3A = arith.remsi %add3A_394, %jit3A : i32
      %ne3A_408 = arith.constant 0 : i32
      %ne3A_409 = arith.cmpi ne, %rem3A, %ne3A_408 : i32
      %and3A_410 = arith.andi %ne3A, %ne3A_409 : i1
      %sub3A = arith.constant 1 : i32
      %sub3A_411 = arith.subi %div3A, %sub3A : i32
      %select_n3A = arith.select %and3A_410, %sub3A_411, %div3A : i32
      %jit3A_412 = arith.constant 2 : i32
      %eq3A = arith.constant 0 : i32
      %eq3A_413 = arith.cmpi eq, %jit3A_412, %eq3A : i32
      %jit3A_414 = arith.constant 1 : i32
      %select_n3A_415 = arith.select %eq3A_413, %jit3A_414, %jit3A_412 : i32
      %rem3A_416 = arith.remsi %add3A_394, %select_n3A_415 : i32
      %ne3A_417 = arith.constant 0 : i32
      %ne3A_418 = arith.cmpi ne, %rem3A_416, %ne3A_417 : i32
      %lt3A = arith.constant 0 : i32
      %lt3A_419 = arith.cmpi slt, %rem3A_416, %lt3A : i32
      %lt3A_420 = arith.constant 0 : i32
      %lt3A_421 = arith.cmpi slt, %select_n3A_415, %lt3A_420 : i32
      %ne3A_422 = arith.xori %lt3A_419, %lt3A_421 : i1
      %and3A_423 = arith.andi %ne3A_422, %ne3A_418 : i1
      %add3A_424 = arith.addi %rem3A_416, %select_n3A_415 : i32
      %select_n3A_425 = arith.select %and3A_423, %add3A_424, %rem3A_416 : i32
      %mul3A_426 = arith.constant 256 : i32
      %mul3A_427 = arith.muli %select_n3A_425, %mul3A_426 : i32
      %add3A_428 = arith.constant 0 : i32
      %add3A_429 = arith.addi %mul3A_427, %add3A_428 : i32
      %get3A_430 = arith.index_cast %select_n3A : i32 to index
      %get3A_431 = arith.index_cast %add3A_429 : i32 to index
      %get3A_432 = tpu.vector_load %arg5[%get3A_430, %get3A_431] {strides = array<i32>} : memref<50x512xi32, #tpu.memory_space<vmem>>, vector<16xi32>,
      %shift_right_logical3A_433 = arith.constant 2 : i32
      %shift_right_logical3A_434 = vector.broadcast %shift_right_logical3A_433 : i32 to vector<16xi32>
      %shift_right_logical3A_435 = arith.shrui %get3A_432, %shift_right_logical3A_434 : vector<16xi32>
      %swap3A_436 = arith.constant 0 : index
      %swap3A_437 = tpu.vector_load %arg7[%swap3A_436] {strides = array<i32>} : memref<256xi32, #tpu.memory_space<vmem>>, vector<16xi32>,
      tpu.vector_store %arg7[%swap3A_436], %shift_right_logical3A_435 {strides = array<i32>} : memref<256xi32, #tpu.memory_space<vmem>>, vector<16xi32>,
      %and3A_438 = arith.constant 3 : i32
      %and3A_439 = vector.broadcast %and3A_438 : i32 to vector<16xi32>
      %and3A_440 = arith.andi %get3A_432, %and3A_439 : vector<16xi32>
      %shift_left3A_441 = arith.constant 5 : i32
      %shift_left3A_442 = vector.broadcast %shift_left3A_441 : i32 to vector<16xi32>
      %shift_left3A_443 = arith.shli %and3A_440, %shift_left3A_442 : vector<16xi32>
      %swap3A_444 = arith.constant 0 : index
      %swap3A_445 = tpu.vector_load %arg9[%swap3A_444] {strides = array<i32>} : memref<256xi32, #tpu.memory_space<vmem>>, vector<16xi32>,
      tpu.vector_store %arg9[%swap3A_444], %shift_left3A_443 {strides = array<i32>} : memref<256xi32, #tpu.memory_space<vmem>>, vector<16xi32>,
      %mul3A_446 = arith.constant 256 : i32
      %mul3A_447 = arith.muli %select_n3A_425, %mul3A_446 : i32
      %add3A_448 = arith.constant 16 : i32
      %add3A_449 = arith.addi %mul3A_447, %add3A_448 : i32
      %get3A_450 = arith.index_cast %select_n3A : i32 to index
      %get3A_451 = arith.index_cast %add3A_449 : i32 to index
      %get3A_452 = tpu.vector_load %arg5[%get3A_450, %get3A_451] {strides = array<i32>} : memref<50x512xi32, #tpu.memory_space<vmem>>, vector<16xi32>,
      %shift_right_logical3A_453 = arith.constant 2 : i32
      %shift_right_logical3A_454 = vector.broadcast %shift_right_logical3A_453 : i32 to vector<16xi32>
      %shift_right_logical3A_455 = arith.shrui %get3A_452, %shift_right_logical3A_454 : vector<16xi32>
      %swap3A_456 = arith.constant 16 : index
      %swap3A_457 = tpu.vector_load %arg7[%swap3A_456] {strides = array<i32>} : memref<256xi32, #tpu.memory_space<vmem>>, vector<16xi32>,
      tpu.vector_store %arg7[%swap3A_456], %shift_right_logical3A_455 {strides = array<i32>} : memref<256xi32, #tpu.memory_space<vmem>>, vector<16xi32>,
      %and3A_458 = arith.constant 3 : i32
      %and3A_459 = vector.broadcast %and3A_458 : i32 to vector<16xi32>
      %and3A_460 = arith.andi %get3A_452, %and3A_459 : vector<16xi32>
      %shift_left3A_461 = arith.constant 5 : i32
      %shift_left3A_462 = vector.broadcast %shift_left3A_461 : i32 to vector<16xi32>
      %shift_left3A_463 = arith.shli %and3A_460, %shift_left3A_462 : vector<16xi32>
      %swap3A_464 = arith.constant 16 : index
      %swap3A_465 = tpu.vector_load %arg9[%swap3A_464] {strides = array<i32>} : memref<256xi32, #tpu.memory_space<vmem>>, vector<16xi32>,
      tpu.vector_store %arg9[%swap3A_464], %shift_left3A_463 {strides = array<i32>} : memref<256xi32, #tpu.memory_space<vmem>>, vector<16xi32>,
      %mul3A_466 = arith.constant 256 : i32
      %mul3A_467 = arith.muli %select_n3A_425, %mul3A_466 : i32
      %add3A_468 = arith.constant 32 : i32
      %add3A_469 = arith.addi %mul3A_467, %add3A_468 : i32
      %get3A_470 = arith.index_cast %select_n3A : i32 to index
      %get3A_471 = arith.index_cast %add3A_469 : i32 to index
      %get3A_472 = tpu.vector_load %arg5[%get3A_470, %get3A_471] {strides = array<i32>} : memref<50x512xi32, #tpu.memory_space<vmem>>, vector<16xi32>,
      %shift_right_logical3A_473 = arith.constant 2 : i32
      %shift_right_logical3A_474 = vector.broadcast %shift_right_logical3A_473 : i32 to vector<16xi32>
      %shift_right_logical3A_475 = arith.shrui %get3A_472, %shift_right_logical3A_474 : vector<16xi32>
      %swap3A_476 = arith.constant 32 : index
      %swap3A_477 = tpu.vector_load %arg7[%swap3A_476] {strides = array<i32>} : memref<256xi32, #tpu.memory_space<vmem>>, vector<16xi32>,
      tpu.vector_store %arg7[%swap3A_476], %shift_right_logical3A_475 {strides = array<i32>} : memref<256xi32, #tpu.memory_space<vmem>>, vector<16xi32>,
      %and3A_478 = arith.constant 3 : i32
      %and3A_479 = vector.broadcast %and3A_478 : i32 to vector<16xi32>
      %and3A_480 = arith.andi %get3A_472, %and3A_479 : vector<16xi32>
      %shift_left3A_481 = arith.constant 5 : i32
      %shift_left3A_482 = vector.broadcast %shift_left3A_481 : i32 to vector<16xi32>
      %shift_left3A_483 = arith.shli %and3A_480, %shift_left3A_482 : vector<16xi32>
      %swap3A_484 = arith.constant 32 : index
      %swap3A_485 = tpu.vector_load %arg9[%swap3A_484] {strides = array<i32>} : memref<256xi32, #tpu.memory_space<vmem>>, vector<16xi32>,
      tpu.vector_store %arg9[%swap3A_484], %shift_left3A_483 {strides = array<i32>} : memref<256xi32, #tpu.memory_space<vmem>>, vector<16xi32>,
      %mul3A_486 = arith.constant 256 : i32
      %mul3A_487 = arith.muli %select_n3A_425, %mul3A_486 : i32
      %add3A_488 = arith.constant 48 : i32
      %add3A_489 = arith.addi %mul3A_487, %add3A_488 : i32
      %get3A_490 = arith.index_cast %select_n3A : i32 to index
      %get3A_491 = arith.index_cast %add3A_489 : i32 to index
      %get3A_492 = tpu.vector_load %arg5[%get3A_490, %get3A_491] {strides = array<i32>} : memref<50x512xi32, #tpu.memory_space<vmem>>, vector<16xi32>,
      %shift_right_logical3A_493 = arith.constant 2 : i32
      %shift_right_logical3A_494 = vector.broadcast %shift_right_logical3A_493 : i32 to vector<16xi32>
      %shift_right_logical3A_495 = arith.shrui %get3A_492, %shift_right_logical3A_494 : vector<16xi32>
      %swap3A_496 = arith.constant 48 : index
      %swap3A_497 = tpu.vector_load %arg7[%swap3A_496] {strides = array<i32>} : memref<256xi32, #tpu.memory_space<vmem>>, vector<16xi32>,
      tpu.vector_store %arg7[%swap3A_496], %shift_right_logical3A_495 {strides = array<i32>} : memref<256xi32, #tpu.memory_space<vmem>>, vector<16xi32>,
      %and3A_498 = arith.constant 3 : i32
      %and3A_499 = vector.broadcast %and3A_498 : i32 to vector<16xi32>
      %and3A_500 = arith.andi %get3A_492, %and3A_499 : vector<16xi32>
      %shift_left3A_501 = arith.constant 5 : i32
      %shift_left3A_502 = vector.broadcast %shift_left3A_501 : i32 to vector<16xi32>
      %shift_left3A_503 = arith.shli %and3A_500, %shift_left3A_502 : vector<16xi32>
      %swap3A_504 = arith.constant 48 : index
      %swap3A_505 = tpu.vector_load %arg9[%swap3A_504] {strides = array<i32>} : memref<256xi32, #tpu.memory_space<vmem>>, vector<16xi32>,
      tpu.vector_store %arg9[%swap3A_504], %shift_left3A_503 {strides = array<i32>} : memref<256xi32, #tpu.memory_space<vmem>>, vector<16xi32>,
      %mul3A_506 = arith.constant 256 : i32
      %mul3A_507 = arith.muli %select_n3A_425, %mul3A_506 : i32
      %add3A_508 = arith.constant 64 : i32
      %add3A_509 = arith.addi %mul3A_507, %add3A_508 : i32
      %get3A_510 = arith.index_cast %select_n3A : i32 to index
      %get3A_511 = arith.index_cast %add3A_509 : i32 to index
      %get3A_512 = tpu.vector_load %arg5[%get3A_510, %get3A_511] {strides = array<i32>} : memref<50x512xi32, #tpu.memory_space<vmem>>, vector<16xi32>,
      %shift_right_logical3A_513 = arith.constant 2 : i32
      %shift_right_logical3A_514 = vector.broadcast %shift_right_logical3A_513 : i32 to vector<16xi32>
      %shift_right_logical3A_515 = arith.shrui %get3A_512, %shift_right_logical3A_514 : vector<16xi32>
      %swap3A_516 = arith.constant 64 : index
      %swap3A_517 = tpu.vector_load %arg7[%swap3A_516] {strides = array<i32>} : memref<256xi32, #tpu.memory_space<vmem>>, vector<16xi32>,
      tpu.vector_store %arg7[%swap3A_516], %shift_right_logical3A_515 {strides = array<i32>} : memref<256xi32, #tpu.memory_space<vmem>>, vector<16xi32>,
      %and3A_518 = arith.constant 3 : i32
      %and3A_519 = vector.broadcast %and3A_518 : i32 to vector<16xi32>
      %and3A_520 = arith.andi %get3A_512, %and3A_519 : vector<16xi32>
      %shift_left3A_521 = arith.constant 5 : i32
      %shift_left3A_522 = vector.broadcast %shift_left3A_521 : i32 to vector<16xi32>
      %shift_left3A_523 = arith.shli %and3A_520, %shift_left3A_522 : vector<16xi32>
      %swap3A_524 = arith.constant 64 : index
      %swap3A_525 = tpu.vector_load %arg9[%swap3A_524] {strides = array<i32>} : memref<256xi32, #tpu.memory_space<vmem>>, vector<16xi32>,
      tpu.vector_store %arg9[%swap3A_524], %shift_left3A_523 {strides = array<i32>} : memref<256xi32, #tpu.memory_space<vmem>>, vector<16xi32>,
      %mul3A_526 = arith.constant 256 : i32
      %mul3A_527 = arith.muli %select_n3A_425, %mul3A_526 : i32
      %add3A_528 = arith.constant 80 : i32
      %add3A_529 = arith.addi %mul3A_527, %add3A_528 : i32
      %get3A_530 = arith.index_cast %select_n3A : i32 to index
      %get3A_531 = arith.index_cast %add3A_529 : i32 to index
      %get3A_532 = tpu.vector_load %arg5[%get3A_530, %get3A_531] {strides = array<i32>} : memref<50x512xi32, #tpu.memory_space<vmem>>, vector<16xi32>,
      %shift_right_logical3A_533 = arith.constant 2 : i32
      %shift_right_logical3A_534 = vector.broadcast %shift_right_logical3A_533 : i32 to vector<16xi32>
      %shift_right_logical3A_535 = arith.shrui %get3A_532, %shift_right_logical3A_534 : vector<16xi32>
      %swap3A_536 = arith.constant 80 : index
      %swap3A_537 = tpu.vector_load %arg7[%swap3A_536] {strides = array<i32>} : memref<256xi32, #tpu.memory_space<vmem>>, vector<16xi32>,
      tpu.vector_store %arg7[%swap3A_536], %shift_right_logical3A_535 {strides = array<i32>} : memref<256xi32, #tpu.memory_space<vmem>>, vector<16xi32>,
      %and3A_538 = arith.constant 3 : i32
      %and3A_539 = vector.broadcast %and3A_538 : i32 to vector<16xi32>
      %and3A_540 = arith.andi %get3A_532, %and3A_539 : vector<16xi32>
      %shift_left3A_541 = arith.constant 5 : i32
      %shift_left3A_542 = vector.broadcast %shift_left3A_541 : i32 to vector<16xi32>
      %shift_left3A_543 = arith.shli %and3A_540, %shift_left3A_542 : vector<16xi32>
      %swap3A_544 = arith.constant 80 : index
      %swap3A_545 = tpu.vector_load %arg9[%swap3A_544] {strides = array<i32>} : memref<256xi32, #tpu.memory_space<vmem>>, vector<16xi32>,
      tpu.vector_store %arg9[%swap3A_544], %shift_left3A_543 {strides = array<i32>} : memref<256xi32, #tpu.memory_space<vmem>>, vector<16xi32>,
      %mul3A_546 = arith.constant 256 : i32
      %mul3A_547 = arith.muli %select_n3A_425, %mul3A_546 : i32
      %add3A_548 = arith.constant 96 : i32
      %add3A_549 = arith.addi %mul3A_547, %add3A_548 : i32
      %get3A_550 = arith.index_cast %select_n3A : i32 to index
      %get3A_551 = arith.index_cast %add3A_549 : i32 to index
      %get3A_552 = tpu.vector_load %arg5[%get3A_550, %get3A_551] {strides = array<i32>} : memref<50x512xi32, #tpu.memory_space<vmem>>, vector<16xi32>,
      %shift_right_logical3A_553 = arith.constant 2 : i32
      %shift_right_logical3A_554 = vector.broadcast %shift_right_logical3A_553 : i32 to vector<16xi32>
      %shift_right_logical3A_555 = arith.shrui %get3A_552, %shift_right_logical3A_554 : vector<16xi32>
      %swap3A_556 = arith.constant 96 : index
      %swap3A_557 = tpu.vector_load %arg7[%swap3A_556] {strides = array<i32>} : memref<256xi32, #tpu.memory_space<vmem>>, vector<16xi32>,
      tpu.vector_store %arg7[%swap3A_556], %shift_right_logical3A_555 {strides = array<i32>} : memref<256xi32, #tpu.memory_space<vmem>>, vector<16xi32>,
      %and3A_558 = arith.constant 3 : i32
      %and3A_559 = vector.broadcast %and3A_558 : i32 to vector<16xi32>
      %and3A_560 = arith.andi %get3A_552, %and3A_559 : vector<16xi32>
      %shift_left3A_561 = arith.constant 5 : i32
      %shift_left3A_562 = vector.broadcast %shift_left3A_561 : i32 to vector<16xi32>
      %shift_left3A_563 = arith.shli %and3A_560, %shift_left3A_562 : vector<16xi32>
      %swap3A_564 = arith.constant 96 : index
      %swap3A_565 = tpu.vector_load %arg9[%swap3A_564] {strides = array<i32>} : memref<256xi32, #tpu.memory_space<vmem>>, vector<16xi32>,
      tpu.vector_store %arg9[%swap3A_564], %shift_left3A_563 {strides = array<i32>} : memref<256xi32, #tpu.memory_space<vmem>>, vector<16xi32>,
      %mul3A_566 = arith.constant 256 : i32
      %mul3A_567 = arith.muli %select_n3A_425, %mul3A_566 : i32
      %add3A_568 = arith.constant 112 : i32
      %add3A_569 = arith.addi %mul3A_567, %add3A_568 : i32
      %get3A_570 = arith.index_cast %select_n3A : i32 to index
      %get3A_571 = arith.index_cast %add3A_569 : i32 to index
      %get3A_572 = tpu.vector_load %arg5[%get3A_570, %get3A_571] {strides = array<i32>} : memref<50x512xi32, #tpu.memory_space<vmem>>, vector<16xi32>,
      %shift_right_logical3A_573 = arith.constant 2 : i32
      %shift_right_logical3A_574 = vector.broadcast %shift_right_logical3A_573 : i32 to vector<16xi32>
      %shift_right_logical3A_575 = arith.shrui %get3A_572, %shift_right_logical3A_574 : vector<16xi32>
      %swap3A_576 = arith.constant 112 : index
      %swap3A_577 = tpu.vector_load %arg7[%swap3A_576] {strides = array<i32>} : memref<256xi32, #tpu.memory_space<vmem>>, vector<16xi32>,
      tpu.vector_store %arg7[%swap3A_576], %shift_right_logical3A_575 {strides = array<i32>} : memref<256xi32, #tpu.memory_space<vmem>>, vector<16xi32>,
      %and3A_578 = arith.constant 3 : i32
      %and3A_579 = vector.broadcast %and3A_578 : i32 to vector<16xi32>
      %and3A_580 = arith.andi %get3A_572, %and3A_579 : vector<16xi32>
      %shift_left3A_581 = arith.constant 5 : i32
      %shift_left3A_582 = vector.broadcast %shift_left3A_581 : i32 to vector<16xi32>
      %shift_left3A_583 = arith.shli %and3A_580, %shift_left3A_582 : vector<16xi32>
      %swap3A_584 = arith.constant 112 : index
      %swap3A_585 = tpu.vector_load %arg9[%swap3A_584] {strides = array<i32>} : memref<256xi32, #tpu.memory_space<vmem>>, vector<16xi32>,
      tpu.vector_store %arg9[%swap3A_584], %shift_left3A_583 {strides = array<i32>} : memref<256xi32, #tpu.memory_space<vmem>>, vector<16xi32>,
      %mul3A_586 = arith.constant 256 : i32
      %mul3A_587 = arith.muli %select_n3A_425, %mul3A_586 : i32
      %add3A_588 = arith.constant 128 : i32
      %add3A_589 = arith.addi %mul3A_587, %add3A_588 : i32
      %get3A_590 = arith.index_cast %select_n3A : i32 to index
      %get3A_591 = arith.index_cast %add3A_589 : i32 to index
      %get3A_592 = tpu.vector_load %arg5[%get3A_590, %get3A_591] {strides = array<i32>} : memref<50x512xi32, #tpu.memory_space<vmem>>, vector<16xi32>,
      %shift_right_logical3A_593 = arith.constant 2 : i32
      %shift_right_logical3A_594 = vector.broadcast %shift_right_logical3A_593 : i32 to vector<16xi32>
      %shift_right_logical3A_595 = arith.shrui %get3A_592, %shift_right_logical3A_594 : vector<16xi32>
      %swap3A_596 = arith.constant 128 : index
      %swap3A_597 = tpu.vector_load %arg7[%swap3A_596] {strides = array<i32>} : memref<256xi32, #tpu.memory_space<vmem>>, vector<16xi32>,
      tpu.vector_store %arg7[%swap3A_596], %shift_right_logical3A_595 {strides = array<i32>} : memref<256xi32, #tpu.memory_space<vmem>>, vector<16xi32>,
      %and3A_598 = arith.constant 3 : i32
      %and3A_599 = vector.broadcast %and3A_598 : i32 to vector<16xi32>
      %and3A_600 = arith.andi %get3A_592, %and3A_599 : vector<16xi32>
      %shift_left3A_601 = arith.constant 5 : i32
      %shift_left3A_602 = vector.broadcast %shift_left3A_601 : i32 to vector<16xi32>
      %shift_left3A_603 = arith.shli %and3A_600, %shift_left3A_602 : vector<16xi32>
      %swap3A_604 = arith.constant 128 : index
      %swap3A_605 = tpu.vector_load %arg9[%swap3A_604] {strides = array<i32>} : memref<256xi32, #tpu.memory_space<vmem>>, vector<16xi32>,
      tpu.vector_store %arg9[%swap3A_604], %shift_left3A_603 {strides = array<i32>} : memref<256xi32, #tpu.memory_space<vmem>>, vector<16xi32>,
      %mul3A_606 = arith.constant 256 : i32
      %mul3A_607 = arith.muli %select_n3A_425, %mul3A_606 : i32
      %add3A_608 = arith.constant 144 : i32
      %add3A_609 = arith.addi %mul3A_607, %add3A_608 : i32
      %get3A_610 = arith.index_cast %select_n3A : i32 to index
      %get3A_611 = arith.index_cast %add3A_609 : i32 to index
      %get3A_612 = tpu.vector_load %arg5[%get3A_610, %get3A_611] {strides = array<i32>} : memref<50x512xi32, #tpu.memory_space<vmem>>, vector<16xi32>,
      %shift_right_logical3A_613 = arith.constant 2 : i32
      %shift_right_logical3A_614 = vector.broadcast %shift_right_logical3A_613 : i32 to vector<16xi32>
      %shift_right_logical3A_615 = arith.shrui %get3A_612, %shift_right_logical3A_614 : vector<16xi32>
      %swap3A_616 = arith.constant 144 : index
      %swap3A_617 = tpu.vector_load %arg7[%swap3A_616] {strides = array<i32>} : memref<256xi32, #tpu.memory_space<vmem>>, vector<16xi32>,
      tpu.vector_store %arg7[%swap3A_616], %shift_right_logical3A_615 {strides = array<i32>} : memref<256xi32, #tpu.memory_space<vmem>>, vector<16xi32>,
      %and3A_618 = arith.constant 3 : i32
      %and3A_619 = vector.broadcast %and3A_618 : i32 to vector<16xi32>
      %and3A_620 = arith.andi %get3A_612, %and3A_619 : vector<16xi32>
      %shift_left3A_621 = arith.constant 5 : i32
      %shift_left3A_622 = vector.broadcast %shift_left3A_621 : i32 to vector<16xi32>
      %shift_left3A_623 = arith.shli %and3A_620, %shift_left3A_622 : vector<16xi32>
      %swap3A_624 = arith.constant 144 : index
      %swap3A_625 = tpu.vector_load %arg9[%swap3A_624] {strides = array<i32>} : memref<256xi32, #tpu.memory_space<vmem>>, vector<16xi32>,
      tpu.vector_store %arg9[%swap3A_624], %shift_left3A_623 {strides = array<i32>} : memref<256xi32, #tpu.memory_space<vmem>>, vector<16xi32>,
      %mul3A_626 = arith.constant 256 : i32
      %mul3A_627 = arith.muli %select_n3A_425, %mul3A_626 : i32
      %add3A_628 = arith.constant 160 : i32
      %add3A_629 = arith.addi %mul3A_627, %add3A_628 : i32
      %get3A_630 = arith.index_cast %select_n3A : i32 to index
      %get3A_631 = arith.index_cast %add3A_629 : i32 to index
      %get3A_632 = tpu.vector_load %arg5[%get3A_630, %get3A_631] {strides = array<i32>} : memref<50x512xi32, #tpu.memory_space<vmem>>, vector<16xi32>,
      %shift_right_logical3A_633 = arith.constant 2 : i32
      %shift_right_logical3A_634 = vector.broadcast %shift_right_logical3A_633 : i32 to vector<16xi32>
      %shift_right_logical3A_635 = arith.shrui %get3A_632, %shift_right_logical3A_634 : vector<16xi32>
      %swap3A_636 = arith.constant 160 : index
      %swap3A_637 = tpu.vector_load %arg7[%swap3A_636] {strides = array<i32>} : memref<256xi32, #tpu.memory_space<vmem>>, vector<16xi32>,
      tpu.vector_store %arg7[%swap3A_636], %shift_right_logical3A_635 {strides = array<i32>} : memref<256xi32, #tpu.memory_space<vmem>>, vector<16xi32>,
      %and3A_638 = arith.constant 3 : i32
      %and3A_639 = vector.broadcast %and3A_638 : i32 to vector<16xi32>
      %and3A_640 = arith.andi %get3A_632, %and3A_639 : vector<16xi32>
      %shift_left3A_641 = arith.constant 5 : i32
      %shift_left3A_642 = vector.broadcast %shift_left3A_641 : i32 to vector<16xi32>
      %shift_left3A_643 = arith.shli %and3A_640, %shift_left3A_642 : vector<16xi32>
      %swap3A_644 = arith.constant 160 : index
      %swap3A_645 = tpu.vector_load %arg9[%swap3A_644] {strides = array<i32>} : memref<256xi32, #tpu.memory_space<vmem>>, vector<16xi32>,
      tpu.vector_store %arg9[%swap3A_644], %shift_left3A_643 {strides = array<i32>} : memref<256xi32, #tpu.memory_space<vmem>>, vector<16xi32>,
      %mul3A_646 = arith.constant 256 : i32
      %mul3A_647 = arith.muli %select_n3A_425, %mul3A_646 : i32
      %add3A_648 = arith.constant 176 : i32
      %add3A_649 = arith.addi %mul3A_647, %add3A_648 : i32
      %get3A_650 = arith.index_cast %select_n3A : i32 to index
      %get3A_651 = arith.index_cast %add3A_649 : i32 to index
      %get3A_652 = tpu.vector_load %arg5[%get3A_650, %get3A_651] {strides = array<i32>} : memref<50x512xi32, #tpu.memory_space<vmem>>, vector<16xi32>,
      %shift_right_logical3A_653 = arith.constant 2 : i32
      %shift_right_logical3A_654 = vector.broadcast %shift_right_logical3A_653 : i32 to vector<16xi32>
      %shift_right_logical3A_655 = arith.shrui %get3A_652, %shift_right_logical3A_654 : vector<16xi32>
      %swap3A_656 = arith.constant 176 : index
      %swap3A_657 = tpu.vector_load %arg7[%swap3A_656] {strides = array<i32>} : memref<256xi32, #tpu.memory_space<vmem>>, vector<16xi32>,
      tpu.vector_store %arg7[%swap3A_656], %shift_right_logical3A_655 {strides = array<i32>} : memref<256xi32, #tpu.memory_space<vmem>>, vector<16xi32>,
      %and3A_658 = arith.constant 3 : i32
      %and3A_659 = vector.broadcast %and3A_658 : i32 to vector<16xi32>
      %and3A_660 = arith.andi %get3A_652, %and3A_659 : vector<16xi32>
      %shift_left3A_661 = arith.constant 5 : i32
      %shift_left3A_662 = vector.broadcast %shift_left3A_661 : i32 to vector<16xi32>
      %shift_left3A_663 = arith.shli %and3A_660, %shift_left3A_662 : vector<16xi32>
      %swap3A_664 = arith.constant 176 : index
      %swap3A_665 = tpu.vector_load %arg9[%swap3A_664] {strides = array<i32>} : memref<256xi32, #tpu.memory_space<vmem>>, vector<16xi32>,
      tpu.vector_store %arg9[%swap3A_664], %shift_left3A_663 {strides = array<i32>} : memref<256xi32, #tpu.memory_space<vmem>>, vector<16xi32>,
      %mul3A_666 = arith.constant 256 : i32
      %mul3A_667 = arith.muli %select_n3A_425, %mul3A_666 : i32
      %add3A_668 = arith.constant 192 : i32
      %add3A_669 = arith.addi %mul3A_667, %add3A_668 : i32
      %get3A_670 = arith.index_cast %select_n3A : i32 to index
      %get3A_671 = arith.index_cast %add3A_669 : i32 to index
      %get3A_672 = tpu.vector_load %arg5[%get3A_670, %get3A_671] {strides = array<i32>} : memref<50x512xi32, #tpu.memory_space<vmem>>, vector<16xi32>,
      %shift_right_logical3A_673 = arith.constant 2 : i32
      %shift_right_logical3A_674 = vector.broadcast %shift_right_logical3A_673 : i32 to vector<16xi32>
      %shift_right_logical3A_675 = arith.shrui %get3A_672, %shift_right_logical3A_674 : vector<16xi32>
      %swap3A_676 = arith.constant 192 : index
      %swap3A_677 = tpu.vector_load %arg7[%swap3A_676] {strides = array<i32>} : memref<256xi32, #tpu.memory_space<vmem>>, vector<16xi32>,
      tpu.vector_store %arg7[%swap3A_676], %shift_right_logical3A_675 {strides = array<i32>} : memref<256xi32, #tpu.memory_space<vmem>>, vector<16xi32>,
      %and3A_678 = arith.constant 3 : i32
      %and3A_679 = vector.broadcast %and3A_678 : i32 to vector<16xi32>
      %and3A_680 = arith.andi %get3A_672, %and3A_679 : vector<16xi32>
      %shift_left3A_681 = arith.constant 5 : i32
      %shift_left3A_682 = vector.broadcast %shift_left3A_681 : i32 to vector<16xi32>
      %shift_left3A_683 = arith.shli %and3A_680, %shift_left3A_682 : vector<16xi32>
      %swap3A_684 = arith.constant 192 : index
      %swap3A_685 = tpu.vector_load %arg9[%swap3A_684] {strides = array<i32>} : memref<256xi32, #tpu.memory_space<vmem>>, vector<16xi32>,
      tpu.vector_store %arg9[%swap3A_684], %shift_left3A_683 {strides = array<i32>} : memref<256xi32, #tpu.memory_space<vmem>>, vector<16xi32>,
      %mul3A_686 = arith.constant 256 : i32
      %mul3A_687 = arith.muli %select_n3A_425, %mul3A_686 : i32
      %add3A_688 = arith.constant 208 : i32
      %add3A_689 = arith.addi %mul3A_687, %add3A_688 : i32
      %get3A_690 = arith.index_cast %select_n3A : i32 to index
      %get3A_691 = arith.index_cast %add3A_689 : i32 to index
      %get3A_692 = tpu.vector_load %arg5[%get3A_690, %get3A_691] {strides = array<i32>} : memref<50x512xi32, #tpu.memory_space<vmem>>, vector<16xi32>,
      %shift_right_logical3A_693 = arith.constant 2 : i32
      %shift_right_logical3A_694 = vector.broadcast %shift_right_logical3A_693 : i32 to vector<16xi32>
      %shift_right_logical3A_695 = arith.shrui %get3A_692, %shift_right_logical3A_694 : vector<16xi32>
      %swap3A_696 = arith.constant 208 : index
      %swap3A_697 = tpu.vector_load %arg7[%swap3A_696] {strides = array<i32>} : memref<256xi32, #tpu.memory_space<vmem>>, vector<16xi32>,
      tpu.vector_store %arg7[%swap3A_696], %shift_right_logical3A_695 {strides = array<i32>} : memref<256xi32, #tpu.memory_space<vmem>>, vector<16xi32>,
      %and3A_698 = arith.constant 3 : i32
      %and3A_699 = vector.broadcast %and3A_698 : i32 to vector<16xi32>
      %and3A_700 = arith.andi %get3A_692, %and3A_699 : vector<16xi32>
      %shift_left3A_701 = arith.constant 5 : i32
      %shift_left3A_702 = vector.broadcast %shift_left3A_701 : i32 to vector<16xi32>
      %shift_left3A_703 = arith.shli %and3A_700, %shift_left3A_702 : vector<16xi32>
      %swap3A_704 = arith.constant 208 : index
      %swap3A_705 = tpu.vector_load %arg9[%swap3A_704] {strides = array<i32>} : memref<256xi32, #tpu.memory_space<vmem>>, vector<16xi32>,
      tpu.vector_store %arg9[%swap3A_704], %shift_left3A_703 {strides = array<i32>} : memref<256xi32, #tpu.memory_space<vmem>>, vector<16xi32>,
      %mul3A_706 = arith.constant 256 : i32
      %mul3A_707 = arith.muli %select_n3A_425, %mul3A_706 : i32
      %add3A_708 = arith.constant 224 : i32
      %add3A_709 = arith.addi %mul3A_707, %add3A_708 : i32
      %get3A_710 = arith.index_cast %select_n3A : i32 to index
      %get3A_711 = arith.index_cast %add3A_709 : i32 to index
      %get3A_712 = tpu.vector_load %arg5[%get3A_710, %get3A_711] {strides = array<i32>} : memref<50x512xi32, #tpu.memory_space<vmem>>, vector<16xi32>,
      %shift_right_logical3A_713 = arith.constant 2 : i32
      %shift_right_logical3A_714 = vector.broadcast %shift_right_logical3A_713 : i32 to vector<16xi32>
      %shift_right_logical3A_715 = arith.shrui %get3A_712, %shift_right_logical3A_714 : vector<16xi32>
      %swap3A_716 = arith.constant 224 : index
      %swap3A_717 = tpu.vector_load %arg7[%swap3A_716] {strides = array<i32>} : memref<256xi32, #tpu.memory_space<vmem>>, vector<16xi32>,
      tpu.vector_store %arg7[%swap3A_716], %shift_right_logical3A_715 {strides = array<i32>} : memref<256xi32, #tpu.memory_space<vmem>>, vector<16xi32>,
      %and3A_718 = arith.constant 3 : i32
      %and3A_719 = vector.broadcast %and3A_718 : i32 to vector<16xi32>
      %and3A_720 = arith.andi %get3A_712, %and3A_719 : vector<16xi32>
      %shift_left3A_721 = arith.constant 5 : i32
      %shift_left3A_722 = vector.broadcast %shift_left3A_721 : i32 to vector<16xi32>
      %shift_left3A_723 = arith.shli %and3A_720, %shift_left3A_722 : vector<16xi32>
      %swap3A_724 = arith.constant 224 : index
      %swap3A_725 = tpu.vector_load %arg9[%swap3A_724] {strides = array<i32>} : memref<256xi32, #tpu.memory_space<vmem>>, vector<16xi32>,
      tpu.vector_store %arg9[%swap3A_724], %shift_left3A_723 {strides = array<i32>} : memref<256xi32, #tpu.memory_space<vmem>>, vector<16xi32>,
      %mul3A_726 = arith.constant 256 : i32
      %mul3A_727 = arith.muli %select_n3A_425, %mul3A_726 : i32
      %add3A_728 = arith.constant 240 : i32
      %add3A_729 = arith.addi %mul3A_727, %add3A_728 : i32
      %get3A_730 = arith.index_cast %select_n3A : i32 to index
      %get3A_731 = arith.index_cast %add3A_729 : i32 to index
      %get3A_732 = tpu.vector_load %arg5[%get3A_730, %get3A_731] {strides = array<i32>} : memref<50x512xi32, #tpu.memory_space<vmem>>, vector<16xi32>,
      %shift_right_logical3A_733 = arith.constant 2 : i32
      %shift_right_logical3A_734 = vector.broadcast %shift_right_logical3A_733 : i32 to vector<16xi32>
      %shift_right_logical3A_735 = arith.shrui %get3A_732, %shift_right_logical3A_734 : vector<16xi32>
      %swap3A_736 = arith.constant 240 : index
      %swap3A_737 = tpu.vector_load %arg7[%swap3A_736] {strides = array<i32>} : memref<256xi32, #tpu.memory_space<vmem>>, vector<16xi32>,
      tpu.vector_store %arg7[%swap3A_736], %shift_right_logical3A_735 {strides = array<i32>} : memref<256xi32, #tpu.memory_space<vmem>>, vector<16xi32>,
      %and3A_738 = arith.constant 3 : i32
      %and3A_739 = vector.broadcast %and3A_738 : i32 to vector<16xi32>
      %and3A_740 = arith.andi %get3A_732, %and3A_739 : vector<16xi32>
      %shift_left3A_741 = arith.constant 5 : i32
      %shift_left3A_742 = vector.broadcast %shift_left3A_741 : i32 to vector<16xi32>
      %shift_left3A_743 = arith.shli %and3A_740, %shift_left3A_742 : vector<16xi32>
      %swap3A_744 = arith.constant 240 : index
      %swap3A_745 = tpu.vector_load %arg9[%swap3A_744] {strides = array<i32>} : memref<256xi32, #tpu.memory_space<vmem>>, vector<16xi32>,
      tpu.vector_store %arg9[%swap3A_744], %shift_left3A_743 {strides = array<i32>} : memref<256xi32, #tpu.memory_space<vmem>>, vector<16xi32>,
      %dma_start3A_746 = arith.constant 0 : i32
      %dma_start3A_747 = arith.constant 0 : i32
      %dma_start3A_748 = tpu.memref_slice %arg2[%dma_start3A_746, %dma_start3A_747] : memref<250000x128xf32, #tpu.memory_space<hbm>> -> memref<250000x128xf32, #tpu.memory_space<hbm>>
      tpu.enqueue_indirect_dma source(%dma_start3A_748 : memref<250000x128xf32, #tpu.memory_space<hbm>>) target(%arg11 : memref<256x128xf32, #tpu.memory_space<vmem>>) offsets(%arg7 : memref<256xi32, #tpu.memory_space<vmem>>) semaphore(%arg15 : memref<!tpu.dma_semaphore, #tpu.memory_space<semaphore_mem>>)
      %dma_wait3A_749 = arith.constant 0 : i32
      %dma_wait3A_750 = arith.constant 0 : i32
      %dma_wait3A_751 = tpu.memref_slice %arg2[%dma_wait3A_749, %dma_wait3A_750] : memref<250000x128xf32, #tpu.memory_space<hbm>> -> memref<256x128xf32, #tpu.memory_space<hbm>>
      %dma_wait3A_752 = arith.constant 0 : i32
      %dma_wait3A_753 = arith.constant 0 : i32
      %dma_wait3A_754 = tpu.memref_slice %arg2[%dma_wait3A_752, %dma_wait3A_753] : memref<250000x128xf32, #tpu.memory_space<hbm>> -> memref<256x128xf32, #tpu.memory_space<hbm>>
      tpu.wait_dma2 semaphore(%arg14 : memref<!tpu.dma_semaphore, #tpu.memory_space<semaphore_mem>>) src(%dma_wait3A_754 : memref<256x128xf32, #tpu.memory_space<hbm>>) dst(%arg10 : memref<256x128xf32, #tpu.memory_space<vmem>>)
      %ge3A = arith.constant 2 : i32
      %ge3A_755 = arith.cmpi sge, %mul3A_392, %ge3A : i32
      %convert_element_type3A = arith.extui %ge3A_755 : i1 to i32
      %cond3A = arith.constant 0 : i32
      %cond3A_756 = arith.cmpi ne, %convert_element_type3A, %cond3A : i32
      scf.if %cond3A_756 {
        %dma_wait3A_887 = arith.constant 0 : i32
        %dma_wait3A_888 = arith.constant 0 : i32
        %dma_wait3A_889 = arith.constant 0 : i32
        %dma_wait3A_890 = tpu.memref_slice %arg4[%dma_wait3A_887, %dma_wait3A_888, %dma_wait3A_889] : memref<50x32x16384xf32, #tpu.memory_space<hbm>> -> memref<1x32x256xf32, #tpu.memory_space<hbm>>
        %dma_wait3A_891 = tpu.memref_squeeze %dma_wait3A_890 : memref<1x32x256xf32, #tpu.memory_space<hbm>> -> memref<32x256xf32, #tpu.memory_space<hbm>>
        %dma_wait3A_892 = arith.constant 0 : i32
        %dma_wait3A_893 = arith.constant 0 : i32
        %dma_wait3A_894 = tpu.memref_slice %arg4[%dma_wait3A_887, %dma_wait3A_892, %dma_wait3A_893] : memref<50x32x16384xf32, #tpu.memory_space<hbm>> -> memref<1x32x256xf32, #tpu.memory_space<hbm>>
        %dma_wait3A_895 = tpu.memref_squeeze %dma_wait3A_894 : memref<1x32x256xf32, #tpu.memory_space<hbm>> -> memref<32x256xf32, #tpu.memory_space<hbm>>
        tpu.wait_dma2 semaphore(%arg16 : memref<!tpu.dma_semaphore, #tpu.memory_space<semaphore_mem>>) src(%arg12 : memref<32x256xf32, #tpu.memory_space<vmem>>) dst(%dma_wait3A_895 : memref<32x256xf32, #tpu.memory_space<hbm>>)
      } else {
      }
      %scan3A_757 = arith.constant 0 : i32
      %scan3A_758 = arith.constant 0 : i32
      %scan3A_759 = arith.constant 16 : i32
      %scan3A_760 = arith.addi %scan3A_758, %scan3A_759 : i32
      %scan3A_761 = arith.constant 1 : i32
      scf.for %scan3A_887 = %scan3A_758 to %scan3A_760 step %scan3A_761  : i32 {
        %mul3A_888 = arith.constant 16 : i32
        %mul3A_889 = arith.muli %scan3A_887, %mul3A_888 : i32
        %add3A_890 = vector.broadcast %mul3A_889 : i32 to vector<16xi32>
        %add3A_891 = arith.addi %iota3A, %add3A_890 : vector<16xi32>
        %get3A_892 = arith.index_cast %mul3A_889 : i32 to index
        %get3A_893 = tpu.vector_load %arg8[%get3A_892] {strides = array<i32>} : memref<256xi32, #tpu.memory_space<vmem>>, vector<16xi32>,
        %add3A_894 = arith.constant 0 : i32
        %add3A_895 = vector.broadcast %add3A_894 : i32 to vector<16xi32>
        %add3A_896 = arith.addi %get3A_893, %add3A_895 : vector<16xi32>
        %add3A_897 = arith.addi %add3A_896, %and3A_3 : vector<16xi32>
        %gather3A = tpu.vector_load_idx %arg10[%add3A_891, %add3A_897] : memref<256x128xf32, #tpu.memory_space<vmem>>[vector<16xi32>, vector<16xi32>], vector<16xf32>,
        %add3A_898 = arith.constant 0 : i32
        %add3A_899 = vector.broadcast %add3A_898 : i32 to vector<16xi32>
        %add3A_900 = arith.addi %and3A_3, %add3A_899 : vector<16xi32>
        tpu.vector_store_idx %arg12[%add3A_900, %add3A_891], %gather3A : memref<32x256xf32, #tpu.memory_space<vmem>>[vector<16xi32>, vector<16xi32>], vector<16xf32>,
        %add3A_901 = arith.addi %add3A_896, %and3A_9 : vector<16xi32>
        %gather3A_902 = tpu.vector_load_idx %arg10[%add3A_891, %add3A_901] : memref<256x128xf32, #tpu.memory_space<vmem>>[vector<16xi32>, vector<16xi32>], vector<16xf32>,
        %add3A_903 = arith.constant 0 : i32
        %add3A_904 = vector.broadcast %add3A_903 : i32 to vector<16xi32>
        %add3A_905 = arith.addi %and3A_9, %add3A_904 : vector<16xi32>
        tpu.vector_store_idx %arg12[%add3A_905, %add3A_891], %gather3A_902 : memref<32x256xf32, #tpu.memory_space<vmem>>[vector<16xi32>, vector<16xi32>], vector<16xf32>,
        %add3A_906 = arith.addi %add3A_896, %and3A_15 : vector<16xi32>
        %gather3A_907 = tpu.vector_load_idx %arg10[%add3A_891, %add3A_906] : memref<256x128xf32, #tpu.memory_space<vmem>>[vector<16xi32>, vector<16xi32>], vector<16xf32>,
        %add3A_908 = arith.constant 0 : i32
        %add3A_909 = vector.broadcast %add3A_908 : i32 to vector<16xi32>
        %add3A_910 = arith.addi %and3A_15, %add3A_909 : vector<16xi32>
        tpu.vector_store_idx %arg12[%add3A_910, %add3A_891], %gather3A_907 : memref<32x256xf32, #tpu.memory_space<vmem>>[vector<16xi32>, vector<16xi32>], vector<16xf32>,
        %add3A_911 = arith.addi %add3A_896, %and3A_21 : vector<16xi32>
        %gather3A_912 = tpu.vector_load_idx %arg10[%add3A_891, %add3A_911] : memref<256x128xf32, #tpu.memory_space<vmem>>[vector<16xi32>, vector<16xi32>], vector<16xf32>,
        %add3A_913 = arith.constant 0 : i32
        %add3A_914 = vector.broadcast %add3A_913 : i32 to vector<16xi32>
        %add3A_915 = arith.addi %and3A_21, %add3A_914 : vector<16xi32>
        tpu.vector_store_idx %arg12[%add3A_915, %add3A_891], %gather3A_912 : memref<32x256xf32, #tpu.memory_space<vmem>>[vector<16xi32>, vector<16xi32>], vector<16xf32>,
        %add3A_916 = arith.addi %add3A_896, %and3A_27 : vector<16xi32>
        %gather3A_917 = tpu.vector_load_idx %arg10[%add3A_891, %add3A_916] : memref<256x128xf32, #tpu.memory_space<vmem>>[vector<16xi32>, vector<16xi32>], vector<16xf32>,
        %add3A_918 = arith.constant 0 : i32
        %add3A_919 = vector.broadcast %add3A_918 : i32 to vector<16xi32>
        %add3A_920 = arith.addi %and3A_27, %add3A_919 : vector<16xi32>
        tpu.vector_store_idx %arg12[%add3A_920, %add3A_891], %gather3A_917 : memref<32x256xf32, #tpu.memory_space<vmem>>[vector<16xi32>, vector<16xi32>], vector<16xf32>,
        %add3A_921 = arith.addi %add3A_896, %and3A_33 : vector<16xi32>
        %gather3A_922 = tpu.vector_load_idx %arg10[%add3A_891, %add3A_921] : memref<256x128xf32, #tpu.memory_space<vmem>>[vector<16xi32>, vector<16xi32>], vector<16xf32>,
        %add3A_923 = arith.constant 0 : i32
        %add3A_924 = vector.broadcast %add3A_923 : i32 to vector<16xi32>
        %add3A_925 = arith.addi %and3A_33, %add3A_924 : vector<16xi32>
        tpu.vector_store_idx %arg12[%add3A_925, %add3A_891], %gather3A_922 : memref<32x256xf32, #tpu.memory_space<vmem>>[vector<16xi32>, vector<16xi32>], vector<16xf32>,
        %add3A_926 = arith.addi %add3A_896, %and3A_39 : vector<16xi32>
        %gather3A_927 = tpu.vector_load_idx %arg10[%add3A_891, %add3A_926] : memref<256x128xf32, #tpu.memory_space<vmem>>[vector<16xi32>, vector<16xi32>], vector<16xf32>,
        %add3A_928 = arith.constant 0 : i32
        %add3A_929 = vector.broadcast %add3A_928 : i32 to vector<16xi32>
        %add3A_930 = arith.addi %and3A_39, %add3A_929 : vector<16xi32>
        tpu.vector_store_idx %arg12[%add3A_930, %add3A_891], %gather3A_927 : memref<32x256xf32, #tpu.memory_space<vmem>>[vector<16xi32>, vector<16xi32>], vector<16xf32>,
        %add3A_931 = arith.addi %add3A_896, %and3A_45 : vector<16xi32>
        %gather3A_932 = tpu.vector_load_idx %arg10[%add3A_891, %add3A_931] : memref<256x128xf32, #tpu.memory_space<vmem>>[vector<16xi32>, vector<16xi32>], vector<16xf32>,
        %add3A_933 = arith.constant 0 : i32
        %add3A_934 = vector.broadcast %add3A_933 : i32 to vector<16xi32>
        %add3A_935 = arith.addi %and3A_45, %add3A_934 : vector<16xi32>
        tpu.vector_store_idx %arg12[%add3A_935, %add3A_891], %gather3A_932 : memref<32x256xf32, #tpu.memory_space<vmem>>[vector<16xi32>, vector<16xi32>], vector<16xf32>,
        %add3A_936 = arith.addi %add3A_896, %and3A_51 : vector<16xi32>
        %gather3A_937 = tpu.vector_load_idx %arg10[%add3A_891, %add3A_936] : memref<256x128xf32, #tpu.memory_space<vmem>>[vector<16xi32>, vector<16xi32>], vector<16xf32>,
        %add3A_938 = arith.constant 0 : i32
        %add3A_939 = vector.broadcast %add3A_938 : i32 to vector<16xi32>
        %add3A_940 = arith.addi %and3A_51, %add3A_939 : vector<16xi32>
        tpu.vector_store_idx %arg12[%add3A_940, %add3A_891], %gather3A_937 : memref<32x256xf32, #tpu.memory_space<vmem>>[vector<16xi32>, vector<16xi32>], vector<16xf32>,
        %add3A_941 = arith.addi %add3A_896, %and3A_57 : vector<16xi32>
        %gather3A_942 = tpu.vector_load_idx %arg10[%add3A_891, %add3A_941] : memref<256x128xf32, #tpu.memory_space<vmem>>[vector<16xi32>, vector<16xi32>], vector<16xf32>,
        %add3A_943 = arith.constant 0 : i32
        %add3A_944 = vector.broadcast %add3A_943 : i32 to vector<16xi32>
        %add3A_945 = arith.addi %and3A_57, %add3A_944 : vector<16xi32>
        tpu.vector_store_idx %arg12[%add3A_945, %add3A_891], %gather3A_942 : memref<32x256xf32, #tpu.memory_space<vmem>>[vector<16xi32>, vector<16xi32>], vector<16xf32>,
        %add3A_946 = arith.addi %add3A_896, %and3A_63 : vector<16xi32>
        %gather3A_947 = tpu.vector_load_idx %arg10[%add3A_891, %add3A_946] : memref<256x128xf32, #tpu.memory_space<vmem>>[vector<16xi32>, vector<16xi32>], vector<16xf32>,
        %add3A_948 = arith.constant 0 : i32
        %add3A_949 = vector.broadcast %add3A_948 : i32 to vector<16xi32>
        %add3A_950 = arith.addi %and3A_63, %add3A_949 : vector<16xi32>
        tpu.vector_store_idx %arg12[%add3A_950, %add3A_891], %gather3A_947 : memref<32x256xf32, #tpu.memory_space<vmem>>[vector<16xi32>, vector<16xi32>], vector<16xf32>,
        %add3A_951 = arith.addi %add3A_896, %and3A_69 : vector<16xi32>
        %gather3A_952 = tpu.vector_load_idx %arg10[%add3A_891, %add3A_951] : memref<256x128xf32, #tpu.memory_space<vmem>>[vector<16xi32>, vector<16xi32>], vector<16xf32>,
        %add3A_953 = arith.constant 0 : i32
        %add3A_954 = vector.broadcast %add3A_953 : i32 to vector<16xi32>
        %add3A_955 = arith.addi %and3A_69, %add3A_954 : vector<16xi32>
        tpu.vector_store_idx %arg12[%add3A_955, %add3A_891], %gather3A_952 : memref<32x256xf32, #tpu.memory_space<vmem>>[vector<16xi32>, vector<16xi32>], vector<16xf32>,
        %add3A_956 = arith.addi %add3A_896, %and3A_75 : vector<16xi32>
        %gather3A_957 = tpu.vector_load_idx %arg10[%add3A_891, %add3A_956] : memref<256x128xf32, #tpu.memory_space<vmem>>[vector<16xi32>, vector<16xi32>], vector<16xf32>,
        %add3A_958 = arith.constant 0 : i32
        %add3A_959 = vector.broadcast %add3A_958 : i32 to vector<16xi32>
        %add3A_960 = arith.addi %and3A_75, %add3A_959 : vector<16xi32>
        tpu.vector_store_idx %arg12[%add3A_960, %add3A_891], %gather3A_957 : memref<32x256xf32, #tpu.memory_space<vmem>>[vector<16xi32>, vector<16xi32>], vector<16xf32>,
        %add3A_961 = arith.addi %add3A_896, %and3A_81 : vector<16xi32>
        %gather3A_962 = tpu.vector_load_idx %arg10[%add3A_891, %add3A_961] : memref<256x128xf32, #tpu.memory_space<vmem>>[vector<16xi32>, vector<16xi32>], vector<16xf32>,
        %add3A_963 = arith.constant 0 : i32
        %add3A_964 = vector.broadcast %add3A_963 : i32 to vector<16xi32>
        %add3A_965 = arith.addi %and3A_81, %add3A_964 : vector<16xi32>
        tpu.vector_store_idx %arg12[%add3A_965, %add3A_891], %gather3A_962 : memref<32x256xf32, #tpu.memory_space<vmem>>[vector<16xi32>, vector<16xi32>], vector<16xf32>,
        %add3A_966 = arith.addi %add3A_896, %and3A_87 : vector<16xi32>
        %gather3A_967 = tpu.vector_load_idx %arg10[%add3A_891, %add3A_966] : memref<256x128xf32, #tpu.memory_space<vmem>>[vector<16xi32>, vector<16xi32>], vector<16xf32>,
        %add3A_968 = arith.constant 0 : i32
        %add3A_969 = vector.broadcast %add3A_968 : i32 to vector<16xi32>
        %add3A_970 = arith.addi %and3A_87, %add3A_969 : vector<16xi32>
        tpu.vector_store_idx %arg12[%add3A_970, %add3A_891], %gather3A_967 : memref<32x256xf32, #tpu.memory_space<vmem>>[vector<16xi32>, vector<16xi32>], vector<16xf32>,
        %add3A_971 = arith.addi %add3A_896, %and3A_93 : vector<16xi32>
        %gather3A_972 = tpu.vector_load_idx %arg10[%add3A_891, %add3A_971] : memref<256x128xf32, #tpu.memory_space<vmem>>[vector<16xi32>, vector<16xi32>], vector<16xf32>,
        %add3A_973 = arith.constant 0 : i32
        %add3A_974 = vector.broadcast %add3A_973 : i32 to vector<16xi32>
        %add3A_975 = arith.addi %and3A_93, %add3A_974 : vector<16xi32>
        tpu.vector_store_idx %arg12[%add3A_975, %add3A_891], %gather3A_972 : memref<32x256xf32, #tpu.memory_space<vmem>>[vector<16xi32>, vector<16xi32>], vector<16xf32>,
        %add3A_976 = arith.constant 16 : i32
        %add3A_977 = vector.broadcast %add3A_976 : i32 to vector<16xi32>
        %add3A_978 = arith.addi %get3A_893, %add3A_977 : vector<16xi32>
        %add3A_979 = arith.addi %add3A_978, %and3A_3 : vector<16xi32>
        %gather3A_980 = tpu.vector_load_idx %arg10[%add3A_891, %add3A_979] : memref<256x128xf32, #tpu.memory_space<vmem>>[vector<16xi32>, vector<16xi32>], vector<16xf32>,
        %add3A_981 = arith.constant 16 : i32
        %add3A_982 = vector.broadcast %add3A_981 : i32 to vector<16xi32>
        %add3A_983 = arith.addi %and3A_3, %add3A_982 : vector<16xi32>
        tpu.vector_store_idx %arg12[%add3A_983, %add3A_891], %gather3A_980 : memref<32x256xf32, #tpu.memory_space<vmem>>[vector<16xi32>, vector<16xi32>], vector<16xf32>,
        %add3A_984 = arith.addi %add3A_978, %and3A_9 : vector<16xi32>
        %gather3A_985 = tpu.vector_load_idx %arg10[%add3A_891, %add3A_984] : memref<256x128xf32, #tpu.memory_space<vmem>>[vector<16xi32>, vector<16xi32>], vector<16xf32>,
        %add3A_986 = arith.constant 16 : i32
        %add3A_987 = vector.broadcast %add3A_986 : i32 to vector<16xi32>
        %add3A_988 = arith.addi %and3A_9, %add3A_987 : vector<16xi32>
        tpu.vector_store_idx %arg12[%add3A_988, %add3A_891], %gather3A_985 : memref<32x256xf32, #tpu.memory_space<vmem>>[vector<16xi32>, vector<16xi32>], vector<16xf32>,
        %add3A_989 = arith.addi %add3A_978, %and3A_15 : vector<16xi32>
        %gather3A_990 = tpu.vector_load_idx %arg10[%add3A_891, %add3A_989] : memref<256x128xf32, #tpu.memory_space<vmem>>[vector<16xi32>, vector<16xi32>], vector<16xf32>,
        %add3A_991 = arith.constant 16 : i32
        %add3A_992 = vector.broadcast %add3A_991 : i32 to vector<16xi32>
        %add3A_993 = arith.addi %and3A_15, %add3A_992 : vector<16xi32>
        tpu.vector_store_idx %arg12[%add3A_993, %add3A_891], %gather3A_990 : memref<32x256xf32, #tpu.memory_space<vmem>>[vector<16xi32>, vector<16xi32>], vector<16xf32>,
        %add3A_994 = arith.addi %add3A_978, %and3A_21 : vector<16xi32>
        %gather3A_995 = tpu.vector_load_idx %arg10[%add3A_891, %add3A_994] : memref<256x128xf32, #tpu.memory_space<vmem>>[vector<16xi32>, vector<16xi32>], vector<16xf32>,
        %add3A_996 = arith.constant 16 : i32
        %add3A_997 = vector.broadcast %add3A_996 : i32 to vector<16xi32>
        %add3A_998 = arith.addi %and3A_21, %add3A_997 : vector<16xi32>
        tpu.vector_store_idx %arg12[%add3A_998, %add3A_891], %gather3A_995 : memref<32x256xf32, #tpu.memory_space<vmem>>[vector<16xi32>, vector<16xi32>], vector<16xf32>,
        %add3A_999 = arith.addi %add3A_978, %and3A_27 : vector<16xi32>
        %gather3A_1000 = tpu.vector_load_idx %arg10[%add3A_891, %add3A_999] : memref<256x128xf32, #tpu.memory_space<vmem>>[vector<16xi32>, vector<16xi32>], vector<16xf32>,
        %add3A_1001 = arith.constant 16 : i32
        %add3A_1002 = vector.broadcast %add3A_1001 : i32 to vector<16xi32>
        %add3A_1003 = arith.addi %and3A_27, %add3A_1002 : vector<16xi32>
        tpu.vector_store_idx %arg12[%add3A_1003, %add3A_891], %gather3A_1000 : memref<32x256xf32, #tpu.memory_space<vmem>>[vector<16xi32>, vector<16xi32>], vector<16xf32>,
        %add3A_1004 = arith.addi %add3A_978, %and3A_33 : vector<16xi32>
        %gather3A_1005 = tpu.vector_load_idx %arg10[%add3A_891, %add3A_1004] : memref<256x128xf32, #tpu.memory_space<vmem>>[vector<16xi32>, vector<16xi32>], vector<16xf32>,
        %add3A_1006 = arith.constant 16 : i32
        %add3A_1007 = vector.broadcast %add3A_1006 : i32 to vector<16xi32>
        %add3A_1008 = arith.addi %and3A_33, %add3A_1007 : vector<16xi32>
        tpu.vector_store_idx %arg12[%add3A_1008, %add3A_891], %gather3A_1005 : memref<32x256xf32, #tpu.memory_space<vmem>>[vector<16xi32>, vector<16xi32>], vector<16xf32>,
        %add3A_1009 = arith.addi %add3A_978, %and3A_39 : vector<16xi32>
        %gather3A_1010 = tpu.vector_load_idx %arg10[%add3A_891, %add3A_1009] : memref<256x128xf32, #tpu.memory_space<vmem>>[vector<16xi32>, vector<16xi32>], vector<16xf32>,
        %add3A_1011 = arith.constant 16 : i32
        %add3A_1012 = vector.broadcast %add3A_1011 : i32 to vector<16xi32>
        %add3A_1013 = arith.addi %and3A_39, %add3A_1012 : vector<16xi32>
        tpu.vector_store_idx %arg12[%add3A_1013, %add3A_891], %gather3A_1010 : memref<32x256xf32, #tpu.memory_space<vmem>>[vector<16xi32>, vector<16xi32>], vector<16xf32>,
        %add3A_1014 = arith.addi %add3A_978, %and3A_45 : vector<16xi32>
        %gather3A_1015 = tpu.vector_load_idx %arg10[%add3A_891, %add3A_1014] : memref<256x128xf32, #tpu.memory_space<vmem>>[vector<16xi32>, vector<16xi32>], vector<16xf32>,
        %add3A_1016 = arith.constant 16 : i32
        %add3A_1017 = vector.broadcast %add3A_1016 : i32 to vector<16xi32>
        %add3A_1018 = arith.addi %and3A_45, %add3A_1017 : vector<16xi32>
        tpu.vector_store_idx %arg12[%add3A_1018, %add3A_891], %gather3A_1015 : memref<32x256xf32, #tpu.memory_space<vmem>>[vector<16xi32>, vector<16xi32>], vector<16xf32>,
        %add3A_1019 = arith.addi %add3A_978, %and3A_51 : vector<16xi32>
        %gather3A_1020 = tpu.vector_load_idx %arg10[%add3A_891, %add3A_1019] : memref<256x128xf32, #tpu.memory_space<vmem>>[vector<16xi32>, vector<16xi32>], vector<16xf32>,
        %add3A_1021 = arith.constant 16 : i32
        %add3A_1022 = vector.broadcast %add3A_1021 : i32 to vector<16xi32>
        %add3A_1023 = arith.addi %and3A_51, %add3A_1022 : vector<16xi32>
        tpu.vector_store_idx %arg12[%add3A_1023, %add3A_891], %gather3A_1020 : memref<32x256xf32, #tpu.memory_space<vmem>>[vector<16xi32>, vector<16xi32>], vector<16xf32>,
        %add3A_1024 = arith.addi %add3A_978, %and3A_57 : vector<16xi32>
        %gather3A_1025 = tpu.vector_load_idx %arg10[%add3A_891, %add3A_1024] : memref<256x128xf32, #tpu.memory_space<vmem>>[vector<16xi32>, vector<16xi32>], vector<16xf32>,
        %add3A_1026 = arith.constant 16 : i32
        %add3A_1027 = vector.broadcast %add3A_1026 : i32 to vector<16xi32>
        %add3A_1028 = arith.addi %and3A_57, %add3A_1027 : vector<16xi32>
        tpu.vector_store_idx %arg12[%add3A_1028, %add3A_891], %gather3A_1025 : memref<32x256xf32, #tpu.memory_space<vmem>>[vector<16xi32>, vector<16xi32>], vector<16xf32>,
        %add3A_1029 = arith.addi %add3A_978, %and3A_63 : vector<16xi32>
        %gather3A_1030 = tpu.vector_load_idx %arg10[%add3A_891, %add3A_1029] : memref<256x128xf32, #tpu.memory_space<vmem>>[vector<16xi32>, vector<16xi32>], vector<16xf32>,
        %add3A_1031 = arith.constant 16 : i32
        %add3A_1032 = vector.broadcast %add3A_1031 : i32 to vector<16xi32>
        %add3A_1033 = arith.addi %and3A_63, %add3A_1032 : vector<16xi32>
        tpu.vector_store_idx %arg12[%add3A_1033, %add3A_891], %gather3A_1030 : memref<32x256xf32, #tpu.memory_space<vmem>>[vector<16xi32>, vector<16xi32>], vector<16xf32>,
        %add3A_1034 = arith.addi %add3A_978, %and3A_69 : vector<16xi32>
        %gather3A_1035 = tpu.vector_load_idx %arg10[%add3A_891, %add3A_1034] : memref<256x128xf32, #tpu.memory_space<vmem>>[vector<16xi32>, vector<16xi32>], vector<16xf32>,
        %add3A_1036 = arith.constant 16 : i32
        %add3A_1037 = vector.broadcast %add3A_1036 : i32 to vector<16xi32>
        %add3A_1038 = arith.addi %and3A_69, %add3A_1037 : vector<16xi32>
        tpu.vector_store_idx %arg12[%add3A_1038, %add3A_891], %gather3A_1035 : memref<32x256xf32, #tpu.memory_space<vmem>>[vector<16xi32>, vector<16xi32>], vector<16xf32>,
        %add3A_1039 = arith.addi %add3A_978, %and3A_75 : vector<16xi32>
        %gather3A_1040 = tpu.vector_load_idx %arg10[%add3A_891, %add3A_1039] : memref<256x128xf32, #tpu.memory_space<vmem>>[vector<16xi32>, vector<16xi32>], vector<16xf32>,
        %add3A_1041 = arith.constant 16 : i32
        %add3A_1042 = vector.broadcast %add3A_1041 : i32 to vector<16xi32>
        %add3A_1043 = arith.addi %and3A_75, %add3A_1042 : vector<16xi32>
        tpu.vector_store_idx %arg12[%add3A_1043, %add3A_891], %gather3A_1040 : memref<32x256xf32, #tpu.memory_space<vmem>>[vector<16xi32>, vector<16xi32>], vector<16xf32>,
        %add3A_1044 = arith.addi %add3A_978, %and3A_81 : vector<16xi32>
        %gather3A_1045 = tpu.vector_load_idx %arg10[%add3A_891, %add3A_1044] : memref<256x128xf32, #tpu.memory_space<vmem>>[vector<16xi32>, vector<16xi32>], vector<16xf32>,
        %add3A_1046 = arith.constant 16 : i32
        %add3A_1047 = vector.broadcast %add3A_1046 : i32 to vector<16xi32>
        %add3A_1048 = arith.addi %and3A_81, %add3A_1047 : vector<16xi32>
        tpu.vector_store_idx %arg12[%add3A_1048, %add3A_891], %gather3A_1045 : memref<32x256xf32, #tpu.memory_space<vmem>>[vector<16xi32>, vector<16xi32>], vector<16xf32>,
        %add3A_1049 = arith.addi %add3A_978, %and3A_87 : vector<16xi32>
        %gather3A_1050 = tpu.vector_load_idx %arg10[%add3A_891, %add3A_1049] : memref<256x128xf32, #tpu.memory_space<vmem>>[vector<16xi32>, vector<16xi32>], vector<16xf32>,
        %add3A_1051 = arith.constant 16 : i32
        %add3A_1052 = vector.broadcast %add3A_1051 : i32 to vector<16xi32>
        %add3A_1053 = arith.addi %and3A_87, %add3A_1052 : vector<16xi32>
        tpu.vector_store_idx %arg12[%add3A_1053, %add3A_891], %gather3A_1050 : memref<32x256xf32, #tpu.memory_space<vmem>>[vector<16xi32>, vector<16xi32>], vector<16xf32>,
        %add3A_1054 = arith.addi %add3A_978, %and3A_93 : vector<16xi32>
        %gather3A_1055 = tpu.vector_load_idx %arg10[%add3A_891, %add3A_1054] : memref<256x128xf32, #tpu.memory_space<vmem>>[vector<16xi32>, vector<16xi32>], vector<16xf32>,
        %add3A_1056 = arith.constant 16 : i32
        %add3A_1057 = vector.broadcast %add3A_1056 : i32 to vector<16xi32>
        %add3A_1058 = arith.addi %and3A_93, %add3A_1057 : vector<16xi32>
        tpu.vector_store_idx %arg12[%add3A_1058, %add3A_891], %gather3A_1055 : memref<32x256xf32, #tpu.memory_space<vmem>>[vector<16xi32>, vector<16xi32>], vector<16xf32>,
      }
      %scan3A_762 = arith.constant 16 : i32
      %jit3A_763 = arith.constant 2 : i32
      %div3A_764 = arith.divsi %mul3A_392, %jit3A_763 : i32
      %sign3A_765 = arith.constant 0 : i32
      %sign3A_766 = arith.cmpi sgt, %mul3A_392, %sign3A_765 : i32
      %sign3A_767 = arith.extui %sign3A_766 : i1 to i32
      %sign3A_768 = arith.constant 0 : i32
      %sign3A_769 = arith.cmpi slt, %mul3A_392, %sign3A_768 : i32
      %sign3A_770 = arith.extui %sign3A_769 : i1 to i32
      %sign3A_771 = arith.subi %sign3A_767, %sign3A_770 : i32
      %sign3A_772 = arith.constant 0 : i32
      %sign3A_773 = arith.cmpi sgt, %jit3A_763, %sign3A_772 : i32
      %sign3A_774 = arith.extui %sign3A_773 : i1 to i32
      %sign3A_775 = arith.constant 0 : i32
      %sign3A_776 = arith.cmpi slt, %jit3A_763, %sign3A_775 : i32
      %sign3A_777 = arith.extui %sign3A_776 : i1 to i32
      %sign3A_778 = arith.subi %sign3A_774, %sign3A_777 : i32
      %ne3A_779 = arith.cmpi ne, %sign3A_771, %sign3A_778 : i32
      %rem3A_780 = arith.remsi %mul3A_392, %jit3A_763 : i32
      %ne3A_781 = arith.constant 0 : i32
      %ne3A_782 = arith.cmpi ne, %rem3A_780, %ne3A_781 : i32
      %and3A_783 = arith.andi %ne3A_779, %ne3A_782 : i1
      %sub3A_784 = arith.constant 1 : i32
      %sub3A_785 = arith.subi %div3A_764, %sub3A_784 : i32
      %select_n3A_786 = arith.select %and3A_783, %sub3A_785, %div3A_764 : i32
      %jit3A_787 = arith.constant 2 : i32
      %eq3A_788 = arith.constant 0 : i32
      %eq3A_789 = arith.cmpi eq, %jit3A_787, %eq3A_788 : i32
      %jit3A_790 = arith.constant 1 : i32
      %select_n3A_791 = arith.select %eq3A_789, %jit3A_790, %jit3A_787 : i32
      %rem3A_792 = arith.remsi %mul3A_392, %select_n3A_791 : i32
      %ne3A_793 = arith.constant 0 : i32
      %ne3A_794 = arith.cmpi ne, %rem3A_792, %ne3A_793 : i32
      %lt3A_795 = arith.constant 0 : i32
      %lt3A_796 = arith.cmpi slt, %rem3A_792, %lt3A_795 : i32
      %lt3A_797 = arith.constant 0 : i32
      %lt3A_798 = arith.cmpi slt, %select_n3A_791, %lt3A_797 : i32
      %ne3A_799 = arith.xori %lt3A_796, %lt3A_798 : i1
      %and3A_800 = arith.andi %ne3A_799, %ne3A_794 : i1
      %add3A_801 = arith.addi %rem3A_792, %select_n3A_791 : i32
      %select_n3A_802 = arith.select %and3A_800, %add3A_801, %rem3A_792 : i32
      %mul3A_803 = arith.constant 256 : i32
      %mul3A_804 = arith.muli %select_n3A_802, %mul3A_803 : i32
      %add3A_805 = arith.addi %mul3A_97, %mul3A_804 : i32
      %dma_start3A_806 = arith.constant 0 : i32
      %dma_start3A_807 = tpu.memref_slice %arg4[%select_n3A_786, %dma_start3A_806, %add3A_805] : memref<50x32x16384xf32, #tpu.memory_space<hbm>> -> memref<1x32x256xf32, #tpu.memory_space<hbm>>
      %dma_start3A_808 = tpu.memref_squeeze %dma_start3A_807 : memref<1x32x256xf32, #tpu.memory_space<hbm>> -> memref<32x256xf32, #tpu.memory_space<hbm>>
      %dma_start3A_809 = arith.constant 0 : i32
      %dma_start3A_810 = tpu.memref_slice %arg4[%select_n3A_786, %dma_start3A_809, %add3A_805] : memref<50x32x16384xf32, #tpu.memory_space<hbm>> -> memref<1x32x256xf32, #tpu.memory_space<hbm>>
      %dma_start3A_811 = tpu.memref_squeeze %dma_start3A_810 : memref<1x32x256xf32, #tpu.memory_space<hbm>> -> memref<32x256xf32, #tpu.memory_space<hbm>>
      tpu.enqueue_dma source(%arg12 : memref<32x256xf32, #tpu.memory_space<vmem>>) target(%dma_start3A_811 : memref<32x256xf32, #tpu.memory_space<hbm>>) target_semaphore(%arg16 : memref<!tpu.dma_semaphore, #tpu.memory_space<semaphore_mem>>)
      %add3A_812 = arith.constant 2 : i32
      %add3A_813 = arith.addi %mul3A_392, %add3A_812 : i32
      %lt3A_814 = arith.constant 100 : i32
      %lt3A_815 = arith.cmpi slt, %add3A_813, %lt3A_814 : i32
      %convert_element_type3A_816 = arith.extui %lt3A_815 : i1 to i32
      %cond3A_817 = arith.constant 0 : i32
      %cond3A_818 = arith.cmpi ne, %convert_element_type3A_816, %cond3A_817 : i32
      scf.if %cond3A_818 {
        %add3A_887 = arith.constant 2 : i32
        %add3A_888 = arith.addi %mul3A_392, %add3A_887 : i32
        %jit3A_889 = arith.constant 2 : i32
        %div3A_890 = arith.divsi %add3A_888, %jit3A_889 : i32
        %sign3A_891 = arith.constant 0 : i32
        %sign3A_892 = arith.cmpi sgt, %add3A_888, %sign3A_891 : i32
        %sign3A_893 = arith.extui %sign3A_892 : i1 to i32
        %sign3A_894 = arith.constant 0 : i32
        %sign3A_895 = arith.cmpi slt, %add3A_888, %sign3A_894 : i32
        %sign3A_896 = arith.extui %sign3A_895 : i1 to i32
        %sign3A_897 = arith.subi %sign3A_893, %sign3A_896 : i32
        %sign3A_898 = arith.constant 0 : i32
        %sign3A_899 = arith.cmpi sgt, %jit3A_889, %sign3A_898 : i32
        %sign3A_900 = arith.extui %sign3A_899 : i1 to i32
        %sign3A_901 = arith.constant 0 : i32
        %sign3A_902 = arith.cmpi slt, %jit3A_889, %sign3A_901 : i32
        %sign3A_903 = arith.extui %sign3A_902 : i1 to i32
        %sign3A_904 = arith.subi %sign3A_900, %sign3A_903 : i32
        %ne3A_905 = arith.cmpi ne, %sign3A_897, %sign3A_904 : i32
        %rem3A_906 = arith.remsi %add3A_888, %jit3A_889 : i32
        %ne3A_907 = arith.constant 0 : i32
        %ne3A_908 = arith.cmpi ne, %rem3A_906, %ne3A_907 : i32
        %and3A_909 = arith.andi %ne3A_905, %ne3A_908 : i1
        %sub3A_910 = arith.constant 1 : i32
        %sub3A_911 = arith.subi %div3A_890, %sub3A_910 : i32
        %select_n3A_912 = arith.select %and3A_909, %sub3A_911, %div3A_890 : i32
        %jit3A_913 = arith.constant 2 : i32
        %eq3A_914 = arith.constant 0 : i32
        %eq3A_915 = arith.cmpi eq, %jit3A_913, %eq3A_914 : i32
        %jit3A_916 = arith.constant 1 : i32
        %select_n3A_917 = arith.select %eq3A_915, %jit3A_916, %jit3A_913 : i32
        %rem3A_918 = arith.remsi %add3A_888, %select_n3A_917 : i32
        %ne3A_919 = arith.constant 0 : i32
        %ne3A_920 = arith.cmpi ne, %rem3A_918, %ne3A_919 : i32
        %lt3A_921 = arith.constant 0 : i32
        %lt3A_922 = arith.cmpi slt, %rem3A_918, %lt3A_921 : i32
        %lt3A_923 = arith.constant 0 : i32
        %lt3A_924 = arith.cmpi slt, %select_n3A_917, %lt3A_923 : i32
        %ne3A_925 = arith.xori %lt3A_922, %lt3A_924 : i1
        %and3A_926 = arith.andi %ne3A_925, %ne3A_920 : i1
        %add3A_927 = arith.addi %rem3A_918, %select_n3A_917 : i32
        %select_n3A_928 = arith.select %and3A_926, %add3A_927, %rem3A_918 : i32
        %mul3A_929 = arith.constant 256 : i32
        %mul3A_930 = arith.muli %select_n3A_928, %mul3A_929 : i32
        %add3A_931 = arith.constant 0 : i32
        %add3A_932 = arith.addi %mul3A_930, %add3A_931 : i32
        %get3A_933 = arith.index_cast %select_n3A_912 : i32 to index
        %get3A_934 = arith.index_cast %add3A_932 : i32 to index
        %get3A_935 = tpu.vector_load %arg5[%get3A_933, %get3A_934] {strides = array<i32>} : memref<50x512xi32, #tpu.memory_space<vmem>>, vector<16xi32>,
        %shift_right_logical3A_936 = arith.constant 2 : i32
        %shift_right_logical3A_937 = vector.broadcast %shift_right_logical3A_936 : i32 to vector<16xi32>
        %shift_right_logical3A_938 = arith.shrui %get3A_935, %shift_right_logical3A_937 : vector<16xi32>
        %swap3A_939 = arith.constant 0 : index
        %swap3A_940 = tpu.vector_load %arg6[%swap3A_939] {strides = array<i32>} : memref<256xi32, #tpu.memory_space<vmem>>, vector<16xi32>,
        tpu.vector_store %arg6[%swap3A_939], %shift_right_logical3A_938 {strides = array<i32>} : memref<256xi32, #tpu.memory_space<vmem>>, vector<16xi32>,
        %and3A_941 = arith.constant 3 : i32
        %and3A_942 = vector.broadcast %and3A_941 : i32 to vector<16xi32>
        %and3A_943 = arith.andi %get3A_935, %and3A_942 : vector<16xi32>
        %shift_left3A_944 = arith.constant 5 : i32
        %shift_left3A_945 = vector.broadcast %shift_left3A_944 : i32 to vector<16xi32>
        %shift_left3A_946 = arith.shli %and3A_943, %shift_left3A_945 : vector<16xi32>
        %swap3A_947 = arith.constant 0 : index
        %swap3A_948 = tpu.vector_load %arg8[%swap3A_947] {strides = array<i32>} : memref<256xi32, #tpu.memory_space<vmem>>, vector<16xi32>,
        tpu.vector_store %arg8[%swap3A_947], %shift_left3A_946 {strides = array<i32>} : memref<256xi32, #tpu.memory_space<vmem>>, vector<16xi32>,
        %mul3A_949 = arith.constant 256 : i32
        %mul3A_950 = arith.muli %select_n3A_928, %mul3A_949 : i32
        %add3A_951 = arith.constant 16 : i32
        %add3A_952 = arith.addi %mul3A_950, %add3A_951 : i32
        %get3A_953 = arith.index_cast %select_n3A_912 : i32 to index
        %get3A_954 = arith.index_cast %add3A_952 : i32 to index
        %get3A_955 = tpu.vector_load %arg5[%get3A_953, %get3A_954] {strides = array<i32>} : memref<50x512xi32, #tpu.memory_space<vmem>>, vector<16xi32>,
        %shift_right_logical3A_956 = arith.constant 2 : i32
        %shift_right_logical3A_957 = vector.broadcast %shift_right_logical3A_956 : i32 to vector<16xi32>
        %shift_right_logical3A_958 = arith.shrui %get3A_955, %shift_right_logical3A_957 : vector<16xi32>
        %swap3A_959 = arith.constant 16 : index
        %swap3A_960 = tpu.vector_load %arg6[%swap3A_959] {strides = array<i32>} : memref<256xi32, #tpu.memory_space<vmem>>, vector<16xi32>,
        tpu.vector_store %arg6[%swap3A_959], %shift_right_logical3A_958 {strides = array<i32>} : memref<256xi32, #tpu.memory_space<vmem>>, vector<16xi32>,
        %and3A_961 = arith.constant 3 : i32
        %and3A_962 = vector.broadcast %and3A_961 : i32 to vector<16xi32>
        %and3A_963 = arith.andi %get3A_955, %and3A_962 : vector<16xi32>
        %shift_left3A_964 = arith.constant 5 : i32
        %shift_left3A_965 = vector.broadcast %shift_left3A_964 : i32 to vector<16xi32>
        %shift_left3A_966 = arith.shli %and3A_963, %shift_left3A_965 : vector<16xi32>
        %swap3A_967 = arith.constant 16 : index
        %swap3A_968 = tpu.vector_load %arg8[%swap3A_967] {strides = array<i32>} : memref<256xi32, #tpu.memory_space<vmem>>, vector<16xi32>,
        tpu.vector_store %arg8[%swap3A_967], %shift_left3A_966 {strides = array<i32>} : memref<256xi32, #tpu.memory_space<vmem>>, vector<16xi32>,
        %mul3A_969 = arith.constant 256 : i32
        %mul3A_970 = arith.muli %select_n3A_928, %mul3A_969 : i32
        %add3A_971 = arith.constant 32 : i32
        %add3A_972 = arith.addi %mul3A_970, %add3A_971 : i32
        %get3A_973 = arith.index_cast %select_n3A_912 : i32 to index
        %get3A_974 = arith.index_cast %add3A_972 : i32 to index
        %get3A_975 = tpu.vector_load %arg5[%get3A_973, %get3A_974] {strides = array<i32>} : memref<50x512xi32, #tpu.memory_space<vmem>>, vector<16xi32>,
        %shift_right_logical3A_976 = arith.constant 2 : i32
        %shift_right_logical3A_977 = vector.broadcast %shift_right_logical3A_976 : i32 to vector<16xi32>
        %shift_right_logical3A_978 = arith.shrui %get3A_975, %shift_right_logical3A_977 : vector<16xi32>
        %swap3A_979 = arith.constant 32 : index
        %swap3A_980 = tpu.vector_load %arg6[%swap3A_979] {strides = array<i32>} : memref<256xi32, #tpu.memory_space<vmem>>, vector<16xi32>,
        tpu.vector_store %arg6[%swap3A_979], %shift_right_logical3A_978 {strides = array<i32>} : memref<256xi32, #tpu.memory_space<vmem>>, vector<16xi32>,
        %and3A_981 = arith.constant 3 : i32
        %and3A_982 = vector.broadcast %and3A_981 : i32 to vector<16xi32>
        %and3A_983 = arith.andi %get3A_975, %and3A_982 : vector<16xi32>
        %shift_left3A_984 = arith.constant 5 : i32
        %shift_left3A_985 = vector.broadcast %shift_left3A_984 : i32 to vector<16xi32>
        %shift_left3A_986 = arith.shli %and3A_983, %shift_left3A_985 : vector<16xi32>
        %swap3A_987 = arith.constant 32 : index
        %swap3A_988 = tpu.vector_load %arg8[%swap3A_987] {strides = array<i32>} : memref<256xi32, #tpu.memory_space<vmem>>, vector<16xi32>,
        tpu.vector_store %arg8[%swap3A_987], %shift_left3A_986 {strides = array<i32>} : memref<256xi32, #tpu.memory_space<vmem>>, vector<16xi32>,
        %mul3A_989 = arith.constant 256 : i32
        %mul3A_990 = arith.muli %select_n3A_928, %mul3A_989 : i32
        %add3A_991 = arith.constant 48 : i32
        %add3A_992 = arith.addi %mul3A_990, %add3A_991 : i32
        %get3A_993 = arith.index_cast %select_n3A_912 : i32 to index
        %get3A_994 = arith.index_cast %add3A_992 : i32 to index
        %get3A_995 = tpu.vector_load %arg5[%get3A_993, %get3A_994] {strides = array<i32>} : memref<50x512xi32, #tpu.memory_space<vmem>>, vector<16xi32>,
        %shift_right_logical3A_996 = arith.constant 2 : i32
        %shift_right_logical3A_997 = vector.broadcast %shift_right_logical3A_996 : i32 to vector<16xi32>
        %shift_right_logical3A_998 = arith.shrui %get3A_995, %shift_right_logical3A_997 : vector<16xi32>
        %swap3A_999 = arith.constant 48 : index
        %swap3A_1000 = tpu.vector_load %arg6[%swap3A_999] {strides = array<i32>} : memref<256xi32, #tpu.memory_space<vmem>>, vector<16xi32>,
        tpu.vector_store %arg6[%swap3A_999], %shift_right_logical3A_998 {strides = array<i32>} : memref<256xi32, #tpu.memory_space<vmem>>, vector<16xi32>,
        %and3A_1001 = arith.constant 3 : i32
        %and3A_1002 = vector.broadcast %and3A_1001 : i32 to vector<16xi32>
        %and3A_1003 = arith.andi %get3A_995, %and3A_1002 : vector<16xi32>
        %shift_left3A_1004 = arith.constant 5 : i32
        %shift_left3A_1005 = vector.broadcast %shift_left3A_1004 : i32 to vector<16xi32>
        %shift_left3A_1006 = arith.shli %and3A_1003, %shift_left3A_1005 : vector<16xi32>
        %swap3A_1007 = arith.constant 48 : index
        %swap3A_1008 = tpu.vector_load %arg8[%swap3A_1007] {strides = array<i32>} : memref<256xi32, #tpu.memory_space<vmem>>, vector<16xi32>,
        tpu.vector_store %arg8[%swap3A_1007], %shift_left3A_1006 {strides = array<i32>} : memref<256xi32, #tpu.memory_space<vmem>>, vector<16xi32>,
        %mul3A_1009 = arith.constant 256 : i32
        %mul3A_1010 = arith.muli %select_n3A_928, %mul3A_1009 : i32
        %add3A_1011 = arith.constant 64 : i32
        %add3A_1012 = arith.addi %mul3A_1010, %add3A_1011 : i32
        %get3A_1013 = arith.index_cast %select_n3A_912 : i32 to index
        %get3A_1014 = arith.index_cast %add3A_1012 : i32 to index
        %get3A_1015 = tpu.vector_load %arg5[%get3A_1013, %get3A_1014] {strides = array<i32>} : memref<50x512xi32, #tpu.memory_space<vmem>>, vector<16xi32>,
        %shift_right_logical3A_1016 = arith.constant 2 : i32
        %shift_right_logical3A_1017 = vector.broadcast %shift_right_logical3A_1016 : i32 to vector<16xi32>
        %shift_right_logical3A_1018 = arith.shrui %get3A_1015, %shift_right_logical3A_1017 : vector<16xi32>
        %swap3A_1019 = arith.constant 64 : index
        %swap3A_1020 = tpu.vector_load %arg6[%swap3A_1019] {strides = array<i32>} : memref<256xi32, #tpu.memory_space<vmem>>, vector<16xi32>,
        tpu.vector_store %arg6[%swap3A_1019], %shift_right_logical3A_1018 {strides = array<i32>} : memref<256xi32, #tpu.memory_space<vmem>>, vector<16xi32>,
        %and3A_1021 = arith.constant 3 : i32
        %and3A_1022 = vector.broadcast %and3A_1021 : i32 to vector<16xi32>
        %and3A_1023 = arith.andi %get3A_1015, %and3A_1022 : vector<16xi32>
        %shift_left3A_1024 = arith.constant 5 : i32
        %shift_left3A_1025 = vector.broadcast %shift_left3A_1024 : i32 to vector<16xi32>
        %shift_left3A_1026 = arith.shli %and3A_1023, %shift_left3A_1025 : vector<16xi32>
        %swap3A_1027 = arith.constant 64 : index
        %swap3A_1028 = tpu.vector_load %arg8[%swap3A_1027] {strides = array<i32>} : memref<256xi32, #tpu.memory_space<vmem>>, vector<16xi32>,
        tpu.vector_store %arg8[%swap3A_1027], %shift_left3A_1026 {strides = array<i32>} : memref<256xi32, #tpu.memory_space<vmem>>, vector<16xi32>,
        %mul3A_1029 = arith.constant 256 : i32
        %mul3A_1030 = arith.muli %select_n3A_928, %mul3A_1029 : i32
        %add3A_1031 = arith.constant 80 : i32
        %add3A_1032 = arith.addi %mul3A_1030, %add3A_1031 : i32
        %get3A_1033 = arith.index_cast %select_n3A_912 : i32 to index
        %get3A_1034 = arith.index_cast %add3A_1032 : i32 to index
        %get3A_1035 = tpu.vector_load %arg5[%get3A_1033, %get3A_1034] {strides = array<i32>} : memref<50x512xi32, #tpu.memory_space<vmem>>, vector<16xi32>,
        %shift_right_logical3A_1036 = arith.constant 2 : i32
        %shift_right_logical3A_1037 = vector.broadcast %shift_right_logical3A_1036 : i32 to vector<16xi32>
        %shift_right_logical3A_1038 = arith.shrui %get3A_1035, %shift_right_logical3A_1037 : vector<16xi32>
        %swap3A_1039 = arith.constant 80 : index
        %swap3A_1040 = tpu.vector_load %arg6[%swap3A_1039] {strides = array<i32>} : memref<256xi32, #tpu.memory_space<vmem>>, vector<16xi32>,
        tpu.vector_store %arg6[%swap3A_1039], %shift_right_logical3A_1038 {strides = array<i32>} : memref<256xi32, #tpu.memory_space<vmem>>, vector<16xi32>,
        %and3A_1041 = arith.constant 3 : i32
        %and3A_1042 = vector.broadcast %and3A_1041 : i32 to vector<16xi32>
        %and3A_1043 = arith.andi %get3A_1035, %and3A_1042 : vector<16xi32>
        %shift_left3A_1044 = arith.constant 5 : i32
        %shift_left3A_1045 = vector.broadcast %shift_left3A_1044 : i32 to vector<16xi32>
        %shift_left3A_1046 = arith.shli %and3A_1043, %shift_left3A_1045 : vector<16xi32>
        %swap3A_1047 = arith.constant 80 : index
        %swap3A_1048 = tpu.vector_load %arg8[%swap3A_1047] {strides = array<i32>} : memref<256xi32, #tpu.memory_space<vmem>>, vector<16xi32>,
        tpu.vector_store %arg8[%swap3A_1047], %shift_left3A_1046 {strides = array<i32>} : memref<256xi32, #tpu.memory_space<vmem>>, vector<16xi32>,
        %mul3A_1049 = arith.constant 256 : i32
        %mul3A_1050 = arith.muli %select_n3A_928, %mul3A_1049 : i32
        %add3A_1051 = arith.constant 96 : i32
        %add3A_1052 = arith.addi %mul3A_1050, %add3A_1051 : i32
        %get3A_1053 = arith.index_cast %select_n3A_912 : i32 to index
        %get3A_1054 = arith.index_cast %add3A_1052 : i32 to index
        %get3A_1055 = tpu.vector_load %arg5[%get3A_1053, %get3A_1054] {strides = array<i32>} : memref<50x512xi32, #tpu.memory_space<vmem>>, vector<16xi32>,
        %shift_right_logical3A_1056 = arith.constant 2 : i32
        %shift_right_logical3A_1057 = vector.broadcast %shift_right_logical3A_1056 : i32 to vector<16xi32>
        %shift_right_logical3A_1058 = arith.shrui %get3A_1055, %shift_right_logical3A_1057 : vector<16xi32>
        %swap3A_1059 = arith.constant 96 : index
        %swap3A_1060 = tpu.vector_load %arg6[%swap3A_1059] {strides = array<i32>} : memref<256xi32, #tpu.memory_space<vmem>>, vector<16xi32>,
        tpu.vector_store %arg6[%swap3A_1059], %shift_right_logical3A_1058 {strides = array<i32>} : memref<256xi32, #tpu.memory_space<vmem>>, vector<16xi32>,
        %and3A_1061 = arith.constant 3 : i32
        %and3A_1062 = vector.broadcast %and3A_1061 : i32 to vector<16xi32>
        %and3A_1063 = arith.andi %get3A_1055, %and3A_1062 : vector<16xi32>
        %shift_left3A_1064 = arith.constant 5 : i32
        %shift_left3A_1065 = vector.broadcast %shift_left3A_1064 : i32 to vector<16xi32>
        %shift_left3A_1066 = arith.shli %and3A_1063, %shift_left3A_1065 : vector<16xi32>
        %swap3A_1067 = arith.constant 96 : index
        %swap3A_1068 = tpu.vector_load %arg8[%swap3A_1067] {strides = array<i32>} : memref<256xi32, #tpu.memory_space<vmem>>, vector<16xi32>,
        tpu.vector_store %arg8[%swap3A_1067], %shift_left3A_1066 {strides = array<i32>} : memref<256xi32, #tpu.memory_space<vmem>>, vector<16xi32>,
        %mul3A_1069 = arith.constant 256 : i32
        %mul3A_1070 = arith.muli %select_n3A_928, %mul3A_1069 : i32
        %add3A_1071 = arith.constant 112 : i32
        %add3A_1072 = arith.addi %mul3A_1070, %add3A_1071 : i32
        %get3A_1073 = arith.index_cast %select_n3A_912 : i32 to index
        %get3A_1074 = arith.index_cast %add3A_1072 : i32 to index
        %get3A_1075 = tpu.vector_load %arg5[%get3A_1073, %get3A_1074] {strides = array<i32>} : memref<50x512xi32, #tpu.memory_space<vmem>>, vector<16xi32>,
        %shift_right_logical3A_1076 = arith.constant 2 : i32
        %shift_right_logical3A_1077 = vector.broadcast %shift_right_logical3A_1076 : i32 to vector<16xi32>
        %shift_right_logical3A_1078 = arith.shrui %get3A_1075, %shift_right_logical3A_1077 : vector<16xi32>
        %swap3A_1079 = arith.constant 112 : index
        %swap3A_1080 = tpu.vector_load %arg6[%swap3A_1079] {strides = array<i32>} : memref<256xi32, #tpu.memory_space<vmem>>, vector<16xi32>,
        tpu.vector_store %arg6[%swap3A_1079], %shift_right_logical3A_1078 {strides = array<i32>} : memref<256xi32, #tpu.memory_space<vmem>>, vector<16xi32>,
        %and3A_1081 = arith.constant 3 : i32
        %and3A_1082 = vector.broadcast %and3A_1081 : i32 to vector<16xi32>
        %and3A_1083 = arith.andi %get3A_1075, %and3A_1082 : vector<16xi32>
        %shift_left3A_1084 = arith.constant 5 : i32
        %shift_left3A_1085 = vector.broadcast %shift_left3A_1084 : i32 to vector<16xi32>
        %shift_left3A_1086 = arith.shli %and3A_1083, %shift_left3A_1085 : vector<16xi32>
        %swap3A_1087 = arith.constant 112 : index
        %swap3A_1088 = tpu.vector_load %arg8[%swap3A_1087] {strides = array<i32>} : memref<256xi32, #tpu.memory_space<vmem>>, vector<16xi32>,
        tpu.vector_store %arg8[%swap3A_1087], %shift_left3A_1086 {strides = array<i32>} : memref<256xi32, #tpu.memory_space<vmem>>, vector<16xi32>,
        %mul3A_1089 = arith.constant 256 : i32
        %mul3A_1090 = arith.muli %select_n3A_928, %mul3A_1089 : i32
        %add3A_1091 = arith.constant 128 : i32
        %add3A_1092 = arith.addi %mul3A_1090, %add3A_1091 : i32
        %get3A_1093 = arith.index_cast %select_n3A_912 : i32 to index
        %get3A_1094 = arith.index_cast %add3A_1092 : i32 to index
        %get3A_1095 = tpu.vector_load %arg5[%get3A_1093, %get3A_1094] {strides = array<i32>} : memref<50x512xi32, #tpu.memory_space<vmem>>, vector<16xi32>,
        %shift_right_logical3A_1096 = arith.constant 2 : i32
        %shift_right_logical3A_1097 = vector.broadcast %shift_right_logical3A_1096 : i32 to vector<16xi32>
        %shift_right_logical3A_1098 = arith.shrui %get3A_1095, %shift_right_logical3A_1097 : vector<16xi32>
        %swap3A_1099 = arith.constant 128 : index
        %swap3A_1100 = tpu.vector_load %arg6[%swap3A_1099] {strides = array<i32>} : memref<256xi32, #tpu.memory_space<vmem>>, vector<16xi32>,
        tpu.vector_store %arg6[%swap3A_1099], %shift_right_logical3A_1098 {strides = array<i32>} : memref<256xi32, #tpu.memory_space<vmem>>, vector<16xi32>,
        %and3A_1101 = arith.constant 3 : i32
        %and3A_1102 = vector.broadcast %and3A_1101 : i32 to vector<16xi32>
        %and3A_1103 = arith.andi %get3A_1095, %and3A_1102 : vector<16xi32>
        %shift_left3A_1104 = arith.constant 5 : i32
        %shift_left3A_1105 = vector.broadcast %shift_left3A_1104 : i32 to vector<16xi32>
        %shift_left3A_1106 = arith.shli %and3A_1103, %shift_left3A_1105 : vector<16xi32>
        %swap3A_1107 = arith.constant 128 : index
        %swap3A_1108 = tpu.vector_load %arg8[%swap3A_1107] {strides = array<i32>} : memref<256xi32, #tpu.memory_space<vmem>>, vector<16xi32>,
        tpu.vector_store %arg8[%swap3A_1107], %shift_left3A_1106 {strides = array<i32>} : memref<256xi32, #tpu.memory_space<vmem>>, vector<16xi32>,
        %mul3A_1109 = arith.constant 256 : i32
        %mul3A_1110 = arith.muli %select_n3A_928, %mul3A_1109 : i32
        %add3A_1111 = arith.constant 144 : i32
        %add3A_1112 = arith.addi %mul3A_1110, %add3A_1111 : i32
        %get3A_1113 = arith.index_cast %select_n3A_912 : i32 to index
        %get3A_1114 = arith.index_cast %add3A_1112 : i32 to index
        %get3A_1115 = tpu.vector_load %arg5[%get3A_1113, %get3A_1114] {strides = array<i32>} : memref<50x512xi32, #tpu.memory_space<vmem>>, vector<16xi32>,
        %shift_right_logical3A_1116 = arith.constant 2 : i32
        %shift_right_logical3A_1117 = vector.broadcast %shift_right_logical3A_1116 : i32 to vector<16xi32>
        %shift_right_logical3A_1118 = arith.shrui %get3A_1115, %shift_right_logical3A_1117 : vector<16xi32>
        %swap3A_1119 = arith.constant 144 : index
        %swap3A_1120 = tpu.vector_load %arg6[%swap3A_1119] {strides = array<i32>} : memref<256xi32, #tpu.memory_space<vmem>>, vector<16xi32>,
        tpu.vector_store %arg6[%swap3A_1119], %shift_right_logical3A_1118 {strides = array<i32>} : memref<256xi32, #tpu.memory_space<vmem>>, vector<16xi32>,
        %and3A_1121 = arith.constant 3 : i32
        %and3A_1122 = vector.broadcast %and3A_1121 : i32 to vector<16xi32>
        %and3A_1123 = arith.andi %get3A_1115, %and3A_1122 : vector<16xi32>
        %shift_left3A_1124 = arith.constant 5 : i32
        %shift_left3A_1125 = vector.broadcast %shift_left3A_1124 : i32 to vector<16xi32>
        %shift_left3A_1126 = arith.shli %and3A_1123, %shift_left3A_1125 : vector<16xi32>
        %swap3A_1127 = arith.constant 144 : index
        %swap3A_1128 = tpu.vector_load %arg8[%swap3A_1127] {strides = array<i32>} : memref<256xi32, #tpu.memory_space<vmem>>, vector<16xi32>,
        tpu.vector_store %arg8[%swap3A_1127], %shift_left3A_1126 {strides = array<i32>} : memref<256xi32, #tpu.memory_space<vmem>>, vector<16xi32>,
        %mul3A_1129 = arith.constant 256 : i32
        %mul3A_1130 = arith.muli %select_n3A_928, %mul3A_1129 : i32
        %add3A_1131 = arith.constant 160 : i32
        %add3A_1132 = arith.addi %mul3A_1130, %add3A_1131 : i32
        %get3A_1133 = arith.index_cast %select_n3A_912 : i32 to index
        %get3A_1134 = arith.index_cast %add3A_1132 : i32 to index
        %get3A_1135 = tpu.vector_load %arg5[%get3A_1133, %get3A_1134] {strides = array<i32>} : memref<50x512xi32, #tpu.memory_space<vmem>>, vector<16xi32>,
        %shift_right_logical3A_1136 = arith.constant 2 : i32
        %shift_right_logical3A_1137 = vector.broadcast %shift_right_logical3A_1136 : i32 to vector<16xi32>
        %shift_right_logical3A_1138 = arith.shrui %get3A_1135, %shift_right_logical3A_1137 : vector<16xi32>
        %swap3A_1139 = arith.constant 160 : index
        %swap3A_1140 = tpu.vector_load %arg6[%swap3A_1139] {strides = array<i32>} : memref<256xi32, #tpu.memory_space<vmem>>, vector<16xi32>,
        tpu.vector_store %arg6[%swap3A_1139], %shift_right_logical3A_1138 {strides = array<i32>} : memref<256xi32, #tpu.memory_space<vmem>>, vector<16xi32>,
        %and3A_1141 = arith.constant 3 : i32
        %and3A_1142 = vector.broadcast %and3A_1141 : i32 to vector<16xi32>
        %and3A_1143 = arith.andi %get3A_1135, %and3A_1142 : vector<16xi32>
        %shift_left3A_1144 = arith.constant 5 : i32
        %shift_left3A_1145 = vector.broadcast %shift_left3A_1144 : i32 to vector<16xi32>
        %shift_left3A_1146 = arith.shli %and3A_1143, %shift_left3A_1145 : vector<16xi32>
        %swap3A_1147 = arith.constant 160 : index
        %swap3A_1148 = tpu.vector_load %arg8[%swap3A_1147] {strides = array<i32>} : memref<256xi32, #tpu.memory_space<vmem>>, vector<16xi32>,
        tpu.vector_store %arg8[%swap3A_1147], %shift_left3A_1146 {strides = array<i32>} : memref<256xi32, #tpu.memory_space<vmem>>, vector<16xi32>,
        %mul3A_1149 = arith.constant 256 : i32
        %mul3A_1150 = arith.muli %select_n3A_928, %mul3A_1149 : i32
        %add3A_1151 = arith.constant 176 : i32
        %add3A_1152 = arith.addi %mul3A_1150, %add3A_1151 : i32
        %get3A_1153 = arith.index_cast %select_n3A_912 : i32 to index
        %get3A_1154 = arith.index_cast %add3A_1152 : i32 to index
        %get3A_1155 = tpu.vector_load %arg5[%get3A_1153, %get3A_1154] {strides = array<i32>} : memref<50x512xi32, #tpu.memory_space<vmem>>, vector<16xi32>,
        %shift_right_logical3A_1156 = arith.constant 2 : i32
        %shift_right_logical3A_1157 = vector.broadcast %shift_right_logical3A_1156 : i32 to vector<16xi32>
        %shift_right_logical3A_1158 = arith.shrui %get3A_1155, %shift_right_logical3A_1157 : vector<16xi32>
        %swap3A_1159 = arith.constant 176 : index
        %swap3A_1160 = tpu.vector_load %arg6[%swap3A_1159] {strides = array<i32>} : memref<256xi32, #tpu.memory_space<vmem>>, vector<16xi32>,
        tpu.vector_store %arg6[%swap3A_1159], %shift_right_logical3A_1158 {strides = array<i32>} : memref<256xi32, #tpu.memory_space<vmem>>, vector<16xi32>,
        %and3A_1161 = arith.constant 3 : i32
        %and3A_1162 = vector.broadcast %and3A_1161 : i32 to vector<16xi32>
        %and3A_1163 = arith.andi %get3A_1155, %and3A_1162 : vector<16xi32>
        %shift_left3A_1164 = arith.constant 5 : i32
        %shift_left3A_1165 = vector.broadcast %shift_left3A_1164 : i32 to vector<16xi32>
        %shift_left3A_1166 = arith.shli %and3A_1163, %shift_left3A_1165 : vector<16xi32>
        %swap3A_1167 = arith.constant 176 : index
        %swap3A_1168 = tpu.vector_load %arg8[%swap3A_1167] {strides = array<i32>} : memref<256xi32, #tpu.memory_space<vmem>>, vector<16xi32>,
        tpu.vector_store %arg8[%swap3A_1167], %shift_left3A_1166 {strides = array<i32>} : memref<256xi32, #tpu.memory_space<vmem>>, vector<16xi32>,
        %mul3A_1169 = arith.constant 256 : i32
        %mul3A_1170 = arith.muli %select_n3A_928, %mul3A_1169 : i32
        %add3A_1171 = arith.constant 192 : i32
        %add3A_1172 = arith.addi %mul3A_1170, %add3A_1171 : i32
        %get3A_1173 = arith.index_cast %select_n3A_912 : i32 to index
        %get3A_1174 = arith.index_cast %add3A_1172 : i32 to index
        %get3A_1175 = tpu.vector_load %arg5[%get3A_1173, %get3A_1174] {strides = array<i32>} : memref<50x512xi32, #tpu.memory_space<vmem>>, vector<16xi32>,
        %shift_right_logical3A_1176 = arith.constant 2 : i32
        %shift_right_logical3A_1177 = vector.broadcast %shift_right_logical3A_1176 : i32 to vector<16xi32>
        %shift_right_logical3A_1178 = arith.shrui %get3A_1175, %shift_right_logical3A_1177 : vector<16xi32>
        %swap3A_1179 = arith.constant 192 : index
        %swap3A_1180 = tpu.vector_load %arg6[%swap3A_1179] {strides = array<i32>} : memref<256xi32, #tpu.memory_space<vmem>>, vector<16xi32>,
        tpu.vector_store %arg6[%swap3A_1179], %shift_right_logical3A_1178 {strides = array<i32>} : memref<256xi32, #tpu.memory_space<vmem>>, vector<16xi32>,
        %and3A_1181 = arith.constant 3 : i32
        %and3A_1182 = vector.broadcast %and3A_1181 : i32 to vector<16xi32>
        %and3A_1183 = arith.andi %get3A_1175, %and3A_1182 : vector<16xi32>
        %shift_left3A_1184 = arith.constant 5 : i32
        %shift_left3A_1185 = vector.broadcast %shift_left3A_1184 : i32 to vector<16xi32>
        %shift_left3A_1186 = arith.shli %and3A_1183, %shift_left3A_1185 : vector<16xi32>
        %swap3A_1187 = arith.constant 192 : index
        %swap3A_1188 = tpu.vector_load %arg8[%swap3A_1187] {strides = array<i32>} : memref<256xi32, #tpu.memory_space<vmem>>, vector<16xi32>,
        tpu.vector_store %arg8[%swap3A_1187], %shift_left3A_1186 {strides = array<i32>} : memref<256xi32, #tpu.memory_space<vmem>>, vector<16xi32>,
        %mul3A_1189 = arith.constant 256 : i32
        %mul3A_1190 = arith.muli %select_n3A_928, %mul3A_1189 : i32
        %add3A_1191 = arith.constant 208 : i32
        %add3A_1192 = arith.addi %mul3A_1190, %add3A_1191 : i32
        %get3A_1193 = arith.index_cast %select_n3A_912 : i32 to index
        %get3A_1194 = arith.index_cast %add3A_1192 : i32 to index
        %get3A_1195 = tpu.vector_load %arg5[%get3A_1193, %get3A_1194] {strides = array<i32>} : memref<50x512xi32, #tpu.memory_space<vmem>>, vector<16xi32>,
        %shift_right_logical3A_1196 = arith.constant 2 : i32
        %shift_right_logical3A_1197 = vector.broadcast %shift_right_logical3A_1196 : i32 to vector<16xi32>
        %shift_right_logical3A_1198 = arith.shrui %get3A_1195, %shift_right_logical3A_1197 : vector<16xi32>
        %swap3A_1199 = arith.constant 208 : index
        %swap3A_1200 = tpu.vector_load %arg6[%swap3A_1199] {strides = array<i32>} : memref<256xi32, #tpu.memory_space<vmem>>, vector<16xi32>,
        tpu.vector_store %arg6[%swap3A_1199], %shift_right_logical3A_1198 {strides = array<i32>} : memref<256xi32, #tpu.memory_space<vmem>>, vector<16xi32>,
        %and3A_1201 = arith.constant 3 : i32
        %and3A_1202 = vector.broadcast %and3A_1201 : i32 to vector<16xi32>
        %and3A_1203 = arith.andi %get3A_1195, %and3A_1202 : vector<16xi32>
        %shift_left3A_1204 = arith.constant 5 : i32
        %shift_left3A_1205 = vector.broadcast %shift_left3A_1204 : i32 to vector<16xi32>
        %shift_left3A_1206 = arith.shli %and3A_1203, %shift_left3A_1205 : vector<16xi32>
        %swap3A_1207 = arith.constant 208 : index
        %swap3A_1208 = tpu.vector_load %arg8[%swap3A_1207] {strides = array<i32>} : memref<256xi32, #tpu.memory_space<vmem>>, vector<16xi32>,
        tpu.vector_store %arg8[%swap3A_1207], %shift_left3A_1206 {strides = array<i32>} : memref<256xi32, #tpu.memory_space<vmem>>, vector<16xi32>,
        %mul3A_1209 = arith.constant 256 : i32
        %mul3A_1210 = arith.muli %select_n3A_928, %mul3A_1209 : i32
        %add3A_1211 = arith.constant 224 : i32
        %add3A_1212 = arith.addi %mul3A_1210, %add3A_1211 : i32
        %get3A_1213 = arith.index_cast %select_n3A_912 : i32 to index
        %get3A_1214 = arith.index_cast %add3A_1212 : i32 to index
        %get3A_1215 = tpu.vector_load %arg5[%get3A_1213, %get3A_1214] {strides = array<i32>} : memref<50x512xi32, #tpu.memory_space<vmem>>, vector<16xi32>,
        %shift_right_logical3A_1216 = arith.constant 2 : i32
        %shift_right_logical3A_1217 = vector.broadcast %shift_right_logical3A_1216 : i32 to vector<16xi32>
        %shift_right_logical3A_1218 = arith.shrui %get3A_1215, %shift_right_logical3A_1217 : vector<16xi32>
        %swap3A_1219 = arith.constant 224 : index
        %swap3A_1220 = tpu.vector_load %arg6[%swap3A_1219] {strides = array<i32>} : memref<256xi32, #tpu.memory_space<vmem>>, vector<16xi32>,
        tpu.vector_store %arg6[%swap3A_1219], %shift_right_logical3A_1218 {strides = array<i32>} : memref<256xi32, #tpu.memory_space<vmem>>, vector<16xi32>,
        %and3A_1221 = arith.constant 3 : i32
        %and3A_1222 = vector.broadcast %and3A_1221 : i32 to vector<16xi32>
        %and3A_1223 = arith.andi %get3A_1215, %and3A_1222 : vector<16xi32>
        %shift_left3A_1224 = arith.constant 5 : i32
        %shift_left3A_1225 = vector.broadcast %shift_left3A_1224 : i32 to vector<16xi32>
        %shift_left3A_1226 = arith.shli %and3A_1223, %shift_left3A_1225 : vector<16xi32>
        %swap3A_1227 = arith.constant 224 : index
        %swap3A_1228 = tpu.vector_load %arg8[%swap3A_1227] {strides = array<i32>} : memref<256xi32, #tpu.memory_space<vmem>>, vector<16xi32>,
        tpu.vector_store %arg8[%swap3A_1227], %shift_left3A_1226 {strides = array<i32>} : memref<256xi32, #tpu.memory_space<vmem>>, vector<16xi32>,
        %mul3A_1229 = arith.constant 256 : i32
        %mul3A_1230 = arith.muli %select_n3A_928, %mul3A_1229 : i32
        %add3A_1231 = arith.constant 240 : i32
        %add3A_1232 = arith.addi %mul3A_1230, %add3A_1231 : i32
        %get3A_1233 = arith.index_cast %select_n3A_912 : i32 to index
        %get3A_1234 = arith.index_cast %add3A_1232 : i32 to index
        %get3A_1235 = tpu.vector_load %arg5[%get3A_1233, %get3A_1234] {strides = array<i32>} : memref<50x512xi32, #tpu.memory_space<vmem>>, vector<16xi32>,
        %shift_right_logical3A_1236 = arith.constant 2 : i32
        %shift_right_logical3A_1237 = vector.broadcast %shift_right_logical3A_1236 : i32 to vector<16xi32>
        %shift_right_logical3A_1238 = arith.shrui %get3A_1235, %shift_right_logical3A_1237 : vector<16xi32>
        %swap3A_1239 = arith.constant 240 : index
        %swap3A_1240 = tpu.vector_load %arg6[%swap3A_1239] {strides = array<i32>} : memref<256xi32, #tpu.memory_space<vmem>>, vector<16xi32>,
        tpu.vector_store %arg6[%swap3A_1239], %shift_right_logical3A_1238 {strides = array<i32>} : memref<256xi32, #tpu.memory_space<vmem>>, vector<16xi32>,
        %and3A_1241 = arith.constant 3 : i32
        %and3A_1242 = vector.broadcast %and3A_1241 : i32 to vector<16xi32>
        %and3A_1243 = arith.andi %get3A_1235, %and3A_1242 : vector<16xi32>
        %shift_left3A_1244 = arith.constant 5 : i32
        %shift_left3A_1245 = vector.broadcast %shift_left3A_1244 : i32 to vector<16xi32>
        %shift_left3A_1246 = arith.shli %and3A_1243, %shift_left3A_1245 : vector<16xi32>
        %swap3A_1247 = arith.constant 240 : index
        %swap3A_1248 = tpu.vector_load %arg8[%swap3A_1247] {strides = array<i32>} : memref<256xi32, #tpu.memory_space<vmem>>, vector<16xi32>,
        tpu.vector_store %arg8[%swap3A_1247], %shift_left3A_1246 {strides = array<i32>} : memref<256xi32, #tpu.memory_space<vmem>>, vector<16xi32>,
        %dma_start3A_1249 = arith.constant 0 : i32
        %dma_start3A_1250 = arith.constant 0 : i32
        %dma_start3A_1251 = tpu.memref_slice %arg2[%dma_start3A_1249, %dma_start3A_1250] : memref<250000x128xf32, #tpu.memory_space<hbm>> -> memref<250000x128xf32, #tpu.memory_space<hbm>>
        tpu.enqueue_indirect_dma source(%dma_start3A_1251 : memref<250000x128xf32, #tpu.memory_space<hbm>>) target(%arg10 : memref<256x128xf32, #tpu.memory_space<vmem>>) offsets(%arg6 : memref<256xi32, #tpu.memory_space<vmem>>) semaphore(%arg14 : memref<!tpu.dma_semaphore, #tpu.memory_space<semaphore_mem>>)
      } else {
      }
      %add3A_819 = arith.constant 1 : i32
      %add3A_820 = arith.addi %mul3A_392, %add3A_819 : i32
      %dma_wait3A_821 = arith.constant 0 : i32
      %dma_wait3A_822 = arith.constant 0 : i32
      %dma_wait3A_823 = tpu.memref_slice %arg2[%dma_wait3A_821, %dma_wait3A_822] : memref<250000x128xf32, #tpu.memory_space<hbm>> -> memref<256x128xf32, #tpu.memory_space<hbm>>
      %dma_wait3A_824 = arith.constant 0 : i32
      %dma_wait3A_825 = arith.constant 0 : i32
      %dma_wait3A_826 = tpu.memref_slice %arg2[%dma_wait3A_824, %dma_wait3A_825] : memref<250000x128xf32, #tpu.memory_space<hbm>> -> memref<256x128xf32, #tpu.memory_space<hbm>>
      tpu.wait_dma2 semaphore(%arg15 : memref<!tpu.dma_semaphore, #tpu.memory_space<semaphore_mem>>) src(%dma_wait3A_826 : memref<256x128xf32, #tpu.memory_space<hbm>>) dst(%arg11 : memref<256x128xf32, #tpu.memory_space<vmem>>)
      %ge3A_827 = arith.constant 2 : i32
      %ge3A_828 = arith.cmpi sge, %add3A_820, %ge3A_827 : i32
      %convert_element_type3A_829 = arith.extui %ge3A_828 : i1 to i32
      %cond3A_830 = arith.constant 0 : i32
      %cond3A_831 = arith.cmpi ne, %convert_element_type3A_829, %cond3A_830 : i32
      scf.if %cond3A_831 {
        %dma_wait3A_887 = arith.constant 0 : i32
        %dma_wait3A_888 = arith.constant 0 : i32
        %dma_wait3A_889 = arith.constant 0 : i32
        %dma_wait3A_890 = tpu.memref_slice %arg4[%dma_wait3A_887, %dma_wait3A_888, %dma_wait3A_889] : memref<50x32x16384xf32, #tpu.memory_space<hbm>> -> memref<1x32x256xf32, #tpu.memory_space<hbm>>
        %dma_wait3A_891 = tpu.memref_squeeze %dma_wait3A_890 : memref<1x32x256xf32, #tpu.memory_space<hbm>> -> memref<32x256xf32, #tpu.memory_space<hbm>>
        %dma_wait3A_892 = arith.constant 0 : i32
        %dma_wait3A_893 = arith.constant 0 : i32
        %dma_wait3A_894 = tpu.memref_slice %arg4[%dma_wait3A_887, %dma_wait3A_892, %dma_wait3A_893] : memref<50x32x16384xf32, #tpu.memory_space<hbm>> -> memref<1x32x256xf32, #tpu.memory_space<hbm>>
        %dma_wait3A_895 = tpu.memref_squeeze %dma_wait3A_894 : memref<1x32x256xf32, #tpu.memory_space<hbm>> -> memref<32x256xf32, #tpu.memory_space<hbm>>
        tpu.wait_dma2 semaphore(%arg17 : memref<!tpu.dma_semaphore, #tpu.memory_space<semaphore_mem>>) src(%arg13 : memref<32x256xf32, #tpu.memory_space<vmem>>) dst(%dma_wait3A_895 : memref<32x256xf32, #tpu.memory_space<hbm>>)
      } else {
      }
      %scan3A_832 = arith.constant 0 : i32
      %scan3A_833 = arith.constant 0 : i32
      %scan3A_834 = arith.constant 16 : i32
      %scan3A_835 = arith.addi %scan3A_833, %scan3A_834 : i32
      %scan3A_836 = arith.constant 1 : i32
      scf.for %scan3A_887 = %scan3A_833 to %scan3A_835 step %scan3A_836  : i32 {
        %mul3A_888 = arith.constant 16 : i32
        %mul3A_889 = arith.muli %scan3A_887, %mul3A_888 : i32
        %add3A_890 = vector.broadcast %mul3A_889 : i32 to vector<16xi32>
        %add3A_891 = arith.addi %iota3A, %add3A_890 : vector<16xi32>
        %get3A_892 = arith.index_cast %mul3A_889 : i32 to index
        %get3A_893 = tpu.vector_load %arg9[%get3A_892] {strides = array<i32>} : memref<256xi32, #tpu.memory_space<vmem>>, vector<16xi32>,
        %add3A_894 = arith.constant 0 : i32
        %add3A_895 = vector.broadcast %add3A_894 : i32 to vector<16xi32>
        %add3A_896 = arith.addi %get3A_893, %add3A_895 : vector<16xi32>
        %add3A_897 = arith.addi %add3A_896, %and3A_3 : vector<16xi32>
        %gather3A = tpu.vector_load_idx %arg11[%add3A_891, %add3A_897] : memref<256x128xf32, #tpu.memory_space<vmem>>[vector<16xi32>, vector<16xi32>], vector<16xf32>,
        %add3A_898 = arith.constant 0 : i32
        %add3A_899 = vector.broadcast %add3A_898 : i32 to vector<16xi32>
        %add3A_900 = arith.addi %and3A_3, %add3A_899 : vector<16xi32>
        tpu.vector_store_idx %arg13[%add3A_900, %add3A_891], %gather3A : memref<32x256xf32, #tpu.memory_space<vmem>>[vector<16xi32>, vector<16xi32>], vector<16xf32>,
        %add3A_901 = arith.addi %add3A_896, %and3A_9 : vector<16xi32>
        %gather3A_902 = tpu.vector_load_idx %arg11[%add3A_891, %add3A_901] : memref<256x128xf32, #tpu.memory_space<vmem>>[vector<16xi32>, vector<16xi32>], vector<16xf32>,
        %add3A_903 = arith.constant 0 : i32
        %add3A_904 = vector.broadcast %add3A_903 : i32 to vector<16xi32>
        %add3A_905 = arith.addi %and3A_9, %add3A_904 : vector<16xi32>
        tpu.vector_store_idx %arg13[%add3A_905, %add3A_891], %gather3A_902 : memref<32x256xf32, #tpu.memory_space<vmem>>[vector<16xi32>, vector<16xi32>], vector<16xf32>,
        %add3A_906 = arith.addi %add3A_896, %and3A_15 : vector<16xi32>
        %gather3A_907 = tpu.vector_load_idx %arg11[%add3A_891, %add3A_906] : memref<256x128xf32, #tpu.memory_space<vmem>>[vector<16xi32>, vector<16xi32>], vector<16xf32>,
        %add3A_908 = arith.constant 0 : i32
        %add3A_909 = vector.broadcast %add3A_908 : i32 to vector<16xi32>
        %add3A_910 = arith.addi %and3A_15, %add3A_909 : vector<16xi32>
        tpu.vector_store_idx %arg13[%add3A_910, %add3A_891], %gather3A_907 : memref<32x256xf32, #tpu.memory_space<vmem>>[vector<16xi32>, vector<16xi32>], vector<16xf32>,
        %add3A_911 = arith.addi %add3A_896, %and3A_21 : vector<16xi32>
        %gather3A_912 = tpu.vector_load_idx %arg11[%add3A_891, %add3A_911] : memref<256x128xf32, #tpu.memory_space<vmem>>[vector<16xi32>, vector<16xi32>], vector<16xf32>,
        %add3A_913 = arith.constant 0 : i32
        %add3A_914 = vector.broadcast %add3A_913 : i32 to vector<16xi32>
        %add3A_915 = arith.addi %and3A_21, %add3A_914 : vector<16xi32>
        tpu.vector_store_idx %arg13[%add3A_915, %add3A_891], %gather3A_912 : memref<32x256xf32, #tpu.memory_space<vmem>>[vector<16xi32>, vector<16xi32>], vector<16xf32>,
        %add3A_916 = arith.addi %add3A_896, %and3A_27 : vector<16xi32>
        %gather3A_917 = tpu.vector_load_idx %arg11[%add3A_891, %add3A_916] : memref<256x128xf32, #tpu.memory_space<vmem>>[vector<16xi32>, vector<16xi32>], vector<16xf32>,
        %add3A_918 = arith.constant 0 : i32
        %add3A_919 = vector.broadcast %add3A_918 : i32 to vector<16xi32>
        %add3A_920 = arith.addi %and3A_27, %add3A_919 : vector<16xi32>
        tpu.vector_store_idx %arg13[%add3A_920, %add3A_891], %gather3A_917 : memref<32x256xf32, #tpu.memory_space<vmem>>[vector<16xi32>, vector<16xi32>], vector<16xf32>,
        %add3A_921 = arith.addi %add3A_896, %and3A_33 : vector<16xi32>
        %gather3A_922 = tpu.vector_load_idx %arg11[%add3A_891, %add3A_921] : memref<256x128xf32, #tpu.memory_space<vmem>>[vector<16xi32>, vector<16xi32>], vector<16xf32>,
        %add3A_923 = arith.constant 0 : i32
        %add3A_924 = vector.broadcast %add3A_923 : i32 to vector<16xi32>
        %add3A_925 = arith.addi %and3A_33, %add3A_924 : vector<16xi32>
        tpu.vector_store_idx %arg13[%add3A_925, %add3A_891], %gather3A_922 : memref<32x256xf32, #tpu.memory_space<vmem>>[vector<16xi32>, vector<16xi32>], vector<16xf32>,
        %add3A_926 = arith.addi %add3A_896, %and3A_39 : vector<16xi32>
        %gather3A_927 = tpu.vector_load_idx %arg11[%add3A_891, %add3A_926] : memref<256x128xf32, #tpu.memory_space<vmem>>[vector<16xi32>, vector<16xi32>], vector<16xf32>,
        %add3A_928 = arith.constant 0 : i32
        %add3A_929 = vector.broadcast %add3A_928 : i32 to vector<16xi32>
        %add3A_930 = arith.addi %and3A_39, %add3A_929 : vector<16xi32>
        tpu.vector_store_idx %arg13[%add3A_930, %add3A_891], %gather3A_927 : memref<32x256xf32, #tpu.memory_space<vmem>>[vector<16xi32>, vector<16xi32>], vector<16xf32>,
        %add3A_931 = arith.addi %add3A_896, %and3A_45 : vector<16xi32>
        %gather3A_932 = tpu.vector_load_idx %arg11[%add3A_891, %add3A_931] : memref<256x128xf32, #tpu.memory_space<vmem>>[vector<16xi32>, vector<16xi32>], vector<16xf32>,
        %add3A_933 = arith.constant 0 : i32
        %add3A_934 = vector.broadcast %add3A_933 : i32 to vector<16xi32>
        %add3A_935 = arith.addi %and3A_45, %add3A_934 : vector<16xi32>
        tpu.vector_store_idx %arg13[%add3A_935, %add3A_891], %gather3A_932 : memref<32x256xf32, #tpu.memory_space<vmem>>[vector<16xi32>, vector<16xi32>], vector<16xf32>,
        %add3A_936 = arith.addi %add3A_896, %and3A_51 : vector<16xi32>
        %gather3A_937 = tpu.vector_load_idx %arg11[%add3A_891, %add3A_936] : memref<256x128xf32, #tpu.memory_space<vmem>>[vector<16xi32>, vector<16xi32>], vector<16xf32>,
        %add3A_938 = arith.constant 0 : i32
        %add3A_939 = vector.broadcast %add3A_938 : i32 to vector<16xi32>
        %add3A_940 = arith.addi %and3A_51, %add3A_939 : vector<16xi32>
        tpu.vector_store_idx %arg13[%add3A_940, %add3A_891], %gather3A_937 : memref<32x256xf32, #tpu.memory_space<vmem>>[vector<16xi32>, vector<16xi32>], vector<16xf32>,
        %add3A_941 = arith.addi %add3A_896, %and3A_57 : vector<16xi32>
        %gather3A_942 = tpu.vector_load_idx %arg11[%add3A_891, %add3A_941] : memref<256x128xf32, #tpu.memory_space<vmem>>[vector<16xi32>, vector<16xi32>], vector<16xf32>,
        %add3A_943 = arith.constant 0 : i32
        %add3A_944 = vector.broadcast %add3A_943 : i32 to vector<16xi32>
        %add3A_945 = arith.addi %and3A_57, %add3A_944 : vector<16xi32>
        tpu.vector_store_idx %arg13[%add3A_945, %add3A_891], %gather3A_942 : memref<32x256xf32, #tpu.memory_space<vmem>>[vector<16xi32>, vector<16xi32>], vector<16xf32>,
        %add3A_946 = arith.addi %add3A_896, %and3A_63 : vector<16xi32>
        %gather3A_947 = tpu.vector_load_idx %arg11[%add3A_891, %add3A_946] : memref<256x128xf32, #tpu.memory_space<vmem>>[vector<16xi32>, vector<16xi32>], vector<16xf32>,
        %add3A_948 = arith.constant 0 : i32
        %add3A_949 = vector.broadcast %add3A_948 : i32 to vector<16xi32>
        %add3A_950 = arith.addi %and3A_63, %add3A_949 : vector<16xi32>
        tpu.vector_store_idx %arg13[%add3A_950, %add3A_891], %gather3A_947 : memref<32x256xf32, #tpu.memory_space<vmem>>[vector<16xi32>, vector<16xi32>], vector<16xf32>,
        %add3A_951 = arith.addi %add3A_896, %and3A_69 : vector<16xi32>
        %gather3A_952 = tpu.vector_load_idx %arg11[%add3A_891, %add3A_951] : memref<256x128xf32, #tpu.memory_space<vmem>>[vector<16xi32>, vector<16xi32>], vector<16xf32>,
        %add3A_953 = arith.constant 0 : i32
        %add3A_954 = vector.broadcast %add3A_953 : i32 to vector<16xi32>
        %add3A_955 = arith.addi %and3A_69, %add3A_954 : vector<16xi32>
        tpu.vector_store_idx %arg13[%add3A_955, %add3A_891], %gather3A_952 : memref<32x256xf32, #tpu.memory_space<vmem>>[vector<16xi32>, vector<16xi32>], vector<16xf32>,
        %add3A_956 = arith.addi %add3A_896, %and3A_75 : vector<16xi32>
        %gather3A_957 = tpu.vector_load_idx %arg11[%add3A_891, %add3A_956] : memref<256x128xf32, #tpu.memory_space<vmem>>[vector<16xi32>, vector<16xi32>], vector<16xf32>,
        %add3A_958 = arith.constant 0 : i32
        %add3A_959 = vector.broadcast %add3A_958 : i32 to vector<16xi32>
        %add3A_960 = arith.addi %and3A_75, %add3A_959 : vector<16xi32>
        tpu.vector_store_idx %arg13[%add3A_960, %add3A_891], %gather3A_957 : memref<32x256xf32, #tpu.memory_space<vmem>>[vector<16xi32>, vector<16xi32>], vector<16xf32>,
        %add3A_961 = arith.addi %add3A_896, %and3A_81 : vector<16xi32>
        %gather3A_962 = tpu.vector_load_idx %arg11[%add3A_891, %add3A_961] : memref<256x128xf32, #tpu.memory_space<vmem>>[vector<16xi32>, vector<16xi32>], vector<16xf32>,
        %add3A_963 = arith.constant 0 : i32
        %add3A_964 = vector.broadcast %add3A_963 : i32 to vector<16xi32>
        %add3A_965 = arith.addi %and3A_81, %add3A_964 : vector<16xi32>
        tpu.vector_store_idx %arg13[%add3A_965, %add3A_891], %gather3A_962 : memref<32x256xf32, #tpu.memory_space<vmem>>[vector<16xi32>, vector<16xi32>], vector<16xf32>,
        %add3A_966 = arith.addi %add3A_896, %and3A_87 : vector<16xi32>
        %gather3A_967 = tpu.vector_load_idx %arg11[%add3A_891, %add3A_966] : memref<256x128xf32, #tpu.memory_space<vmem>>[vector<16xi32>, vector<16xi32>], vector<16xf32>,
        %add3A_968 = arith.constant 0 : i32
        %add3A_969 = vector.broadcast %add3A_968 : i32 to vector<16xi32>
        %add3A_970 = arith.addi %and3A_87, %add3A_969 : vector<16xi32>
        tpu.vector_store_idx %arg13[%add3A_970, %add3A_891], %gather3A_967 : memref<32x256xf32, #tpu.memory_space<vmem>>[vector<16xi32>, vector<16xi32>], vector<16xf32>,
        %add3A_971 = arith.addi %add3A_896, %and3A_93 : vector<16xi32>
        %gather3A_972 = tpu.vector_load_idx %arg11[%add3A_891, %add3A_971] : memref<256x128xf32, #tpu.memory_space<vmem>>[vector<16xi32>, vector<16xi32>], vector<16xf32>,
        %add3A_973 = arith.constant 0 : i32
        %add3A_974 = vector.broadcast %add3A_973 : i32 to vector<16xi32>
        %add3A_975 = arith.addi %and3A_93, %add3A_974 : vector<16xi32>
        tpu.vector_store_idx %arg13[%add3A_975, %add3A_891], %gather3A_972 : memref<32x256xf32, #tpu.memory_space<vmem>>[vector<16xi32>, vector<16xi32>], vector<16xf32>,
        %add3A_976 = arith.constant 16 : i32
        %add3A_977 = vector.broadcast %add3A_976 : i32 to vector<16xi32>
        %add3A_978 = arith.addi %get3A_893, %add3A_977 : vector<16xi32>
        %add3A_979 = arith.addi %add3A_978, %and3A_3 : vector<16xi32>
        %gather3A_980 = tpu.vector_load_idx %arg11[%add3A_891, %add3A_979] : memref<256x128xf32, #tpu.memory_space<vmem>>[vector<16xi32>, vector<16xi32>], vector<16xf32>,
        %add3A_981 = arith.constant 16 : i32
        %add3A_982 = vector.broadcast %add3A_981 : i32 to vector<16xi32>
        %add3A_983 = arith.addi %and3A_3, %add3A_982 : vector<16xi32>
        tpu.vector_store_idx %arg13[%add3A_983, %add3A_891], %gather3A_980 : memref<32x256xf32, #tpu.memory_space<vmem>>[vector<16xi32>, vector<16xi32>], vector<16xf32>,
        %add3A_984 = arith.addi %add3A_978, %and3A_9 : vector<16xi32>
        %gather3A_985 = tpu.vector_load_idx %arg11[%add3A_891, %add3A_984] : memref<256x128xf32, #tpu.memory_space<vmem>>[vector<16xi32>, vector<16xi32>], vector<16xf32>,
        %add3A_986 = arith.constant 16 : i32
        %add3A_987 = vector.broadcast %add3A_986 : i32 to vector<16xi32>
        %add3A_988 = arith.addi %and3A_9, %add3A_987 : vector<16xi32>
        tpu.vector_store_idx %arg13[%add3A_988, %add3A_891], %gather3A_985 : memref<32x256xf32, #tpu.memory_space<vmem>>[vector<16xi32>, vector<16xi32>], vector<16xf32>,
        %add3A_989 = arith.addi %add3A_978, %and3A_15 : vector<16xi32>
        %gather3A_990 = tpu.vector_load_idx %arg11[%add3A_891, %add3A_989] : memref<256x128xf32, #tpu.memory_space<vmem>>[vector<16xi32>, vector<16xi32>], vector<16xf32>,
        %add3A_991 = arith.constant 16 : i32
        %add3A_992 = vector.broadcast %add3A_991 : i32 to vector<16xi32>
        %add3A_993 = arith.addi %and3A_15, %add3A_992 : vector<16xi32>
        tpu.vector_store_idx %arg13[%add3A_993, %add3A_891], %gather3A_990 : memref<32x256xf32, #tpu.memory_space<vmem>>[vector<16xi32>, vector<16xi32>], vector<16xf32>,
        %add3A_994 = arith.addi %add3A_978, %and3A_21 : vector<16xi32>
        %gather3A_995 = tpu.vector_load_idx %arg11[%add3A_891, %add3A_994] : memref<256x128xf32, #tpu.memory_space<vmem>>[vector<16xi32>, vector<16xi32>], vector<16xf32>,
        %add3A_996 = arith.constant 16 : i32
        %add3A_997 = vector.broadcast %add3A_996 : i32 to vector<16xi32>
        %add3A_998 = arith.addi %and3A_21, %add3A_997 : vector<16xi32>
        tpu.vector_store_idx %arg13[%add3A_998, %add3A_891], %gather3A_995 : memref<32x256xf32, #tpu.memory_space<vmem>>[vector<16xi32>, vector<16xi32>], vector<16xf32>,
        %add3A_999 = arith.addi %add3A_978, %and3A_27 : vector<16xi32>
        %gather3A_1000 = tpu.vector_load_idx %arg11[%add3A_891, %add3A_999] : memref<256x128xf32, #tpu.memory_space<vmem>>[vector<16xi32>, vector<16xi32>], vector<16xf32>,
        %add3A_1001 = arith.constant 16 : i32
        %add3A_1002 = vector.broadcast %add3A_1001 : i32 to vector<16xi32>
        %add3A_1003 = arith.addi %and3A_27, %add3A_1002 : vector<16xi32>
        tpu.vector_store_idx %arg13[%add3A_1003, %add3A_891], %gather3A_1000 : memref<32x256xf32, #tpu.memory_space<vmem>>[vector<16xi32>, vector<16xi32>], vector<16xf32>,
        %add3A_1004 = arith.addi %add3A_978, %and3A_33 : vector<16xi32>
        %gather3A_1005 = tpu.vector_load_idx %arg11[%add3A_891, %add3A_1004] : memref<256x128xf32, #tpu.memory_space<vmem>>[vector<16xi32>, vector<16xi32>], vector<16xf32>,
        %add3A_1006 = arith.constant 16 : i32
        %add3A_1007 = vector.broadcast %add3A_1006 : i32 to vector<16xi32>
        %add3A_1008 = arith.addi %and3A_33, %add3A_1007 : vector<16xi32>
        tpu.vector_store_idx %arg13[%add3A_1008, %add3A_891], %gather3A_1005 : memref<32x256xf32, #tpu.memory_space<vmem>>[vector<16xi32>, vector<16xi32>], vector<16xf32>,
        %add3A_1009 = arith.addi %add3A_978, %and3A_39 : vector<16xi32>
        %gather3A_1010 = tpu.vector_load_idx %arg11[%add3A_891, %add3A_1009] : memref<256x128xf32, #tpu.memory_space<vmem>>[vector<16xi32>, vector<16xi32>], vector<16xf32>,
        %add3A_1011 = arith.constant 16 : i32
        %add3A_1012 = vector.broadcast %add3A_1011 : i32 to vector<16xi32>
        %add3A_1013 = arith.addi %and3A_39, %add3A_1012 : vector<16xi32>
        tpu.vector_store_idx %arg13[%add3A_1013, %add3A_891], %gather3A_1010 : memref<32x256xf32, #tpu.memory_space<vmem>>[vector<16xi32>, vector<16xi32>], vector<16xf32>,
        %add3A_1014 = arith.addi %add3A_978, %and3A_45 : vector<16xi32>
        %gather3A_1015 = tpu.vector_load_idx %arg11[%add3A_891, %add3A_1014] : memref<256x128xf32, #tpu.memory_space<vmem>>[vector<16xi32>, vector<16xi32>], vector<16xf32>,
        %add3A_1016 = arith.constant 16 : i32
        %add3A_1017 = vector.broadcast %add3A_1016 : i32 to vector<16xi32>
        %add3A_1018 = arith.addi %and3A_45, %add3A_1017 : vector<16xi32>
        tpu.vector_store_idx %arg13[%add3A_1018, %add3A_891], %gather3A_1015 : memref<32x256xf32, #tpu.memory_space<vmem>>[vector<16xi32>, vector<16xi32>], vector<16xf32>,
        %add3A_1019 = arith.addi %add3A_978, %and3A_51 : vector<16xi32>
        %gather3A_1020 = tpu.vector_load_idx %arg11[%add3A_891, %add3A_1019] : memref<256x128xf32, #tpu.memory_space<vmem>>[vector<16xi32>, vector<16xi32>], vector<16xf32>,
        %add3A_1021 = arith.constant 16 : i32
        %add3A_1022 = vector.broadcast %add3A_1021 : i32 to vector<16xi32>
        %add3A_1023 = arith.addi %and3A_51, %add3A_1022 : vector<16xi32>
        tpu.vector_store_idx %arg13[%add3A_1023, %add3A_891], %gather3A_1020 : memref<32x256xf32, #tpu.memory_space<vmem>>[vector<16xi32>, vector<16xi32>], vector<16xf32>,
        %add3A_1024 = arith.addi %add3A_978, %and3A_57 : vector<16xi32>
        %gather3A_1025 = tpu.vector_load_idx %arg11[%add3A_891, %add3A_1024] : memref<256x128xf32, #tpu.memory_space<vmem>>[vector<16xi32>, vector<16xi32>], vector<16xf32>,
        %add3A_1026 = arith.constant 16 : i32
        %add3A_1027 = vector.broadcast %add3A_1026 : i32 to vector<16xi32>
        %add3A_1028 = arith.addi %and3A_57, %add3A_1027 : vector<16xi32>
        tpu.vector_store_idx %arg13[%add3A_1028, %add3A_891], %gather3A_1025 : memref<32x256xf32, #tpu.memory_space<vmem>>[vector<16xi32>, vector<16xi32>], vector<16xf32>,
        %add3A_1029 = arith.addi %add3A_978, %and3A_63 : vector<16xi32>
        %gather3A_1030 = tpu.vector_load_idx %arg11[%add3A_891, %add3A_1029] : memref<256x128xf32, #tpu.memory_space<vmem>>[vector<16xi32>, vector<16xi32>], vector<16xf32>,
        %add3A_1031 = arith.constant 16 : i32
        %add3A_1032 = vector.broadcast %add3A_1031 : i32 to vector<16xi32>
        %add3A_1033 = arith.addi %and3A_63, %add3A_1032 : vector<16xi32>
        tpu.vector_store_idx %arg13[%add3A_1033, %add3A_891], %gather3A_1030 : memref<32x256xf32, #tpu.memory_space<vmem>>[vector<16xi32>, vector<16xi32>], vector<16xf32>,
        %add3A_1034 = arith.addi %add3A_978, %and3A_69 : vector<16xi32>
        %gather3A_1035 = tpu.vector_load_idx %arg11[%add3A_891, %add3A_1034] : memref<256x128xf32, #tpu.memory_space<vmem>>[vector<16xi32>, vector<16xi32>], vector<16xf32>,
        %add3A_1036 = arith.constant 16 : i32
        %add3A_1037 = vector.broadcast %add3A_1036 : i32 to vector<16xi32>
        %add3A_1038 = arith.addi %and3A_69, %add3A_1037 : vector<16xi32>
        tpu.vector_store_idx %arg13[%add3A_1038, %add3A_891], %gather3A_1035 : memref<32x256xf32, #tpu.memory_space<vmem>>[vector<16xi32>, vector<16xi32>], vector<16xf32>,
        %add3A_1039 = arith.addi %add3A_978, %and3A_75 : vector<16xi32>
        %gather3A_1040 = tpu.vector_load_idx %arg11[%add3A_891, %add3A_1039] : memref<256x128xf32, #tpu.memory_space<vmem>>[vector<16xi32>, vector<16xi32>], vector<16xf32>,
        %add3A_1041 = arith.constant 16 : i32
        %add3A_1042 = vector.broadcast %add3A_1041 : i32 to vector<16xi32>
        %add3A_1043 = arith.addi %and3A_75, %add3A_1042 : vector<16xi32>
        tpu.vector_store_idx %arg13[%add3A_1043, %add3A_891], %gather3A_1040 : memref<32x256xf32, #tpu.memory_space<vmem>>[vector<16xi32>, vector<16xi32>], vector<16xf32>,
        %add3A_1044 = arith.addi %add3A_978, %and3A_81 : vector<16xi32>
        %gather3A_1045 = tpu.vector_load_idx %arg11[%add3A_891, %add3A_1044] : memref<256x128xf32, #tpu.memory_space<vmem>>[vector<16xi32>, vector<16xi32>], vector<16xf32>,
        %add3A_1046 = arith.constant 16 : i32
        %add3A_1047 = vector.broadcast %add3A_1046 : i32 to vector<16xi32>
        %add3A_1048 = arith.addi %and3A_81, %add3A_1047 : vector<16xi32>
        tpu.vector_store_idx %arg13[%add3A_1048, %add3A_891], %gather3A_1045 : memref<32x256xf32, #tpu.memory_space<vmem>>[vector<16xi32>, vector<16xi32>], vector<16xf32>,
        %add3A_1049 = arith.addi %add3A_978, %and3A_87 : vector<16xi32>
        %gather3A_1050 = tpu.vector_load_idx %arg11[%add3A_891, %add3A_1049] : memref<256x128xf32, #tpu.memory_space<vmem>>[vector<16xi32>, vector<16xi32>], vector<16xf32>,
        %add3A_1051 = arith.constant 16 : i32
        %add3A_1052 = vector.broadcast %add3A_1051 : i32 to vector<16xi32>
        %add3A_1053 = arith.addi %and3A_87, %add3A_1052 : vector<16xi32>
        tpu.vector_store_idx %arg13[%add3A_1053, %add3A_891], %gather3A_1050 : memref<32x256xf32, #tpu.memory_space<vmem>>[vector<16xi32>, vector<16xi32>], vector<16xf32>,
        %add3A_1054 = arith.addi %add3A_978, %and3A_93 : vector<16xi32>
        %gather3A_1055 = tpu.vector_load_idx %arg11[%add3A_891, %add3A_1054] : memref<256x128xf32, #tpu.memory_space<vmem>>[vector<16xi32>, vector<16xi32>], vector<16xf32>,
        %add3A_1056 = arith.constant 16 : i32
        %add3A_1057 = vector.broadcast %add3A_1056 : i32 to vector<16xi32>
        %add3A_1058 = arith.addi %and3A_93, %add3A_1057 : vector<16xi32>
        tpu.vector_store_idx %arg13[%add3A_1058, %add3A_891], %gather3A_1055 : memref<32x256xf32, #tpu.memory_space<vmem>>[vector<16xi32>, vector<16xi32>], vector<16xf32>,
      }
      %scan3A_837 = arith.constant 16 : i32
      %jit3A_838 = arith.constant 2 : i32
      %div3A_839 = arith.divsi %add3A_820, %jit3A_838 : i32
      %sign3A_840 = arith.constant 0 : i32
      %sign3A_841 = arith.cmpi sgt, %add3A_820, %sign3A_840 : i32
      %sign3A_842 = arith.extui %sign3A_841 : i1 to i32
      %sign3A_843 = arith.constant 0 : i32
      %sign3A_844 = arith.cmpi slt, %add3A_820, %sign3A_843 : i32
      %sign3A_845 = arith.extui %sign3A_844 : i1 to i32
      %sign3A_846 = arith.subi %sign3A_842, %sign3A_845 : i32
      %sign3A_847 = arith.constant 0 : i32
      %sign3A_848 = arith.cmpi sgt, %jit3A_838, %sign3A_847 : i32
      %sign3A_849 = arith.extui %sign3A_848 : i1 to i32
      %sign3A_850 = arith.constant 0 : i32
      %sign3A_851 = arith.cmpi slt, %jit3A_838, %sign3A_850 : i32
      %sign3A_852 = arith.extui %sign3A_851 : i1 to i32
      %sign3A_853 = arith.subi %sign3A_849, %sign3A_852 : i32
      %ne3A_854 = arith.cmpi ne, %sign3A_846, %sign3A_853 : i32
      %rem3A_855 = arith.remsi %add3A_820, %jit3A_838 : i32
      %ne3A_856 = arith.constant 0 : i32
      %ne3A_857 = arith.cmpi ne, %rem3A_855, %ne3A_856 : i32
      %and3A_858 = arith.andi %ne3A_854, %ne3A_857 : i1
      %sub3A_859 = arith.constant 1 : i32
      %sub3A_860 = arith.subi %div3A_839, %sub3A_859 : i32
      %select_n3A_861 = arith.select %and3A_858, %sub3A_860, %div3A_839 : i32
      %jit3A_862 = arith.constant 2 : i32
      %eq3A_863 = arith.constant 0 : i32
      %eq3A_864 = arith.cmpi eq, %jit3A_862, %eq3A_863 : i32
      %jit3A_865 = arith.constant 1 : i32
      %select_n3A_866 = arith.select %eq3A_864, %jit3A_865, %jit3A_862 : i32
      %rem3A_867 = arith.remsi %add3A_820, %select_n3A_866 : i32
      %ne3A_868 = arith.constant 0 : i32
      %ne3A_869 = arith.cmpi ne, %rem3A_867, %ne3A_868 : i32
      %lt3A_870 = arith.constant 0 : i32
      %lt3A_871 = arith.cmpi slt, %rem3A_867, %lt3A_870 : i32
      %lt3A_872 = arith.constant 0 : i32
      %lt3A_873 = arith.cmpi slt, %select_n3A_866, %lt3A_872 : i32
      %ne3A_874 = arith.xori %lt3A_871, %lt3A_873 : i1
      %and3A_875 = arith.andi %ne3A_874, %ne3A_869 : i1
      %add3A_876 = arith.addi %rem3A_867, %select_n3A_866 : i32
      %select_n3A_877 = arith.select %and3A_875, %add3A_876, %rem3A_867 : i32
      %mul3A_878 = arith.constant 256 : i32
      %mul3A_879 = arith.muli %select_n3A_877, %mul3A_878 : i32
      %add3A_880 = arith.addi %mul3A_97, %mul3A_879 : i32
      %dma_start3A_881 = arith.constant 0 : i32
      %dma_start3A_882 = tpu.memref_slice %arg4[%select_n3A_861, %dma_start3A_881, %add3A_880] : memref<50x32x16384xf32, #tpu.memory_space<hbm>> -> memref<1x32x256xf32, #tpu.memory_space<hbm>>
      %dma_start3A_883 = tpu.memref_squeeze %dma_start3A_882 : memref<1x32x256xf32, #tpu.memory_space<hbm>> -> memref<32x256xf32, #tpu.memory_space<hbm>>
      %dma_start3A_884 = arith.constant 0 : i32
      %dma_start3A_885 = tpu.memref_slice %arg4[%select_n3A_861, %dma_start3A_884, %add3A_880] : memref<50x32x16384xf32, #tpu.memory_space<hbm>> -> memref<1x32x256xf32, #tpu.memory_space<hbm>>
      %dma_start3A_886 = tpu.memref_squeeze %dma_start3A_885 : memref<1x32x256xf32, #tpu.memory_space<hbm>> -> memref<32x256xf32, #tpu.memory_space<hbm>>
      tpu.enqueue_dma source(%arg13 : memref<32x256xf32, #tpu.memory_space<vmem>>) target(%dma_start3A_886 : memref<32x256xf32, #tpu.memory_space<hbm>>) target_semaphore(%arg17 : memref<!tpu.dma_semaphore, #tpu.memory_space<semaphore_mem>>)
    }
    %scan3A_372 = arith.constant 50 : i32
    %dma_wait3A = arith.constant 0 : i32
    %dma_wait3A_373 = arith.constant 0 : i32
    %dma_wait3A_374 = arith.constant 0 : i32
    %dma_wait3A_375 = tpu.memref_slice %arg4[%dma_wait3A, %dma_wait3A_373, %dma_wait3A_374] : memref<50x32x16384xf32, #tpu.memory_space<hbm>> -> memref<1x32x256xf32, #tpu.memory_space<hbm>>
    %dma_wait3A_376 = tpu.memref_squeeze %dma_wait3A_375 : memref<1x32x256xf32, #tpu.memory_space<hbm>> -> memref<32x256xf32, #tpu.memory_space<hbm>>
    %dma_wait3A_377 = arith.constant 0 : i32
    %dma_wait3A_378 = arith.constant 0 : i32
    %dma_wait3A_379 = tpu.memref_slice %arg4[%dma_wait3A, %dma_wait3A_377, %dma_wait3A_378] : memref<50x32x16384xf32, #tpu.memory_space<hbm>> -> memref<1x32x256xf32, #tpu.memory_space<hbm>>
    %dma_wait3A_380 = tpu.memref_squeeze %dma_wait3A_379 : memref<1x32x256xf32, #tpu.memory_space<hbm>> -> memref<32x256xf32, #tpu.memory_space<hbm>>
    tpu.wait_dma2 semaphore(%arg16 : memref<!tpu.dma_semaphore, #tpu.memory_space<semaphore_mem>>) src(%arg12 : memref<32x256xf32, #tpu.memory_space<vmem>>) dst(%dma_wait3A_380 : memref<32x256xf32, #tpu.memory_space<hbm>>)
    %dma_wait3A_381 = arith.constant 0 : i32
    %dma_wait3A_382 = arith.constant 0 : i32
    %dma_wait3A_383 = arith.constant 0 : i32
    %dma_wait3A_384 = tpu.memref_slice %arg4[%dma_wait3A_381, %dma_wait3A_382, %dma_wait3A_383] : memref<50x32x16384xf32, #tpu.memory_space<hbm>> -> memref<1x32x256xf32, #tpu.memory_space<hbm>>
    %dma_wait3A_385 = tpu.memref_squeeze %dma_wait3A_384 : memref<1x32x256xf32, #tpu.memory_space<hbm>> -> memref<32x256xf32, #tpu.memory_space<hbm>>
    %dma_wait3A_386 = arith.constant 0 : i32
    %dma_wait3A_387 = arith.constant 0 : i32
    %dma_wait3A_388 = tpu.memref_slice %arg4[%dma_wait3A_381, %dma_wait3A_386, %dma_wait3A_387] : memref<50x32x16384xf32, #tpu.memory_space<hbm>> -> memref<1x32x256xf32, #tpu.memory_space<hbm>>
    %dma_wait3A_389 = tpu.memref_squeeze %dma_wait3A_388 : memref<1x32x256xf32, #tpu.memory_space<hbm>> -> memref<32x256xf32, #tpu.memory_space<hbm>>
    tpu.wait_dma2 semaphore(%arg17 : memref<!tpu.dma_semaphore, #tpu.memory_space<semaphore_mem>>) src(%arg13 : memref<32x256xf32, #tpu.memory_space<vmem>>) dst(%dma_wait3A_389 : memref<32x256xf32, #tpu.memory_space<hbm>>)
    return
  }
}

</mosaic_0001>

<sc_bundles>
// kernel: kernel.3.cloned.1.call-start
scs
__scs_entry_jumppad:
0x0: {  	(pc) =	sbr.rel $0x88, $3  }
0x1: {  	(tag) =	ssettag $0x0;
	lr =	simm.s32 $0x1  }
0x2: {  	[smem:$0x3F9F] =	sst lr;
	_ =	strace $0xD0000000  }
0x3: {  	_ = 	snop  }
0x4: {  	_ = 	snop  }
0x5: {  	_ = 	snop  }
0x6: {  	_ = 	snop  }
0x7: {  	_ = 	snop  }
__scs_overlays_trampoline_lowered:
0x8: {  	[smem:$0x3FAE] =	sst s0  }
0x9: {  	[smem:$0x3FAF] =	sst s1  }
0xa: {  	[smem:$0x3FB0] =	sst s2  }
0xb: {  	[smem:$0x3FB1] =	sst s3  }
0xc: {  	[smem:$0x3FB2] =	sst s4  }
0xd: {  	[smem:$0x3FB3] =	sst s5  }
0xe: {  	[smem:$0x3FB4] =	sst s6  }
0xf: {  	[smem:$0x3FB5] =	sst s7  }
0x10: {  	[smem:$0x3FB6] =	sst s8  }
0x11: {  	[smem:$0x3FB7] =	sst s9;
	s0 =	simm.s32 @!p0 $0x0  }
0x12: {  	s1 =	sld [smem:$0x3F9D];
	s0 =	simm.s32 @p0 $0x1  }
0x13: {  	[smem:$0x3FB8] =	sst s0;
	s0 =	simm.s32 @!p1 $0x0  }
0x14: {  	s2 =	sld [smem:$0x3F9C];
	s0 =	simm.s32 @p1 $0x1  }
0x15: {  	[smem:$0x3FB9] =	sst s0;
	s0 =	simm.s32 @!p2 $0x0  }
0x16: {  	s3 =	sld [smem:$0x3FDB];
	s0 =	simm.s32 @p2 $0x1  }
0x17: {  	s4 =	simm.s32 $0x1BF5;
	[smem:$0x3FBB] =	sst s0  }
0x18: {  	s0 =	sld [smem:$0x3F9E];
	_ =	swait.ge [sflag:s4], $0x0  }
0x19: {  	s7 =	sld [smem:$0x3F9F]  }
0x1a: {  	s8 =	sadd.s32 $0xFFFFE003, lr  }
0x1b: {  	s9 =	sadd.s32 $0xFFFFFEF7, lr;
	s5 =	simm.s32 $0xFFFFFFFF;
	p2 =	slt.u32 s8, $0xFFFFF086  }
0x1c: {  	p1 =	slt.u32 s9, $0xF7A;
	s5 =	simm.s32 @!p2 $0x0  }
0x1d: {  	s5 =	simm.s32 @p1 $0x1;
	p0 =	seq.s32 s7, s2  }
0x1e: {  	s7 =	smul.u32 @!p0 $0xF7A, s2;
	p2 =	seq.s32 @!p0 s5, $0x0  }
0x1f: {  	s9 =	smul.u32 $0xF7A, s1;
	s8 =	simm.s32 @!p0 $0x1BF5;
	p2 =	por !p2, p0  }
0x20: {  	[sflag:s8] =	ssyncset.s32 @!p0 $0xFFFFF086;
	s6 =	sadd.s32 @!p0 s3, s7;
	s7 =	simm.s32 @!p0 $0x108  }
0x21: {  	s3 =	sadd.s32 s3, s9;
	s6 =	sadd.s32 @!p0 $0x88, s6;
	s7 =	simm.s32 @p2 $0x1082  }
0x22: {  	[simem:s7], [sflag:s8] =	dma.local @!p0 [hbm:s6], $0xF7A  }
0x23: {  	s9 =	sor.u32 $0xD0000000, s2;
	s6 =	simm.s32 $0x108;
	_ =	swait.ge @!p0 [sflag:s8], $0x0  }
0x24: {  	s3 =	sadd.s32 $0x88, s3;
	s6 =	simm.s32 @!p1 $0x1082;
	[sflag:s4] =	ssyncset.s32 $0xFFFFF086  }
0x25: {  	[simem:s6], [sflag:s4] =	dma.local [hbm:s3], $0xF7A  }
0x26: {  	[smem:$0x3F9F] =	sst s1;
	(tag) =	ssettag s2;
	_ =	strace s9  }
0x27: {  	s1 =	sld [smem:$0x3FAF]  }
0x28: {  	s2 =	sld [smem:$0x3FB0]  }
0x29: {  	s4 =	sld [smem:$0x3FB2]  }
0x2a: {  	p0 =	seq.s32 s5, $0x0;
	s5 =	sld [smem:$0x3FB3]  }
0x2b: {  	s6 =	sld [smem:$0x3FB4]  }
0x2c: {  	s7 =	sld [smem:$0x3FB5]  }
0x2d: {  	s3 =	simm.s32 $0x108;
	s8 =	sld [smem:$0x3FB6]  }
0x2e: {  	s3 =	simm.s32 @!p0 $0x1082;
	s9 =	sld [smem:$0x3FB7]  }
0x2f: {  	lr =	sadd.s32 s0, s3;
	s0 =	sld [smem:$0x3FAE]  }
0x30: {  	s3 =	sld [smem:$0x3FB1]  }
0x31: {  	[smem:$0x3FBA] =	sst s10  }
0x32: {  	s10 =	sld [smem:$0x3FB8];
	_ =	sdelay $0x3  }
0x33: {  	p0 =	seq.s32 s10, $0x1;
	s10 =	sld [smem:$0x3FBA];
	_ =	sdelay $0x3  }
0x34: {  	[smem:$0x3FBA] =	sst s10  }
0x35: {  	s10 =	sld [smem:$0x3FB9];
	_ =	sdelay $0x3  }
0x36: {  	p1 =	seq.s32 s10, $0x1;
	s10 =	sld [smem:$0x3FBA];
	_ =	sdelay $0x3  }
0x37: {  	[smem:$0x3FBA] =	sst s10  }
0x38: {  	s10 =	sld [smem:$0x3FBB]  }
0x39: {  	_ = 	snop;
	(pc) =	sbr.ind lr, $3  }
0x3a: {  	_ = 	snop  }
0x3b: {  	_ = 	snop  }
0x3c: {  	p2 =	seq.s32 s10, $0x1;
	s10 =	sld [smem:$0x3FBA]  }
0x3d: {  	_ =	shalt  }
0x3e: {  	_ =	shalt  }
0x3f: {  	_ =	shalt  }
0x40: {  	_ =	shalt  }
0x41: {  	_ =	shalt  }
0x42: {  	_ =	shalt  }
0x43: {  	_ =	shalt  }
0x44: {  	_ =	shalt  }
0x45: {  	_ =	shalt  }
0x46: {  	_ =	shalt  }
0x47: {  	_ =	shalt  }
0x48: {  	_ =	shalt  }
0x49: {  	_ =	shalt  }
0x4a: {  	_ =	shalt  }
0x4b: {  	_ =	shalt  }
0x4c: {  	_ =	shalt  }
0x4d: {  	_ =	shalt  }
0x4e: {  	_ =	shalt  }
0x4f: {  	_ =	shalt  }
0x50: {  	_ =	shalt  }
0x51: {  	_ =	shalt  }
0x52: {  	_ =	shalt  }
0x53: {  	_ =	shalt  }
0x54: {  	_ =	shalt  }
0x55: {  	_ =	shalt  }
0x56: {  	_ =	shalt  }
0x57: {  	_ =	shalt  }
0x58: {  	_ =	shalt  }
0x59: {  	_ =	shalt  }
0x5a: {  	_ =	shalt  }
0x5b: {  	_ =	shalt  }
0x5c: {  	_ =	shalt  }
0x5d: {  	_ =	shalt  }
0x5e: {  	_ =	shalt  }
0x5f: {  	_ =	shalt  }
0x60: {  	_ =	shalt  }
0x61: {  	_ =	shalt  }
0x62: {  	_ =	shalt  }
0x63: {  	_ =	shalt  }
0x64: {  	_ =	shalt  }
0x65: {  	_ =	shalt  }
0x66: {  	_ =	shalt  }
0x67: {  	_ =	shalt  }
0x68: {  	_ =	shalt  }
0x69: {  	_ =	shalt  }
0x6a: {  	_ =	shalt  }
0x6b: {  	_ =	shalt  }
0x6c: {  	_ =	shalt  }
0x6d: {  	_ =	shalt  }
0x6e: {  	_ =	shalt  }
0x6f: {  	_ =	shalt  }
0x70: {  	_ =	shalt  }
0x71: {  	_ =	shalt  }
0x72: {  	_ =	shalt  }
0x73: {  	_ =	shalt  }
0x74: {  	_ =	shalt  }
0x75: {  	_ =	shalt  }
0x76: {  	_ =	shalt  }
0x77: {  	_ =	shalt  }
0x78: {  	_ =	shalt  }
0x79: {  	_ =	shalt  }
0x7a: {  	_ =	shalt  }
0x7b: {  	_ =	shalt  }
0x7c: {  	_ =	shalt  }
0x7d: {  	_ =	shalt  }
0x7e: {  	_ =	shalt  }
0x7f: {  	_ =	shalt  }
0x80: {  	_ =	shalt  }
0x81: {  	_ =	shalt  }
0x82: {  	_ =	shalt  }
0x83: {  	_ =	shalt  }
0x84: {  	_ =	shalt  }
0x85: {  	_ =	shalt  }
0x86: {  	_ =	shalt  }
0x87: {  	_ =	shalt  }
.Lfunc_end0:
.L_simem_size_0:
called_computation_lowered:
.L_overlay_start_0:
0x88: {  	s2 =	sld [smem:$0x3FD9]  }
0x89: {  	s3 =	sld [smem:$0x3FFE];
	_ =	sdelay $0x1  }
0x8a: {  	s1 =	srdreg.scid  }
0x8b: {  	s0 =	sand.u32 $0x1, s1  }
0x8c: {  	s17 =	sshll.u32 s0, $0xA;
	s2 =	sadd.s32 s3, s2  }
0x8d: {  	s2 =	sadd.s32 s2, s17  }
0x8e: {  	[smem:$0x3FC6] =	sst s2  }
0x8f: {  	_ = 	snop  }
0x90: {  	s2 =	sld [smem:$0x3FC8]  }
0x91: {  	s18 =	sld [smem:$0x3FD0];
	(tm) =	ssettm $0x1  }
0x92: {  	s4 =	sld [smem:$0x3FFB];
	_ =	sdelay $0x3  }
0x93: {  	_ =	strace s4  }
0x94: {  	s4 =	sld [smem:$0x3FFC];
	_ =	sdelay $0x3  }
0x95: {  	_ =	strace s4  }
0x96: {  	s4 =	sld [smem:$0x3FFD];
	_ =	sdelay $0x3  }
0x97: {  	_ =	strace s4  }
0x98: {  	_ =	strace $0x8FFFFFFF  }
0x99: {  	s19 =	sld [smem:$0x3FDB];
	_ =	sdelay $0x1  }
0x9a: {  	s5 =	simm.s32 $_scs_section_size  }
0x9b: {  	s6 =	simm.s32 $_size__tile_overlayer_lowered;
	s7 =	simm.s32 $_tile_overlayer_lowered  }
0x9c: {  	s22 =	simm.s32 $0x1BFF;
	s21 =	sshll.u32 s7, $0x1;
	s4 =	sadd.s32 s5, s19  }
0x9d: {  	s8 =	simm.s32 $0x0;
	s20 =	sshll.u32 s6, $0x1;
	s6 =	sadd.s32 s21, s4  }
0x9e: {  	[timem:s8], [sflag:s22] =	dma.local [hbm:s6], s20  }
0x9f: {  	_ =	swait.ge [sflag:s22], s20  }
0xa0: {  	s5 =	ssub.s32 $0x0, s20;
	[sflag:s22] =	ssyncset.done $0x0  }
0xa1: {  	[sflag:s22] =	ssyncadd.s32 s5;
	_ =	sdelay $0x1  }
0xa2: {  	s23 =	simm.s32 $0x1B8B  }
0xa3: {  	_ =	swait.ge [sflag:s23], $0x1  }
0xa4: {  	[sflag:s23] =	ssyncset.done $0x0  }
0xa5: {  	s25 =	simm.s32 $0x1B8E;
	s24 =	sld [smem:$0x3FFE];
	[sflag:s23] =	ssyncadd.s32 $0xFFFFFFFF  }
0xa6: {  	s26 =	simm.s32 $execute0_lowered;
	[smem:$0x3FD2] =	sst s25  }
0xa7: {  	s6 =	sshll.u32 s26, $0x1;
	_ =	strace $0x80000046;
	[dreg:$0x1] =	wrdreg $0xFFFFFFFF  }
0xa8: {  	s28 =	simm.s32 $_size_execute0_lowered;
	s4 =	sadd.s32 s4, s6;
	[dreg:$0x0] =	wrdreg $0x0  }
0xa9: {  	s6 =	sshll.u32 s28, $0x1;
	[dreg:$0x2] =	wrdreg s4  }
0xaa: {  	[dreg:$0x3] =	wrdreg s6  }
0xab: {  	[dreg:$0x4] =	wrdreg $0xC0  }
0xac: {  	_ =	task [dreg:s8], $0x5FFFF  }
0xad: {  	[dreg:$0x1] =	wrdreg $0xFFFFFFFF  }
0xae: {  	[dreg:$0x0] =	wrdreg $0x60  }
0xaf: {  	[dreg:$0x2] =	wrdreg s24  }
0xb0: {  	[dreg:$0x3] =	wrdreg s2  }
0xb1: {  	[dreg:$0x4] =	wrdreg s18  }
0xb2: {  	[dreg:$0x5] =	wrdreg $0x9  }
0xb3: {  	_ =	task.clear_ibuf [dreg:s8], $0x6FFFF;
	_ =	strace $0x90000046  }
0xb4: {  	s29 =	simm.s32 $0x9;
	_ =	strace $0x80000048  }
0xb5: {  	_ =	swait.ge [sflag:s29], $0x1  }
0xb6: {  	[sflag:s29] =	ssyncadd.s32 $0xFFFFFFFF  }
0xb7: {  	_ =	strace $0x90000048  }
0xb8: {  	_ =	sfence  }
0xb9: {  	s30 =	sld [smem:$0x0];
	_ =	sdelay $0x2  }
0xba: {  	s31 =	sshll.u32 s1, $0xD;
	s1 =	sshrl.u32 s1, $0x2  }
0xbb: {  	s3 =	sand.u32 $0x4000, s31;
	s1 =	sadd.s32 s1, s30  }
0xbc: {  	s0 =	sor.u32 s3, s0;
	s1 =	sshll.u32 s1, $0x11  }
0xbd: {  	s0 =	sor.u32 s1, s0  }
0xbe: {  	s0 =	sadd.s32 $0x8F2B, s0  }
0xbf: {  	[sflag:s0] =	ssyncadd.remote.s32 $0x1  }
0xc0: {  	_ =	sfence.sel $0xFFFF  }
0xc1: {  	[dreg:$0x0] =	wrdreg $0xFFFFFFFF;
	(pc) =	sbr.abs _section_cstart, $3  }
0xc2: {  	[dreg:$0x1] =	wrdreg $0xFFFFFFFF  }
0xc3: {  	_ =	task.clear_ibuf [dreg:s8], $0x2FFFF;
	_ =	strace $0x9FFFFFFF  }
0xc4: {  	(tm) =	ssettm $0x7FFFFFFF  }
0xc5: {  	_ =	shalt  }
tec
execute0_lowered:
.L_overlay_start_1:
0x0: {  	(tag) =	ssettag $0x1  }
0x1: {  	vm15 =	vcmask $0x300;
	v0 =	vimm.s32 $0xB80  }
0x2: {  	vm14 =	vcmask $0x704;
	vm13 =	vcmask $0xB08;
	vm12 =	vcmask $0xF0C  }
0x3: {  	vm11 =	vcmask $0x1310;
	vm10 =	vcmask $0x1714;
	vm9 =	vcmask $0x1B18  }
0x4: {  	vm8 =	vcmask $0x1F1C;
	vm7 =	vcmask $0x2320;
	v1 =	vimm.s32 $0x0  }
0x5: {  	vm6 =	vcmask $0x2724;
	vm5 =	vcmask $0x2B28;
	vm4 =	vcmask $0x2F2C  }
0x6: {  	vm2 =	vcmask $0x3330;
	vm3 =	vcmask $0x3734;
	vm1 =	vcmask $0x3B38  }
0x7: {  	v61 =	vimm.s32 $0xFEDCBA9;
	v2 =	vimm.s32 $0x87654321;
	v3 =	vimm.s32 $0x80  }
0x8: {  	v12 =	vimm.s32 $0x10FEDCBA;
	v13 =	vimm.s32 $0x98765432;
	v15 =	vimm.s32 $0x100  }
0x9: {  	v32 =	vimm.s32 $0x210FEDCB;
	v33 =	vimm.s32 $0xA9876543;
	v35 =	vimm.s32 $0x180  }
0xa: {  	v38 =	vimm.s32 $0x3210FEDC;
	v39 =	vimm.s32 $0xBA987654;
	v41 =	vimm.s32 $0x200  }
0xb: {  	v44 =	vimm.s32 $0x43210FED;
	v45 =	vimm.s32 $0xCBA98765;
	v46 =	vimm.s32 $0x280  }
0xc: {  	v56 =	vimm.s32 $0x543210FE;
	v59 =	vimm.s32 $0xDCBA9876;
	v60 =	vimm.s32 $0x300  }
0xd: {  	v51 =	vimm.s32 $0xA80;
	v0 =	vsel vm15, $0x0, v0;
	v1 =	vsel vm15, $0x80, v1  }
0xe: {  	v2 =	vunpack.c.l.s4.s8 v2;
	v63 =	vsel vm15, $0x100, v3;
	v3 =	vunpack.c.l.s4.s8 v13  }
0xf: {  	v52 =	vsel vm15, $0x300, v46;
	v0 =	vsel vm14, $0x80, v0;
	v1 =	vsel vm14, $0x100, v1  }
0x10: {  	v13 =	vimm.s32 $0x380;
	v0 =	vsel vm13, $0x100, v0;
	v1 =	vsel vm13, $0x180, v1  }
0x11: {  	v5 =	vunpack.c.0.s8.s32 v2;
	v2 =	vunpack.c.l.s4.s8 v12;
	v0 =	vsel vm12, $0x180, v0  }
0x12: {  	v3 =	vunpack.c.0.s8.s32 v3;
	v1 =	vsel vm12, $0x200, v1;
	v0 =	vsel vm11, $0x200, v0  }
0x13: {  	v1 =	vsel vm11, $0x280, v1;
	v2 =	vunpack.c.0.s8.s32 v2;
	v0 =	vsel vm10, $0x280, v0  }
0x14: {  	v12 =	vimm.s32 $0xFEDCBA98;
	v1 =	vsel vm10, $0x300, v1;
	v0 =	vsel vm9, $0x300, v0  }
0x15: {  	v1 =	vsel vm9, $0x380, v1;
	[tilespmem:$0x1FC00] =	vst v2;
	v2 =	vcombine.low v3, v2;
	v0 =	vsel vm8, $0x380, v0  }
0x16: {  	[tilespmem:$0x1FC10] =	vst v3;
	v3 =	vunpack.c.l.s4.s8 v33;
	v1 =	vsel vm8, $0x800, v1;
	v0 =	vsel vm7, $0x800, v0  }
0x17: {  	v1 =	vsel vm7, $0x880, v1;
	v24 =	vand.u32 $0xF, v2;
	v2 =	vunpack.c.l.s4.s8 v32  }
0x18: {  	v0 =	vsel vm6, $0x880, v0;
	v62 =	vsel vm6, $0x900, v1;
	v1 =	vsel vm14, $0x180, v63  }
0x19: {  	v3 =	vunpack.c.0.s8.s32 v3;
	v0 =	vsel vm5, $0x900, v0;
	v1 =	vsel vm13, $0x200, v1  }
0x1a: {  	v34 =	vunpack.c.0.s8.s32 v2;
	v2 =	vsel vm15, $0x200, v35;
	v35 =	vimm.s32 $0x880  }
0x1b: {  	v0 =	vsel vm4, $0x980, v0;
	v1 =	vsel vm12, $0x280, v1;
	v2 =	vsel vm14, $0x280, v2  }
0x1c: {  	[tilespmem:$0x1FC30] =	vst v3;
	v0 =	vsel vm2, $0xA00, v0;
	v1 =	vsel vm11, $0x300, v1;
	v3 =	vcombine.low v3, v34  }
0x1d: {  	[tilespmem:$0x1FC20] =	vst v34;
	v37 =	vsel vm13, $0x300, v2;
	v2 =	vunpack.c.l.s4.s8 v38;
	v34 =	vimm.s32 $0x800  }
0x1e: {  	v38 =	vimm.s32 $0x900;
	v0 =	vsel vm3, $0xA80, v0;
	v1 =	vsel vm10, $0x380, v1  }
0x1f: {  	v22 =	vsel vm1, $0xB00, v0;
	v0 =	vunpack.c.l.s4.s8 v61;
	v1 =	vsel vm9, $0x800, v1  }
0x20: {  	v27 =	vand.u32 $0xF, v3;
	v3 =	vunpack.c.l.s4.s8 v39;
	v40 =	vunpack.c.0.s8.s32 v2  }
0x21: {  	v2 =	vsel vm15, $0x280, v41;
	v61 =	vimm.s32 $0x6543210F;
	v41 =	vimm.s32 $0xA00  }
0x22: {  	v1 =	vsel vm8, $0x880, v1;
	v2 =	vsel vm14, $0x300, v2;
	v4 =	vunpack.c.0.s8.s32 v0  }
0x23: {  	v0 =	vsel vm5, $0x980, v62;
	v14 =	vsel vm7, $0x900, v1;
	v1 =	vsel vm15, $0x180, v15  }
0x24: {  	v3 =	vunpack.c.0.s8.s32 v3;
	v43 =	vsel vm13, $0x380, v2;
	v2 =	vunpack.c.l.s4.s8 v44  }
0x25: {  	[tilespmem:$0x1FBF0] =	vst v5;
	v62 =	vimm.s32 $0xEDCBA987;
	v0 =	vsel vm4, $0xA00, v0;
	v1 =	vsel vm14, $0x200, v1  }
0x26: {  	[tilespmem:$0x1FBE0] =	vst v4;
	v4 =	vcombine.low v5, v4;
	v0 =	vsel vm2, $0xA80, v0;
	v1 =	vsel vm13, $0x280, v1  }
0x27: {  	[tilespmem:$0x1FC50] =	vst v3;
	v3 =	vcombine.low v3, v40;
	v47 =	vunpack.c.0.s8.s32 v2;
	v2 =	vsel vm14, $0x380, v52  }
0x28: {  	[tilespmem:$0x1FC40] =	vst v40;
	v40 =	vimm.s32 $0x980;
	v5 =	vimm.s32 $0x18171615;
	v0 =	vsel vm3, $0xB00, v0  }
0x29: {  	v1 =	vsel vm12, $0x300, v1;
	v54 =	vsel vm13, $0x800, v2;
	v2 =	vsel vm15, $0x380, v60  }
0x2a: {  	v60 =	vimm.s32 $0x101F1E1D;
	v23 =	vand.u32 $0xF, v4;
	v25 =	vsel vm1, $0xB80, v0  }
0x2b: {  	v0 =	vsel vm6, $0x980, v14;
	v1 =	vsel vm11, $0x380, v1;
	v28 =	vand.u32 $0xF, v3  }
0x2c: {  	v3 =	vunpack.c.l.s4.s8 v45;
	v2 =	vsel vm14, $0x800, v2;
	v4 =	vunpack.c.l.s4.s8 v62  }
0x2d: {  	v14 =	vimm.s32 $0x76543210;
	v0 =	vsel vm5, $0xA00, v0;
	v1 =	vsel vm10, $0x800, v1  }
0x2e: {  	v2 =	vsel vm13, $0x880, v2;
	v0 =	vsel vm4, $0xA80, v0;
	v1 =	vsel vm9, $0x880, v1  }
0x2f: {  	v3 =	vunpack.c.0.s8.s32 v3;
	v63 =	vsel vm12, $0x900, v2;
	v4 =	vunpack.c.0.s8.s32 v4  }
0x30: {  	v2 =	vsel vm15, $0x800, v13;
	v13 =	vimm.s32 $0x1D1C1B1A;
	v0 =	vsel vm2, $0xB00, v0  }
0x31: {  	v1 =	vsel vm8, $0x900, v1;
	v2 =	vsel vm14, $0x880, v2;
	v0 =	vsel vm3, $0xB80, v0  }
0x32: {  	v36 =	vsel vm7, $0x980, v1;
	v1 =	vsel vm12, $0x380, v37;
	v55 =	vcombine.low v3, v47  }
0x33: {  	[tilespmem:$0x1FC70] =	vst v3;
	v3 =	vunpack.c.l.s4.s8 v56;
	v2 =	vsel vm13, $0x900, v2;
	v26 =	vsel vm1, $0x0, v0  }
0x34: {  	v0 =	vsel vm6, $0xA00, v36;
	v1 =	vsel vm11, $0x800, v1;
	v2 =	vsel vm12, $0x980, v2  }
0x35: {  	v0 =	vsel vm5, $0xA80, v0;
	v1 =	vsel vm10, $0x880, v1;
	v30 =	vand.u32 $0xF, v55  }
0x36: {  	v57 =	vunpack.c.0.s8.s32 v3;
	v3 =	vunpack.c.l.s4.s8 v61;
	v2 =	vsel vm11, $0xA00, v2  }
0x37: {  	v61 =	vimm.s32 $0x1080;
	v0 =	vsel vm4, $0xB00, v0;
	v1 =	vsel vm9, $0x900, v1  }
0x38: {  	v15 =	vsel vm10, $0xA80, v2;
	v2 =	vsel vm15, $0x900, v35;
	v1 =	vsel vm8, $0x980, v1  }
0x39: {  	v35 =	vimm.s32 $0x1E1D1C1B;
	v0 =	vsel vm2, $0xB80, v0;
	v1 =	vsel vm7, $0xA00, v1  }
0x3a: {  	v3 =	vunpack.c.0.s8.s32 v3;
	v2 =	vsel vm14, $0x980, v2;
	v1 =	vsel vm6, $0xA80, v1  }
0x3b: {  	v0 =	vsel vm3, $0x0, v0;
	v2 =	vsel vm13, $0xA00, v2;
	v1 =	vsel vm5, $0xB00, v1  }
0x3c: {  	v29 =	vsel vm1, $0x80, v0;
	v42 =	vsel vm4, $0xB80, v1;
	v1 =	vsel vm12, $0x800, v43  }
0x3d: {  	[tilespmem:$0x1FCA0] =	vst v3;
	v3 =	vcombine.low v4, v3;
	v2 =	vsel vm12, $0xA80, v2;
	v1 =	vsel vm11, $0x880, v1  }
0x3e: {  	[tilespmem:$0x1FCB0] =	vst v4;
	v4 =	vimm.s32 $0x14131211;
	v2 =	vsel vm11, $0xB00, v2;
	v1 =	vsel vm10, $0x900, v1  }
0x3f: {  	v32 =	vand.u32 $0xF, v3;
	v3 =	vunpack.c.l.s4.s8 v14;
	v1 =	vsel vm9, $0x980, v1  }
0x40: {  	v2 =	vsel vm10, $0xB80, v2;
	v14 =	vimm.s32 $0x11101F1E;
	v1 =	vsel vm8, $0xA00, v1  }
0x41: {  	v0 =	vsel vm2, $0x0, v42;
	v2 =	vsel vm9, $0x0, v2;
	v1 =	vsel vm7, $0xA80, v1  }
0x42: {  	v0 =	vsel vm3, $0x80, v0;
	v53 =	vsel vm6, $0xB00, v1;
	v1 =	vsel vm12, $0x880, v54  }
0x43: {  	v49 =	vsel vm1, $0x100, v0;
	v0 =	vsel vm5, $0xB80, v53;
	v1 =	vsel vm11, $0x900, v1  }
0x44: {  	v3 =	vunpack.c.0.s8.s32 v3;
	v0 =	vsel vm4, $0x0, v0;
	v1 =	vsel vm10, $0x980, v1  }
0x45: {  	v37 =	vsel vm8, $0x80, v2;
	v0 =	vsel vm2, $0x80, v0;
	v1 =	vsel vm9, $0xA00, v1  }
0x46: {  	v0 =	vsel vm3, $0x100, v0;
	v58 =	vsel vm8, $0xA80, v1;
	v1 =	vunpack.c.l.s4.s8 v59  }
0x47: {  	[tilespmem:$0x1FC60] =	vst v47;
	v2 =	vsel vm15, $0x980, v38;
	v47 =	vsel vm1, $0x180, v0;
	v0 =	vsel vm7, $0xB00, v58  }
0x48: {  	v0 =	vsel vm6, $0xB80, v0;
	v6 =	vunpack.c.0.s8.s32 v1;
	v1 =	vsel vm11, $0x980, v63  }
0x49: {  	v2 =	vsel vm14, $0xA00, v2;
	v0 =	vsel vm5, $0x0, v0;
	v1 =	vsel vm10, $0xA00, v1  }
0x4a: {  	v2 =	vsel vm13, $0xA80, v2;
	v0 =	vsel vm4, $0x80, v0;
	v1 =	vsel vm9, $0xA80, v1  }
0x4b: {  	v2 =	vsel vm12, $0xB00, v2;
	v0 =	vsel vm2, $0x100, v0;
	v1 =	vsel vm8, $0xB00, v1  }
0x4c: {  	v0 =	vsel vm3, $0x180, v0;
	v7 =	vsel vm7, $0xB80, v1;
	v1 =	vunpack.c.l.s4.s8 v12  }
0x4d: {  	v2 =	vsel vm11, $0xB80, v2;
	v45 =	vsel vm1, $0x200, v0;
	v0 =	vsel vm6, $0x0, v7  }
0x4e: {  	v54 =	vimm.s32 $0x1B80;
	v0 =	vsel vm5, $0x80, v0;
	v1 =	vunpack.c.0.s8.s32 v1  }
0x4f: {  	v39 =	vsel vm10, $0x0, v2;
	v2 =	vsel vm15, $0xA80, v41;
	v0 =	vsel vm4, $0x100, v0  }
0x50: {  	v53 =	vimm.s32 $0xB00;
	v0 =	vsel vm2, $0x180, v0;
	v1 =	vand.u32 $0xF, v1  }
0x51: {  	v2 =	vsel vm14, $0xB00, v2;
	v0 =	vsel vm3, $0x200, v0;
	v33 =	vcombine.low v1, v3  }
0x52: {  	v1 =	vsel vm15, $0x880, v34;
	v50 =	vsel vm1, $0x280, v0;
	v0 =	vsel vm9, $0xB00, v15  }
0x53: {  	v2 =	vsel vm13, $0xB80, v2;
	v1 =	vsel vm14, $0x900, v1;
	v0 =	vsel vm8, $0xB80, v0  }
0x54: {  	v2 =	vsel vm12, $0x0, v2;
	v1 =	vsel vm13, $0x980, v1;
	v0 =	vsel vm7, $0x0, v0  }
0x55: {  	v59 =	vimm.s32 $0x1C1B1A19;
	v1 =	vsel vm12, $0xA00, v1;
	v0 =	vsel vm6, $0x80, v0  }
0x56: {  	v2 =	vsel vm11, $0x80, v2;
	v1 =	vsel vm11, $0xA80, v1;
	v0 =	vsel vm5, $0x100, v0  }
0x57: {  	v2 =	vsel vm10, $0x100, v2;
	v1 =	vsel vm10, $0xB00, v1;
	v0 =	vsel vm4, $0x180, v0  }
0x58: {  	v2 =	vsel vm9, $0x180, v2;
	v1 =	vsel vm9, $0xB80, v1;
	v0 =	vsel vm2, $0x200, v0  }
0x59: {  	v36 =	vsel vm8, $0x0, v1;
	v1 =	vsel vm7, $0x100, v37;
	v0 =	vsel vm3, $0x280, v0  }
0x5a: {  	v1 =	vsel vm6, $0x180, v1;
	v46 =	vsel vm1, $0x300, v0;
	v0 =	vsel vm7, $0x80, v36  }
0x5b: {  	[tilespmem:$0x1FC90] =	vst v6;
	v6 =	vcombine.low v6, v57;
	v1 =	vsel vm5, $0x200, v1;
	v0 =	vsel vm6, $0x100, v0  }
0x5c: {  	v48 =	vsel vm8, $0x200, v2;
	v1 =	vsel vm4, $0x280, v1;
	v0 =	vsel vm5, $0x180, v0  }
0x5d: {  	v2 =	vsel vm15, $0xB00, v51;
	v1 =	vsel vm2, $0x300, v1;
	v0 =	vsel vm4, $0x200, v0  }
0x5e: {  	[tilespmem:$0x1FC80] =	vst v57;
	v57 =	vimm.s32 $0x1000;
	v1 =	vsel vm3, $0x380, v1;
	v0 =	vsel vm2, $0x280, v0  }
0x5f: {  	v2 =	vsel vm14, $0xB80, v2;
	v44 =	vsel vm1, $0x800, v1;
	v0 =	vsel vm3, $0x300, v0  }
0x60: {  	v1 =	vsel vm15, $0xA00, v40;
	v42 =	vsel vm1, $0x380, v0;
	v0 =	vsel vm9, $0x80, v39  }
0x61: {  	v31 =	vand.u32 $0xF, v6;
	v1 =	vsel vm14, $0xA80, v1;
	v0 =	vsel vm8, $0x100, v0  }
0x62: {  	v2 =	vsel vm13, $0x0, v2;
	v1 =	vsel vm13, $0xB00, v1;
	v0 =	vsel vm7, $0x180, v0  }
0x63: {  	v6 =	vimm.s32 $0x1100;
	v1 =	vsel vm12, $0xB80, v1;
	v0 =	vsel vm6, $0x200, v0  }
0x64: {  	v2 =	vsel vm12, $0x80, v2;
	v1 =	vsel vm11, $0x0, v1;
	v0 =	vsel vm5, $0x280, v0  }
0x65: {  	v2 =	vsel vm11, $0x100, v2;
	v1 =	vsel vm10, $0x80, v1;
	v0 =	vsel vm4, $0x300, v0  }
0x66: {  	v52 =	vsel vm10, $0x180, v2;
	v1 =	vsel vm9, $0x100, v1;
	v0 =	vsel vm2, $0x380, v0  }
0x67: {  	v43 =	vsel vm8, $0x180, v1;
	v1 =	vsel vm7, $0x280, v48;
	v0 =	vsel vm3, $0x800, v0  }
0x68: {  	v1 =	vsel vm6, $0x300, v1;
	v41 =	vsel vm1, $0x880, v0;
	v0 =	vsel vm7, $0x200, v43  }
0x69: {  	v2 =	vsel vm15, $0x1000, v54;
	v1 =	vsel vm5, $0x380, v1;
	v0 =	vsel vm6, $0x280, v0  }
0x6a: {  	v2 =	vsel vm14, $0x1080, v2;
	v1 =	vsel vm4, $0x800, v1;
	v0 =	vsel vm5, $0x300, v0  }
0x6b: {  	v2 =	vsel vm13, $0x1100, v2;
	v1 =	vsel vm2, $0x880, v1;
	v0 =	vsel vm4, $0x380, v0  }
0x6c: {  	v2 =	vsel vm12, $0x1180, v2;
	v1 =	vsel vm3, $0x900, v1;
	v0 =	vsel vm2, $0x800, v0  }
0x6d: {  	v39 =	vsel vm1, $0x980, v1;
	v1 =	vsel vm15, $0xB80, v53;
	v0 =	vsel vm3, $0x880, v0  }
0x6e: {  	v1 =	vsel vm14, $0x0, v1;
	v40 =	vsel vm1, $0x900, v0;
	v0 =	vsel vm9, $0x200, v52  }
0x6f: {  	v2 =	vsel vm11, $0x1200, v2;
	v1 =	vsel vm13, $0x80, v1;
	v0 =	vsel vm8, $0x280, v0  }
0x70: {  	v2 =	vsel vm10, $0x1280, v2;
	v1 =	vsel vm12, $0x100, v1;
	v0 =	vsel vm7, $0x300, v0  }
0x71: {  	v2 =	vsel vm9, $0x1300, v2;
	v1 =	vsel vm11, $0x180, v1;
	v0 =	vsel vm6, $0x380, v0  }
0x72: {  	v56 =	vsel vm8, $0x1380, v2;
	v1 =	vsel vm10, $0x200, v1;
	v0 =	vsel vm5, $0x800, v0  }
0x73: {  	v2 =	vsel vm15, $0x1080, v57;
	v1 =	vsel vm9, $0x280, v1;
	v0 =	vsel vm4, $0x880, v0  }
0x74: {  	v55 =	vsel vm8, $0x300, v1;
	v1 =	vsel vm7, $0x1800, v56;
	v0 =	vsel vm2, $0x900, v0  }
0x75: {  	v2 =	vsel vm14, $0x1100, v2;
	v1 =	vsel vm6, $0x1880, v1;
	v0 =	vsel vm3, $0x980, v0  }
0x76: {  	v1 =	vsel vm5, $0x1900, v1;
	v9 =	vsel vm1, $0xA00, v0;
	v0 =	vsel vm7, $0x380, v55  }
0x77: {  	v2 =	vsel vm13, $0x1180, v2;
	v1 =	vsel vm4, $0x1980, v1;
	v0 =	vsel vm6, $0x800, v0  }
0x78: {  	v2 =	vsel vm12, $0x1200, v2;
	v1 =	vsel vm2, $0x1A00, v1;
	v0 =	vsel vm5, $0x880, v0  }
0x79: {  	v2 =	vsel vm11, $0x1280, v2;
	v1 =	vsel vm3, $0x1A80, v1;
	v0 =	vsel vm4, $0x900, v0  }
0x7a: {  	v62 =	vsel vm1, $0x1B00, v1;
	v1 =	vunpack.c.0.s8.s32 v59;
	v0 =	vsel vm2, $0x980, v0  }
0x7b: {  	v58 =	vsel vm10, $0x1300, v2;
	v2 =	vunpack.c.0.s8.s32 v4;
	v0 =	vsel vm3, $0xA00, v0  }
0x7c: {  	[tilespmem:$0x1FCC0] =	vst v1;
	v1 =	vunpack.c.0.s8.s32 v60;
	v63 =	vsel vm1, $0xA80, v0;
	v0 =	vsel vm9, $0x1380, v58  }
0x7d: {  	v38 =	vimm.s32 $0x1A191817;
	v12 =	vsel vm15, $0x1180, v6;
	[tilespmem:$0x1FCE0] =	vst v2;
	v0 =	vsel vm8, $0x1800, v0  }
0x7e: {  	v2 =	vunpack.c.0.s8.s32 v5;
	[tilespmem:$0x1FCD0] =	vst v1;
	v1 =	vsel vm15, $0x1100, v61;
	v0 =	vsel vm7, $0x1880, v0  }
0x7f: {  	v54 =	vimm.s32 $0x17161514;
	v1 =	vsel vm14, $0x1180, v1;
	v0 =	vsel vm6, $0x1900, v0  }
0x80: {  	[tilespmem:$0x1FCF0] =	vst v2;
	v2 =	vunpack.c.0.s8.s32 v13;
	v1 =	vsel vm13, $0x1200, v1;
	v0 =	vsel vm5, $0x1980, v0  }
0x81: {  	v34 =	vimm.s32 $0x19181716;
	v1 =	vsel vm12, $0x1280, v1;
	v0 =	vsel vm4, $0x1A00, v0  }
0x82: {  	[tilespmem:$0x1FD00] =	vst v2;
	v2 =	vunpack.c.0.s8.s32 v14;
	v1 =	vsel vm11, $0x1300, v1;
	v0 =	vsel vm2, $0x1A80, v0  }
0x83: {  	v15 =	vimm.s32 $0x15141312;
	v7 =	vsel vm10, $0x1380, v1;
	v0 =	vsel vm3, $0x1B00, v0  }
0x84: {  	[tilespmem:$0x1FD10] =	vst v2;
	v2 =	vunpack.c.0.s8.s32 v15;
	v60 =	vsel vm1, $0x1B80, v0;
	v0 =	vsel vm9, $0x1800, v7  }
0x85: {  	v57 =	vimm.s32 $0x1180;
	v37 =	vimm.s32 $0x16151413;
	v0 =	vsel vm8, $0x1880, v0  }
0x86: {  	v36 =	vimm.s32 $0x1211101F;
	[tilespmem:$0x1FD20] =	vst v2;
	v2 =	vunpack.c.0.s8.s32 v34;
	v0 =	vsel vm7, $0x1900, v0  }
0x87: {  	v13 =	vimm.s32 $0x1800;
	v61 =	vimm.s32 $0x1280;
	v0 =	vsel vm6, $0x1980, v0  }
0x88: {  	v48 =	vimm.s32 $0x1F1E1D1C;
	[tilespmem:$0x1FD30] =	vst v2;
	v2 =	vsel vm15, $0x1300, v61;
	v0 =	vsel vm5, $0x1A00, v0  }
0x89: {  	v51 =	vunpack.c.0.s8.s32 v48;
	v2 =	vsel vm14, $0x1380, v2;
	v0 =	vsel vm4, $0x1A80, v0  }
0x8a: {  	v52 =	vimm.s32 $0x13121110;
	v2 =	vsel vm13, $0x1800, v2;
	v0 =	vsel vm2, $0x1B00, v0  }
0x8b: {  	v2 =	vsel vm12, $0x1880, v2;
	v1 =	vsel vm14, $0x1200, v12;
	v0 =	vsel vm3, $0x1B80, v0  }
0x8c: {  	v2 =	vsel vm11, $0x1900, v2;
	v59 =	vsel vm1, $0x1000, v0;
	v0 =	vunpack.c.0.s8.s32 v35  }
0x8d: {  	v55 =	vimm.s32 $0x1B1A1918;
	v1 =	vsel vm13, $0x1280, v1;
	v2 =	vsel vm10, $0x1980, v2  }
0x8e: {  	v1 =	vsel vm12, $0x1300, v1;
	v2 =	vsel vm9, $0x1A00, v2;
	[tilespmem:$0x1FD40] =	vst v0;
	v0 =	vunpack.c.0.s8.s32 v36  }
0x8f: {  	v56 =	vunpack.c.0.s8.s32 v55;
	v1 =	vsel vm11, $0x1380, v1;
	v2 =	vsel vm8, $0x1A80, v2  }
0x90: {  	v1 =	vsel vm10, $0x1800, v1;
	v2 =	vsel vm7, $0x1B00, v2;
	[tilespmem:$0x1FD50] =	vst v0;
	v0 =	vunpack.c.0.s8.s32 v37  }
0x91: {  	v58 =	vimm.s32 $0x1200;
	v1 =	vsel vm9, $0x1880, v1;
	v2 =	vsel vm6, $0x1B80, v2  }
0x92: {  	v1 =	vsel vm8, $0x1900, v1;
	v2 =	vsel vm5, $0x1000, v2;
	[tilespmem:$0x1FD60] =	vst v0;
	v0 =	vunpack.c.0.s8.s32 v38  }
0x93: {  	v12 =	vimm.s32 $0x1380;
	v1 =	vsel vm7, $0x1980, v1;
	v2 =	vsel vm4, $0x1080, v2  }
0x94: {  	v1 =	vsel vm6, $0x1A00, v1;
	v2 =	vsel vm2, $0x1100, v2;
	[tilespmem:$0x1FD70] =	vst v0;
	v0 =	vunpack.c.0.s8.s32 v52  }
0x95: {  	v7 =	vimm.s32 $0x1300;
	v1 =	vsel vm5, $0x1A80, v1;
	v5 =	vsel vm3, $0x1180, v2  }
0x96: {  	v2 =	vsel vm15, $0x1880, v13;
	v1 =	vsel vm4, $0x1B00, v1;
	[tilespmem:$0x1FD90] =	vst v0;
	v0 =	vunpack.c.0.s8.s32 v54  }
0x97: {  	v6 =	vsel vm1, $0x1200, v5;
	v2 =	vsel vm14, $0x1900, v2;
	v1 =	vsel vm2, $0x1B80, v1  }
0x98: {  	v2 =	vsel vm13, $0x1980, v2;
	v35 =	vimm.s32 $0x1880;
	[tilespmem:$0x1FDA0] =	vst v0;
	v0 =	vsel vm15, $0x1200, v57  }
0x99: {  	v43 =	vsel vm3, $0x1000, v1;
	v1 =	vsel vm15, $0x1280, v58;
	v0 =	vsel vm14, $0x1280, v0  }
0x9a: {  	v2 =	vsel vm12, $0x1A00, v2;
	v53 =	vsel vm1, $0x1080, v43;
	v0 =	vsel vm13, $0x1300, v0  }
0x9b: {  	v1 =	vsel vm14, $0x1300, v1;
	v2 =	vsel vm11, $0x1A80, v2;
	v0 =	vsel vm12, $0x1380, v0  }
0x9c: {  	v36 =	vimm.s32 $0x1900;
	v1 =	vsel vm13, $0x1380, v1;
	v0 =	vsel vm11, $0x1800, v0  }
0x9d: {  	v2 =	vsel vm10, $0x1B00, v2;
	v1 =	vsel vm12, $0x1800, v1;
	v0 =	vsel vm10, $0x1880, v0  }
0x9e: {  	v2 =	vsel vm9, $0x1B80, v2;
	v1 =	vsel vm11, $0x1880, v1;
	v0 =	vsel vm9, $0x1900, v0  }
0x9f: {  	v37 =	vimm.s32 $0x1980;
	v1 =	vsel vm10, $0x1900, v1;
	v0 =	vsel vm8, $0x1980, v0  }
0xa0: {  	v2 =	vsel vm8, $0x1000, v2;
	v1 =	vsel vm9, $0x1980, v1;
	v0 =	vsel vm7, $0x1A00, v0  }
0xa1: {  	v2 =	vsel vm7, $0x1080, v2;
	v1 =	vsel vm8, $0x1A00, v1;
	v0 =	vsel vm6, $0x1A80, v0  }
0xa2: {  	v2 =	vsel vm6, $0x1100, v2;
	v1 =	vsel vm7, $0x1A80, v1;
	v0 =	vsel vm5, $0x1B00, v0  }
0xa3: {  	v2 =	vsel vm5, $0x1180, v2;
	v1 =	vsel vm6, $0x1B00, v1;
	v0 =	vsel vm4, $0x1B80, v0  }
0xa4: {  	v2 =	vsel vm4, $0x1200, v2;
	v1 =	vsel vm5, $0x1B80, v1;
	v0 =	vsel vm2, $0x1000, v0  }
0xa5: {  	v2 =	vsel vm2, $0x1280, v2;
	v1 =	vsel vm4, $0x1000, v1;
	v0 =	vsel vm3, $0x1080, v0  }
0xa6: {  	v1 =	vsel vm2, $0x1080, v1;
	v58 =	vsel vm1, $0x1100, v0;
	v0 =	vsel vm15, $0x1380, v7  }
0xa7: {  	v4 =	vsel vm3, $0x1100, v1;
	v1 =	vsel vm15, $0x1800, v12;
	v0 =	vsel vm14, $0x1800, v0  }
0xa8: {  	v15 =	vsel vm3, $0x1300, v2;
	v1 =	vsel vm14, $0x1880, v1;
	v0 =	vsel vm13, $0x1880, v0  }
0xa9: {  	v2 =	vsel vm15, $0x1A00, v37;
	v1 =	vsel vm13, $0x1900, v1;
	v0 =	vsel vm12, $0x1900, v0  }
0xaa: {  	v2 =	vsel vm14, $0x1A80, v2;
	v1 =	vsel vm12, $0x1980, v1;
	v0 =	vsel vm11, $0x1980, v0  }
0xab: {  	v2 =	vsel vm13, $0x1B00, v2;
	v1 =	vsel vm11, $0x1A00, v1;
	v0 =	vsel vm10, $0x1A00, v0  }
0xac: {  	v2 =	vsel vm12, $0x1B80, v2;
	v1 =	vsel vm10, $0x1A80, v1;
	v0 =	vsel vm9, $0x1A80, v0  }
0xad: {  	v2 =	vsel vm11, $0x1000, v2;
	v1 =	vsel vm9, $0x1B00, v1;
	v0 =	vsel vm8, $0x1B00, v0  }
0xae: {  	v2 =	vsel vm10, $0x1080, v2;
	v1 =	vsel vm8, $0x1B80, v1;
	v0 =	vsel vm7, $0x1B80, v0  }
0xaf: {  	v2 =	vsel vm9, $0x1100, v2;
	v1 =	vsel vm7, $0x1000, v1;
	v0 =	vsel vm6, $0x1000, v0  }
0xb0: {  	v2 =	vsel vm8, $0x1180, v2;
	v1 =	vsel vm6, $0x1080, v1;
	v0 =	vsel vm5, $0x1080, v0  }
0xb1: {  	v2 =	vsel vm7, $0x1200, v2;
	v1 =	vsel vm5, $0x1100, v1;
	v0 =	vsel vm4, $0x1100, v0  }
0xb2: {  	v2 =	vsel vm6, $0x1280, v2;
	v1 =	vsel vm4, $0x1180, v1;
	v0 =	vsel vm2, $0x1180, v0  }
0xb3: {  	v2 =	vsel vm5, $0x1300, v2;
	v1 =	vsel vm2, $0x1200, v1;
	v0 =	vsel vm3, $0x1200, v0  }
0xb4: {  	v2 =	vsel vm4, $0x1380, v2;
	v14 =	vsel vm3, $0x1280, v1;
	v0 =	vsel vm1, $0x1280, v0  }
0xb5: {  	v54 =	vimm.s32 $0x1B00;
	v2 =	vsel vm2, $0x1800, v2;
	[tilespmem:$0x1FDD0] =	vst v0;
	v0 =	vsel vm1, $0x1300, v14  }
0xb6: {  	v34 =	vsel vm1, $0x1380, v15;
	v43 =	vsel vm3, $0x1880, v2;
	[tilespmem:$0x1FDE0] =	vst v0;
	v0 =	vsel vm15, $0x1900, v35  }
0xb7: {  	v2 =	vsel vm15, $0x1B80, v54;
	v1 =	vsel vm15, $0x1980, v36;
	v0 =	vsel vm14, $0x1980, v0  }
0xb8: {  	v48 =	vsel vm1, $0x1900, v43;
	v1 =	vsel vm14, $0x1A00, v1;
	v0 =	vsel vm13, $0x1A00, v0  }
0xb9: {  	v2 =	vsel vm14, $0x1000, v2;
	v1 =	vsel vm13, $0x1A80, v1;
	v0 =	vsel vm12, $0x1A80, v0  }
0xba: {  	v2 =	vsel vm13, $0x1080, v2;
	v1 =	vsel vm12, $0x1B00, v1;
	v0 =	vsel vm11, $0x1B00, v0  }
0xbb: {  	v2 =	vsel vm12, $0x1100, v2;
	v1 =	vsel vm11, $0x1B80, v1;
	v0 =	vsel vm10, $0x1B80, v0  }
0xbc: {  	v2 =	vsel vm11, $0x1180, v2;
	v1 =	vsel vm10, $0x1000, v1;
	v0 =	vsel vm9, $0x1000, v0  }
0xbd: {  	v2 =	vsel vm10, $0x1200, v2;
	v1 =	vsel vm9, $0x1080, v1;
	v0 =	vsel vm8, $0x1080, v0  }
0xbe: {  	v2 =	vsel vm9, $0x1280, v2;
	v1 =	vsel vm8, $0x1100, v1;
	v0 =	vsel vm7, $0x1100, v0  }
0xbf: {  	v2 =	vsel vm8, $0x1300, v2;
	v1 =	vsel vm7, $0x1180, v1;
	v0 =	vsel vm6, $0x1180, v0  }
0xc0: {  	[tilespmem:$0x1FD80] =	vst v51;
	v2 =	vsel vm7, $0x1380, v2;
	v1 =	vsel vm6, $0x1200, v1;
	v0 =	vsel vm5, $0x1200, v0  }
0xc1: {  	[tilespmem:$0x1FDB0] =	vst v56;
	v2 =	vsel vm6, $0x1800, v2;
	v1 =	vsel vm5, $0x1280, v1;
	v0 =	vsel vm4, $0x1280, v0  }
0xc2: {  	[tilespmem:$0x1FDC0] =	vst v6;
	v2 =	vsel vm5, $0x1880, v2;
	v1 =	vsel vm4, $0x1300, v1;
	v0 =	vsel vm2, $0x1300, v0  }
0xc3: {  	s3 =	rddreg [dreg:$0x0];
	[tilespmem:$0x1FDF0] =	vst v34;
	v2 =	vsel vm4, $0x1900, v2;
	v1 =	vsel vm2, $0x1380, v1;
	v0 =	vsel vm3, $0x1380, v0  }
0xc4: {  	s4 =	rddreg [dreg:$0x1];
	[tilespmem:$0x1FE20] =	vst v48;
	v2 =	vsel vm2, $0x1980, v2;
	v38 =	vsel vm3, $0x1800, v1;
	v0 =	vsel vm1, $0x1800, v0  }
0xc5: {  	s5 =	rddreg [dreg:$0x2];
	s1 =	simm.s32 $0x0;
	v56 =	vsel vm3, $0x1A00, v2;
	[tilespmem:$0x1FE00] =	vst v0;
	v0 =	vsel vm1, $0x1880, v38  }
0xc6: {  	[smem:$0x7FF] =	sst s1;
	v57 =	vsel vm1, $0x1A80, v56;
	[tilespmem:$0x1FE10] =	vst v0  }
0xc7: {  	s0 =	rddreg [dreg:$0x3];
	_ =	strace $0x80000047;
	[tilespmem:$0x1FE50] =	vst v57  }
0xc8: {  	[tilespmem:$0x1FE60] =	vst v24  }
0xc9: {  	[tilespmem:$0x1FE70] =	vst v25  }
0xca: {  	[tilespmem:$0x1FE80] =	vst v23  }
0xcb: {  	[tilespmem:$0x1FE90] =	vst v22  }
0xcc: {  	[tilespmem:$0x1FEA0] =	vst v26  }
0xcd: {  	[tilespmem:$0x1FEB0] =	vst v30  }
0xce: {  	[tilespmem:$0x1FEC0] =	vst v45  }
0xcf: {  	[tilespmem:$0x1FED0] =	vst v32  }
0xd0: {  	[tilespmem:$0x1FEE0] =	vst v29  }
0xd1: {  	[tilespmem:$0x1FEF0] =	vst v33  }
0xd2: {  	v51 =	vimm.s32 $0x1A00;
	[tilespmem:$0x1FF00] =	vst v46  }
0xd3: {  	v52 =	vimm.s32 $0x1A80;
	v0 =	vsel vm15, $0x1A80, v51;
	[tilespmem:$0x1FF10] =	vst v42  }
0xd4: {  	v1 =	vsel vm15, $0x1B00, v52;
	v0 =	vsel vm14, $0x1B00, v0;
	[tilespmem:$0x1FF20] =	vst v44  }
0xd5: {  	v1 =	vsel vm14, $0x1B80, v1;
	[tilespmem:$0x1FF30] =	vst v41;
	v0 =	vsel vm13, $0x1B80, v0  }
0xd6: {  	v1 =	vsel vm13, $0x1000, v1;
	[tilespmem:$0x1FF40] =	vst v40;
	v0 =	vsel vm12, $0x1000, v0  }
0xd7: {  	v1 =	vsel vm12, $0x1080, v1;
	[tilespmem:$0x1FF50] =	vst v39;
	v0 =	vsel vm11, $0x1080, v0  }
0xd8: {  	v1 =	vsel vm11, $0x1100, v1;
	[tilespmem:$0x1FF60] =	vst v9;
	v0 =	vsel vm10, $0x1100, v0  }
0xd9: {  	v1 =	vsel vm10, $0x1180, v1;
	[tilespmem:$0x1FF70] =	vst v63;
	v0 =	vsel vm9, $0x1180, v0  }
0xda: {  	s6 =	srdreg.scid;
	s2 =	stileid.u32;
	s10 =	simm.s32 $0x5;
	v1 =	vsel vm9, $0x1200, v1;
	[tilespmem:$0x1FF80] =	vst v62;
	v0 =	vsel vm8, $0x1200, v0  }
0xdb: {  	s11 =	simm.s32 $0x100;
	s12 =	simm.s32 $0x7000;
	s13 =	simm.s32 $0x7400;
	v1 =	vsel vm8, $0x1280, v1;
	[tilespmem:$0x1FF90] =	vst v60;
	v0 =	vsel vm7, $0x1280, v0  }
0xdc: {  	s14 =	simm.s32 $0x7100;
	s15 =	simm.s32 $0xF400;
	s16 =	simm.s32 $0x1;
	v1 =	vsel vm7, $0x1300, v1;
	[tilespmem:$0x1FFA0] =	vst v59;
	v0 =	vsel vm6, $0x1300, v0  }
0xdd: {  	s17 =	simm.s32 $0x17400;
	s18 =	simm.s32 $0x800;
	s19 =	simm.s32 $0x2;
	v1 =	vsel vm6, $0x1380, v1;
	[tilespmem:$0x1FFB0] =	vst v53;
	v0 =	vsel vm5, $0x1380, v0  }
0xde: {  	s20 =	simm.s32 $0x4;
	s21 =	simm.s32 $0x19400;
	s22 =	simm.s32 $0x3;
	v61 =	vsel vm1, $0x1180, v4;
	v1 =	vsel vm5, $0x1800, v1;
	[tilespmem:$0x1FFC0] =	vst v58;
	v0 =	vsel vm4, $0x1800, v0  }
0xdf: {  	s23 =	simm.s32 $0x0;
	s6 =	sand.u32 $0x1, s6;
	s8 =	sshll.u32 s2, $0xA;
	v1 =	vsel vm4, $0x1880, v1;
	[tilespmem:$0x1FFD0] =	vst v61;
	v0 =	vsel vm2, $0x1880, v0  }
0xe0: {  	s3 =	sadd.s32 $0xF42800, s3;
	s7 =	ssub.s32 $0x2, s6;
	s6 =	sshll.u32 s6, $0x9;
	v1 =	vsel vm2, $0x1900, v1;
	[tilespmem:$0x1FFE0] =	vst v27;
	v0 =	vsel vm3, $0x1900, v0  }
0xe1: {  	s9 =	sshrl.u32 s7, $0x1;
	s6 =	sor.u32 s6, s8;
	s8 =	simm.s32 $0x1000;
	v55 =	vsel vm3, $0x1980, v1;
	[tilespmem:$0x1FFF0] =	vst v31;
	v0 =	vsel vm1, $0x1980, v0  }
0xe2: {  	s7 =	ssub.s32 s7, s9;
	s4 =	sadd.s32 s4, s6;
	s5 =	sadd.s32 s5, s6;
	[tilespmem:$0x1FE30] =	vst v0;
	v0 =	vsel vm1, $0x1A00, v55  }
0xe3: {  	vm0 =	vcmask $0x1F10;
	v18 =	vlaneseq.u32;
	s9 =	simm.s32 $0x20000;
	s6 =	sadd.s32 $0x100, s5;
	s7 =	smax.u32 s7, $0x1;
	[tilespmem:$0x1FE40] =	vst v0  }
.LBB2_1:
0xe4: {  	[tilespmem:s1], [sflag:$0x5] =	stream.strided.gather [hbm4b:s4+s8], $0x7000, s9, s8, $0x38;
	[tilespmem:$0x1B400] =	vst v63  }
0xe5: {  	_ =	swait.ge [sflag:s10], $0x7000  }
0xe6: {  	[sflag:s10] =	ssyncset.done $0x0  }
0xe7: {  	[sflag:s10] =	ssyncadd.s32 $0xFFFF9000  }
0xe8: {  	v0 =	vld [tilespmem:$0x0]  }
0xe9: {  	v1 =	vld [tilespmem:$0x10]  }
0xea: {  	v2 =	vld [tilespmem:$0x20]  }
0xeb: {  	v48 =	vld [tilespmem:$0x30]  }
0xec: {  	v54 =	vld [tilespmem:$0x40]  }
0xed: {  	v57 =	vld [tilespmem:$0x50];
	v3 =	vshrl.u32 v0, $0x2  }
0xee: {  	v12 =	vld [tilespmem:$0x60];
	v51 =	vshrl.u32 v1, $0x2;
	[tilespmem:$0x7000] =	vst v3  }
0xef: {  	v55 =	vshrl.u32 v2, $0x2;
	[tilespmem:$0x7010] =	vst v51  }
0xf0: {  	v6 =	vshrl.u32 v48, $0x2;
	[tilespmem:$0x7020] =	vst v55  }
0xf1: {  	v13 =	vshrl.u32 v54, $0x2;
	[tilespmem:$0x7030] =	vst v6  }
0xf2: {  	v15 =	vld [tilespmem:$0x70];
	v34 =	vshrl.u32 v57, $0x2;
	[tilespmem:$0x7040] =	vst v13  }
0xf3: {  	v36 =	vld [tilespmem:$0x400];
	v0 =	vshll.u32 v0, $0x5;
	v37 =	vshrl.u32 v12, $0x2;
	[tilespmem:$0x7050] =	vst v34  }
0xf4: {  	v43 =	vld [tilespmem:$0x410];
	v1 =	vshll.u32 v1, $0x5;
	v0 =	vand.u32 $0x60, v0;
	[tilespmem:$0x7060] =	vst v37  }
0xf5: {  	v2 =	vshll.u32 v2, $0x5;
	v52 =	vand.u32 $0x60, v1;
	[tilespmem:$0x7200] =	vst v0  }
0xf6: {  	v56 =	vand.u32 $0x60, v2;
	[tilespmem:$0x7210] =	vst v52  }
0xf7: {  	v3 =	vshll.u32 v48, $0x5;
	v48 =	vshrl.u32 v15, $0x2;
	[tilespmem:$0x7220] =	vst v56  }
0xf8: {  	v1 =	vshll.u32 v54, $0x5;
	v54 =	vshrl.u32 v36, $0x2;
	[tilespmem:$0x7070] =	vst v48  }
0xf9: {  	v2 =	vshll.u32 v57, $0x5;
	v57 =	vshrl.u32 v43, $0x2;
	[tilespmem:$0x7080] =	vst v54  }
0xfa: {  	v7 =	vand.u32 $0x60, v3;
	[tilespmem:$0x7090] =	vst v57  }
0xfb: {  	v14 =	vand.u32 $0x60, v1;
	[tilespmem:$0x7230] =	vst v7  }
0xfc: {  	v35 =	vand.u32 $0x60, v2;
	v3 =	vshll.u32 v12, $0x5;
	v52 =	vld [tilespmem:$0x420];
	[tilespmem:$0x7240] =	vst v14  }
0xfd: {  	v1 =	vshll.u32 v15, $0x5;
	v56 =	vld [tilespmem:$0x430];
	[tilespmem:$0x7250] =	vst v35;
	v38 =	vand.u32 $0x60, v3  }
0xfe: {  	v2 =	vshll.u32 v36, $0x5;
	v51 =	vand.u32 $0x60, v1;
	[tilespmem:$0x7260] =	vst v38  }
0xff: {  	v55 =	vand.u32 $0x60, v2;
	v3 =	vshll.u32 v43, $0x5;
	[tilespmem:$0x7270] =	vst v51  }
0x100: {  	v7 =	vld [tilespmem:$0x440];
	[tilespmem:$0x7280] =	vst v55;
	v6 =	vand.u32 $0x60, v3  }
0x101: {  	v14 =	vld [tilespmem:$0x450];
	[tilespmem:$0x7290] =	vst v6;
	v12 =	vshrl.u32 v52, $0x2  }
0x102: {  	v35 =	vld [tilespmem:$0x460];
	v1 =	vshll.u32 v52, $0x5;
	v15 =	vshrl.u32 v56, $0x2;
	[tilespmem:$0x70A0] =	vst v12  }
0x103: {  	v2 =	vshll.u32 v56, $0x5;
	v13 =	vand.u32 $0x60, v1;
	[tilespmem:$0x70B0] =	vst v15  }
0x104: {  	v34 =	vand.u32 $0x60, v2;
	[tilespmem:$0x72A0] =	vst v13  }
0x105: {  	v36 =	vshrl.u32 v7, $0x2;
	[tilespmem:$0x72B0] =	vst v34  }
0x106: {  	v38 =	vld [tilespmem:$0x470];
	v43 =	vshrl.u32 v14, $0x2;
	[tilespmem:$0x70C0] =	vst v36  }
0x107: {  	v3 =	vshll.u32 v7, $0x5;
	v51 =	vshrl.u32 v35, $0x2;
	[tilespmem:$0x70D0] =	vst v43  }
0x108: {  	v1 =	vshll.u32 v14, $0x5;
	v37 =	vand.u32 $0x60, v3;
	[tilespmem:$0x70E0] =	vst v51  }
0x109: {  	v52 =	vshll.u32 v35, $0x5;
	v48 =	vand.u32 $0x60, v1;
	[tilespmem:$0x72C0] =	vst v37  }
0x10a: {  	v54 =	vand.u32 $0x60, v52;
	[tilespmem:$0x72D0] =	vst v48  }
0x10b: {  	v55 =	vshrl.u32 v38, $0x2;
	v56 =	vshll.u32 v38, $0x5;
	[tilespmem:$0x72E0] =	vst v54  }
0x10c: {  	[tilespmem:$0x70F0] =	vst v55;
	v57 =	vand.u32 $0x60, v56  }
0x10d: {  	s24 =	simm.s32 $0x0;
	[tilespmem:$0x72F0] =	vst v57  }
0x10e: {  	[tilespmem:s13], [sflag:$0x1] =	stream.indirect.gather [hbm4b:s3+s11], $0x80, s12, s11, $0xb8;
	[tilespmem:$0x1B400] =	vst v63  }
.LBB2_2:
0x10f: {  	s25 =	sshll.u32 s24, $0x9;
	s26 =	sshll.u32 s24, $0x7  }
0x110: {  	s25 =	sand.u32 $0x7000, s25;
	s26 =	sand.u32 $0x380, s26  }
0x111: {  	s25 =	sor.u32 s26, s25  }
0x112: {  	v0 =	vld [tilespmem:s25+$0x800];
	_ =	sdelay $0x4  }
0x113: {  	v1 =	vshrl.u32 v0, $0x2;
	v0 =	vshll.u32 v0, $0x5  }
0x114: {  	[tilespmem:$0x7100] =	vst v1;
	v0 =	vand.u32 $0x60, v0  }
0x115: {  	[tilespmem:$0x7300] =	vst v0  }
0x116: {  	v0 =	vld [tilespmem:s25+$0x810];
	_ =	sdelay $0x4  }
0x117: {  	v1 =	vshrl.u32 v0, $0x2;
	v0 =	vshll.u32 v0, $0x5  }
0x118: {  	[tilespmem:$0x7110] =	vst v1;
	v0 =	vand.u32 $0x60, v0  }
0x119: {  	[tilespmem:$0x7310] =	vst v0  }
0x11a: {  	v0 =	vld [tilespmem:s25+$0x820];
	_ =	sdelay $0x4  }
0x11b: {  	v1 =	vshrl.u32 v0, $0x2;
	v0 =	vshll.u32 v0, $0x5  }
0x11c: {  	[tilespmem:$0x7120] =	vst v1;
	v0 =	vand.u32 $0x60, v0  }
0x11d: {  	[tilespmem:$0x7320] =	vst v0  }
0x11e: {  	v0 =	vld [tilespmem:s25+$0x830];
	_ =	sdelay $0x4  }
0x11f: {  	v1 =	vshrl.u32 v0, $0x2;
	v0 =	vshll.u32 v0, $0x5  }
0x120: {  	[tilespmem:$0x7130] =	vst v1;
	v0 =	vand.u32 $0x60, v0  }
0x121: {  	[tilespmem:$0x7330] =	vst v0  }
0x122: {  	v0 =	vld [tilespmem:s25+$0x840];
	_ =	sdelay $0x4  }
0x123: {  	v1 =	vshrl.u32 v0, $0x2;
	v0 =	vshll.u32 v0, $0x5  }
0x124: {  	[tilespmem:$0x7140] =	vst v1;
	v0 =	vand.u32 $0x60, v0  }
0x125: {  	[tilespmem:$0x7340] =	vst v0  }
0x126: {  	v0 =	vld [tilespmem:s25+$0x850];
	_ =	sdelay $0x4  }
0x127: {  	v1 =	vshrl.u32 v0, $0x2;
	v0 =	vshll.u32 v0, $0x5  }
0x128: {  	[tilespmem:$0x7150] =	vst v1;
	v0 =	vand.u32 $0x60, v0  }
0x129: {  	[tilespmem:$0x7350] =	vst v0  }
0x12a: {  	v0 =	vld [tilespmem:s25+$0x860];
	_ =	sdelay $0x4  }
0x12b: {  	v1 =	vshrl.u32 v0, $0x2;
	v0 =	vshll.u32 v0, $0x5  }
0x12c: {  	[tilespmem:$0x7160] =	vst v1;
	v0 =	vand.u32 $0x60, v0  }
0x12d: {  	[tilespmem:$0x7360] =	vst v0  }
0x12e: {  	v0 =	vld [tilespmem:s25+$0x870];
	_ =	sdelay $0x4  }
0x12f: {  	v1 =	vshrl.u32 v0, $0x2;
	v0 =	vshll.u32 v0, $0x5  }
0x130: {  	[tilespmem:$0x7170] =	vst v1;
	v0 =	vand.u32 $0x60, v0  }
0x131: {  	[tilespmem:$0x7370] =	vst v0  }
0x132: {  	v0 =	vld [tilespmem:s25+$0xC00];
	_ =	sdelay $0x4  }
0x133: {  	v1 =	vshrl.u32 v0, $0x2;
	v0 =	vshll.u32 v0, $0x5  }
0x134: {  	[tilespmem:$0x7180] =	vst v1;
	v0 =	vand.u32 $0x60, v0  }
0x135: {  	[tilespmem:$0x7380] =	vst v0  }
0x136: {  	v0 =	vld [tilespmem:s25+$0xC10];
	_ =	sdelay $0x4  }
0x137: {  	v1 =	vshrl.u32 v0, $0x2;
	v0 =	vshll.u32 v0, $0x5  }
0x138: {  	[tilespmem:$0x7190] =	vst v1;
	v0 =	vand.u32 $0x60, v0  }
0x139: {  	[tilespmem:$0x7390] =	vst v0  }
0x13a: {  	v0 =	vld [tilespmem:s25+$0xC20];
	_ =	sdelay $0x4  }
0x13b: {  	v1 =	vshrl.u32 v0, $0x2;
	v0 =	vshll.u32 v0, $0x5  }
0x13c: {  	[tilespmem:$0x71A0] =	vst v1;
	v0 =	vand.u32 $0x60, v0  }
0x13d: {  	[tilespmem:$0x73A0] =	vst v0  }
0x13e: {  	v0 =	vld [tilespmem:s25+$0xC30];
	_ =	sdelay $0x4  }
0x13f: {  	v1 =	vshrl.u32 v0, $0x2;
	v0 =	vshll.u32 v0, $0x5  }
0x140: {  	[tilespmem:$0x71B0] =	vst v1;
	v0 =	vand.u32 $0x60, v0  }
0x141: {  	[tilespmem:$0x73B0] =	vst v0  }
0x142: {  	v0 =	vld [tilespmem:s25+$0xC40];
	_ =	sdelay $0x4  }
0x143: {  	v1 =	vshrl.u32 v0, $0x2;
	v0 =	vshll.u32 v0, $0x5  }
0x144: {  	[tilespmem:$0x71C0] =	vst v1;
	v0 =	vand.u32 $0x60, v0  }
0x145: {  	[tilespmem:$0x73C0] =	vst v0  }
0x146: {  	v0 =	vld [tilespmem:s25+$0xC50];
	_ =	sdelay $0x4  }
0x147: {  	v1 =	vshrl.u32 v0, $0x2;
	v0 =	vshll.u32 v0, $0x5  }
0x148: {  	[tilespmem:$0x71D0] =	vst v1;
	v0 =	vand.u32 $0x60, v0  }
0x149: {  	[tilespmem:$0x73D0] =	vst v0  }
0x14a: {  	v0 =	vld [tilespmem:s25+$0xC60];
	_ =	sdelay $0x4  }
0x14b: {  	v1 =	vshrl.u32 v0, $0x2;
	v0 =	vshll.u32 v0, $0x5  }
0x14c: {  	[tilespmem:$0x71E0] =	vst v1;
	v0 =	vand.u32 $0x60, v0  }
0x14d: {  	[tilespmem:$0x73E0] =	vst v0  }
0x14e: {  	v0 =	vld [tilespmem:s25+$0xC70];
	_ =	sdelay $0x4  }
0x14f: {  	v1 =	vshrl.u32 v0, $0x2;
	v0 =	vshll.u32 v0, $0x5  }
0x150: {  	[tilespmem:$0x71F0] =	vst v1;
	v0 =	vand.u32 $0x60, v0  }
0x151: {  	[tilespmem:$0x73F0] =	vst v0  }
0x152: {  	[tilespmem:s15], [sflag:$0x2] =	stream.indirect.gather [hbm4b:s3+s11], $0x80, s14, s11, $0xb8;
	[tilespmem:$0x1B400] =	vst v63  }
0x153: {  	_ =	swait.ge [sflag:s16], $0x8000  }
0x154: {  	p0 =	seq.s32 s24, $0x0;
	[sflag:s16] =	ssyncset.done $0x0  }
0x155: {  	s25 =	simm.s32 @!p0 $0x3;
	[sflag:s16] =	ssyncadd.s32 $0xFFFF8000  }
0x156: {  	_ =	swait.ge @!p0 [sflag:s25], $0x2000  }
0x157: {  	[sflag:s25] =	ssyncset.done @!p0 $0x0  }
0x158: {  	[sflag:s25] =	ssyncadd.s32 @!p0 $0xFFFFE000;
	s25 =	simm.s32 $0x7200  }
0x159: {  	v0 =	vld [tilespmem:s25+$0x0];
	_ =	sdelay $0x3  }
0x15a: {  	s31 =	simm.s32 $0x0  }
0x15b: {  	v1 =	vor.u32 s31, v18;
	v2 =	vadd.s32 v18, v0  }
0x15c: {  	v5 =	vshll.u32 v1, $0x7;
	v3 =	vand.u32 $0xFFFFFF80, v2  }
0x15d: {  	v2 =	vand.u32 $0x7F, v2;
	v3 =	vadd.s32 v5, v3  }
0x15e: {  	v2 =	vor.u32 v2, v3  }
0x15f: {  	v3 =	vmov s31  }
0x160: {  	v3 =	vshll.u32 v3, $0x3  }
0x161: {  	v1 =	vand.u32 $0x7F, v1;
	v4 =	vadd.s32 v23, v0;
	v3 =	vand.u32 $0x400, v3  }
0x162: {  	v6 =	vor.u32 v3, v1;
	v1 =	vand.u32 $0xFFFFFF80, v4  }
0x163: {  	v4 =	vand.u32 $0x7F, v4;
	v3 =	vor.u32 v22, v6;
	v1 =	vadd.s32 v5, v1;
	v2 =	vld.idx.msk [tilespmem:v2+s13+$0x0], $0xffff  }
0x164: {  	v1 =	vor.u32 v4, v1;
	_ =	sdelay $0x2  }
0x165: {  	v4 =	vadd.s32 v24, v0  }
0x166: {  	v7 =	vand.u32 $0xFFFFFF80, v4;
	[tilespmem:v3+s17+$0x0] =	vst.idx.msk $0xffff, v2  }
0x167: {  	v2 =	vor.u32 v25, v6;
	v3 =	vand.u32 $0x7F, v4;
	v4 =	vadd.s32 v5, v7;
	v1 =	vld.idx.msk [tilespmem:v1+s13+$0x0], $0xffff  }
0x168: {  	v3 =	vor.u32 v3, v4;
	_ =	sdelay $0x2  }
0x169: {  	v4 =	vadd.s32 v27, v0  }
0x16a: {  	v56 =	vand.u32 $0xFFFFFF80, v4;
	[tilespmem:v2+s17+$0x0] =	vst.idx.msk $0xffff, v1  }
0x16b: {  	v1 =	vand.u32 $0x7F, v4;
	v2 =	vor.u32 v26, v6;
	v4 =	vadd.s32 v5, v56;
	v3 =	vld.idx.msk [tilespmem:v3+s13+$0x0], $0xffff  }
0x16c: {  	v1 =	vor.u32 v1, v4;
	_ =	sdelay $0x2  }
0x16d: {  	v4 =	vadd.s32 v28, v0  }
0x16e: {  	v57 =	vand.u32 $0xFFFFFF80, v4;
	[tilespmem:v2+s17+$0x0] =	vst.idx.msk $0xffff, v3  }
0x16f: {  	v4 =	vand.u32 $0x7F, v4;
	v2 =	vadd.s32 v5, v57;
	v3 =	vor.u32 v29, v6;
	v1 =	vld.idx.msk [tilespmem:v1+s13+$0x0], $0xffff  }
0x170: {  	v2 =	vor.u32 v4, v2;
	_ =	sdelay $0x2  }
0x171: {  	v4 =	vadd.s32 v30, v0  }
0x172: {  	v10 =	vand.u32 $0xFFFFFF80, v4;
	[tilespmem:v3+s17+$0x0] =	vst.idx.msk $0xffff, v1  }
0x173: {  	v4 =	vand.u32 $0x7F, v4;
	v1 =	vadd.s32 v5, v10;
	v3 =	vor.u32 v49, v6;
	v2 =	vld.idx.msk [tilespmem:v2+s13+$0x0], $0xffff  }
0x174: {  	v1 =	vor.u32 v4, v1;
	_ =	sdelay $0x2  }
0x175: {  	v4 =	vadd.s32 v31, v0  }
0x176: {  	v11 =	vand.u32 $0xFFFFFF80, v4;
	[tilespmem:v3+s17+$0x0] =	vst.idx.msk $0xffff, v2  }
0x177: {  	v4 =	vand.u32 $0x7F, v4;
	v2 =	vor.u32 v47, v6;
	v3 =	vadd.s32 v5, v11;
	v1 =	vld.idx.msk [tilespmem:v1+s13+$0x0], $0xffff  }
0x178: {  	v3 =	vor.u32 v4, v3;
	_ =	sdelay $0x2  }
0x179: {  	v4 =	vadd.s32 v32, v0  }
0x17a: {  	v12 =	vand.u32 $0xFFFFFF80, v4;
	[tilespmem:v2+s17+$0x0] =	vst.idx.msk $0xffff, v1  }
0x17b: {  	v4 =	vand.u32 $0x7F, v4;
	v1 =	vadd.s32 v5, v12;
	v2 =	vor.u32 v45, v6;
	v3 =	vld.idx.msk [tilespmem:v3+s13+$0x0], $0xffff  }
0x17c: {  	v14 =	vld [tilespmem:$0x1FBE0];
	v1 =	vor.u32 v4, v1  }
0x17d: {  	v8 =	vld [tilespmem:$0x1FBF0];
	_ =	sdelay $0x1  }
0x17e: {  	v4 =	vadd.s32 v33, v0  }
0x17f: {  	v13 =	vand.u32 $0xFFFFFF80, v4;
	[tilespmem:v2+s17+$0x0] =	vst.idx.msk $0xffff, v3  }
0x180: {  	v4 =	vand.u32 $0x7F, v4;
	v2 =	vadd.s32 v5, v13;
	v3 =	vor.u32 v50, v6;
	v1 =	vld.idx.msk [tilespmem:v1+s13+$0x0], $0xffff  }
0x181: {  	v16 =	vld [tilespmem:$0x1FC00];
	v7 =	vcombine.low v14, v8;
	v2 =	vor.u32 v4, v2  }
0x182: {  	v17 =	vld [tilespmem:$0x1FC10]  }
0x183: {  	v4 =	vand.u32 $0xF, v7  }
0x184: {  	[tilespmem:$0x1FA90] =	vst v4;
	v4 =	vadd.s32 v4, v0  }
0x185: {  	v15 =	vand.u32 $0xFFFFFF80, v4;
	[tilespmem:v3+s17+$0x0] =	vst.idx.msk $0xffff, v1  }
0x186: {  	v4 =	vand.u32 $0x7F, v4;
	v1 =	vadd.s32 v5, v15;
	v3 =	vor.u32 v46, v6;
	v2 =	vld.idx.msk [tilespmem:v2+s13+$0x0], $0xffff  }
0x187: {  	v34 =	vld [tilespmem:$0x1FC20];
	v7 =	vcombine.low v16, v17;
	v1 =	vor.u32 v4, v1  }
0x188: {  	v35 =	vld [tilespmem:$0x1FC30]  }
0x189: {  	v4 =	vand.u32 $0xF, v7  }
0x18a: {  	[tilespmem:$0x1FAA0] =	vst v4;
	v4 =	vadd.s32 v4, v0  }
0x18b: {  	v19 =	vand.u32 $0xFFFFFF80, v4;
	[tilespmem:v3+s17+$0x0] =	vst.idx.msk $0xffff, v2  }
0x18c: {  	v4 =	vand.u32 $0x7F, v4;
	v2 =	vadd.s32 v5, v19;
	v3 =	vor.u32 v42, v6;
	v1 =	vld.idx.msk [tilespmem:v1+s13+$0x0], $0xffff  }
0x18d: {  	v37 =	vld [tilespmem:$0x1FC40];
	v7 =	vcombine.low v34, v35;
	v2 =	vor.u32 v4, v2  }
0x18e: {  	v38 =	vld [tilespmem:$0x1FC50]  }
0x18f: {  	v4 =	vand.u32 $0xF, v7  }
0x190: {  	[tilespmem:$0x1FAB0] =	vst v4;
	v4 =	vadd.s32 v4, v0  }
0x191: {  	v36 =	vand.u32 $0xFFFFFF80, v4;
	[tilespmem:v3+s17+$0x0] =	vst.idx.msk $0xffff, v1  }
0x192: {  	v4 =	vand.u32 $0x7F, v4;
	v1 =	vadd.s32 v5, v36;
	v3 =	vor.u32 v44, v6;
	v2 =	vld.idx.msk [tilespmem:v2+s13+$0x0], $0xffff  }
0x193: {  	v43 =	vld [tilespmem:$0x1FC60];
	v7 =	vcombine.low v37, v38;
	v1 =	vor.u32 v4, v1  }
0x194: {  	v44 =	vld [tilespmem:$0x1FC70]  }
0x195: {  	v4 =	vand.u32 $0xF, v7  }
0x196: {  	[tilespmem:$0x1FAC0] =	vst v4;
	v4 =	vadd.s32 v4, v0  }
0x197: {  	v42 =	vand.u32 $0xFFFFFF80, v4;
	[tilespmem:v3+s17+$0x0] =	vst.idx.msk $0xffff, v2  }
0x198: {  	v4 =	vand.u32 $0x7F, v4;
	v2 =	vadd.s32 v5, v42;
	v3 =	vor.u32 v41, v6;
	v1 =	vld.idx.msk [tilespmem:v1+s13+$0x0], $0xffff  }
0x199: {  	v48 =	vld [tilespmem:$0x1FC90];
	v7 =	vcombine.low v43, v44;
	v2 =	vor.u32 v4, v2  }
0x19a: {  	v46 =	vld [tilespmem:$0x1FC80]  }
0x19b: {  	v4 =	vand.u32 $0xF, v7  }
0x19c: {  	[tilespmem:$0x1FAD0] =	vst v4;
	v4 =	vadd.s32 v4, v0  }
0x19d: {  	v45 =	vand.u32 $0xFFFFFF80, v4;
	[tilespmem:v3+s17+$0x0] =	vst.idx.msk $0xffff, v1  }
0x19e: {  	v4 =	vand.u32 $0x7F, v4;
	v1 =	vadd.s32 v5, v45;
	v3 =	vor.u32 v40, v6;
	v2 =	vld.idx.msk [tilespmem:v2+s13+$0x0], $0xffff  }
0x19f: {  	v52 =	vld [tilespmem:$0x1FCA0];
	v7 =	vcombine.low v46, v48;
	v1 =	vor.u32 v4, v1  }
0x1a0: {  	v54 =	vld [tilespmem:$0x1FCB0]  }
0x1a1: {  	v4 =	vand.u32 $0xF, v7  }
0x1a2: {  	[tilespmem:$0x1FAE0] =	vst v4;
	v4 =	vadd.s32 v4, v0  }
0x1a3: {  	v51 =	vand.u32 $0xFFFFFF80, v4;
	[tilespmem:v3+s17+$0x0] =	vst.idx.msk $0xffff, v2  }
0x1a4: {  	v4 =	vand.u32 $0x7F, v4;
	v2 =	vadd.s32 v5, v51;
	v3 =	vor.u32 v39, v6;
	v1 =	vld.idx.msk [tilespmem:v1+s13+$0x0], $0xffff  }
0x1a5: {  	v7 =	vcombine.low v52, v54;
	v2 =	vor.u32 v4, v2;
	_ =	sdelay $0x1  }
0x1a6: {  	v4 =	vand.u32 $0xF, v7  }
0x1a7: {  	v16 =	vld [tilespmem:$0x1FCC0];
	[tilespmem:$0x1FAF0] =	vst v4;
	v4 =	vadd.s32 v4, v0  }
0x1a8: {  	v17 =	vld [tilespmem:$0x1FCD0];
	v55 =	vand.u32 $0xFFFFFF80, v4;
	[tilespmem:v3+s17+$0x0] =	vst.idx.msk $0xffff, v1  }
0x1a9: {  	v4 =	vand.u32 $0x7F, v4;
	v1 =	vadd.s32 v5, v55;
	v3 =	vor.u32 v9, v6;
	v2 =	vld.idx.msk [tilespmem:v2+s13+$0x0], $0xffff  }
0x1aa: {  	v19 =	vld [tilespmem:$0x1FCF0];
	v1 =	vor.u32 v4, v1  }
0x1ab: {  	v4 =	vor.u32 $0x10, v18;
	v18 =	vld [tilespmem:$0x1FCE0];
	_ =	sdelay $0x1  }
0x1ac: {  	v20 =	vld [tilespmem:$0x1FD00];
	[tilespmem:$0x1FB00] =	vst v4;
	v4 =	vadd.s32 v4, v0  }
0x1ad: {  	v21 =	vld [tilespmem:$0x1FD10];
	v56 =	vand.u32 $0xFFFFFF80, v4;
	[tilespmem:v3+s17+$0x0] =	vst.idx.msk $0xffff, v2  }
0x1ae: {  	v4 =	vand.u32 $0x7F, v4;
	v2 =	vadd.s32 v5, v56;
	v3 =	vor.u32 v63, v6;
	v1 =	vld.idx.msk [tilespmem:v1+s13+$0x0], $0xffff  }
0x1af: {  	v8 =	vsel vm0, v17, v16;
	v34 =	vld [tilespmem:$0x1FD20];
	v7 =	vsel vm0, v19, v18;
	v2 =	vor.u32 v4, v2  }
0x1b0: {  	v35 =	vld [tilespmem:$0x1FD30];
	v4 =	vcombine.low v7, v8;
	_ =	sdelay $0x1  }
0x1b1: {  	v38 =	vld [tilespmem:$0x1FD60];
	[tilespmem:$0x1FB10] =	vst v4;
	v4 =	vadd.s32 v4, v0  }
0x1b2: {  	v37 =	vld [tilespmem:$0x1FD50];
	v57 =	vand.u32 $0xFFFFFF80, v4;
	[tilespmem:v3+s17+$0x0] =	vst.idx.msk $0xffff, v1  }
0x1b3: {  	v4 =	vand.u32 $0x7F, v4;
	v1 =	vadd.s32 v5, v57;
	v3 =	vor.u32 v62, v6;
	v2 =	vld.idx.msk [tilespmem:v2+s13+$0x0], $0xffff  }
0x1b4: {  	v10 =	vsel vm0, v35, v34;
	v36 =	vld [tilespmem:$0x1FD40];
	v63 =	vsel vm0, v21, v20;
	v1 =	vor.u32 v4, v1  }
0x1b5: {  	v43 =	vld [tilespmem:$0x1FD70];
	v4 =	vcombine.low v10, v63;
	_ =	sdelay $0x1  }
0x1b6: {  	v48 =	vld [tilespmem:$0x1FD80];
	[tilespmem:$0x1FB20] =	vst v4;
	v4 =	vadd.s32 v4, v0  }
0x1b7: {  	v52 =	vld [tilespmem:$0x1FDA0];
	v11 =	vand.u32 $0xFFFFFF80, v4;
	[tilespmem:v3+s17+$0x0] =	vst.idx.msk $0xffff, v2  }
0x1b8: {  	v4 =	vand.u32 $0x7F, v4;
	v2 =	vadd.s32 v5, v11;
	v3 =	vor.u32 v60, v6;
	v1 =	vld.idx.msk [tilespmem:v1+s13+$0x0], $0xffff  }
0x1b9: {  	v12 =	vsel vm0, v37, v36;
	v45 =	vsel vm0, v43, v38;
	v54 =	vld [tilespmem:$0x1FDB0];
	v2 =	vor.u32 v4, v2  }
0x1ba: {  	v51 =	vld [tilespmem:$0x1FD90];
	v4 =	vcombine.low v45, v12;
	_ =	sdelay $0x1  }
0x1bb: {  	[tilespmem:$0x1FB30] =	vst v4;
	v4 =	vadd.s32 v4, v0  }
0x1bc: {  	v13 =	vand.u32 $0xFFFFFF80, v4;
	[tilespmem:v3+s17+$0x0] =	vst.idx.msk $0xffff, v1  }
0x1bd: {  	v4 =	vand.u32 $0x7F, v4;
	v1 =	vadd.s32 v5, v13;
	v3 =	vor.u32 v59, v6;
	v2 =	vld.idx.msk [tilespmem:v2+s13+$0x0], $0xffff  }
0x1be: {  	v14 =	vsel vm0, v54, v52;
	v46 =	vsel vm0, v51, v48;
	v1 =	vor.u32 v4, v1  }
0x1bf: {  	v4 =	vcombine.low v14, v46;
	_ =	sdelay $0x1  }
0x1c0: {  	[tilespmem:$0x1FB40] =	vst v4;
	v4 =	vadd.s32 v4, v0  }
0x1c1: {  	v15 =	vand.u32 $0xFFFFFF80, v4;
	[tilespmem:v3+s17+$0x0] =	vst.idx.msk $0xffff, v2  }
0x1c2: {  	v4 =	vand.u32 $0x7F, v4;
	v2 =	vadd.s32 v5, v15;
	v3 =	vor.u32 v53, v6;
	v1 =	vld.idx.msk [tilespmem:v1+s13+$0x0], $0xffff  }
0x1c3: {  	v55 =	vsel vm0, v16, v19;
	v56 =	vsel vm0, v18, v17;
	v2 =	vor.u32 v4, v2  }
0x1c4: {  	v4 =	vcombine.low v55, v56;
	_ =	sdelay $0x1  }
0x1c5: {  	[tilespmem:$0x1FB50] =	vst v4;
	v4 =	vadd.s32 v4, v0  }
0x1c6: {  	v57 =	vand.u32 $0xFFFFFF80, v4;
	[tilespmem:v3+s17+$0x0] =	vst.idx.msk $0xffff, v1  }
0x1c7: {  	v4 =	vand.u32 $0x7F, v4;
	v1 =	vadd.s32 v5, v57;
	v3 =	vor.u32 v58, v6;
	v2 =	vld.idx.msk [tilespmem:v2+s13+$0x0], $0xffff  }
0x1c8: {  	v1 =	vor.u32 v4, v1;
	_ =	sdelay $0x3  }
0x1c9: {  	v59 =	vsel vm0, v20, v35;
	v58 =	vsel vm0, v34, v21;
	[tilespmem:v3+s17+$0x0] =	vst.idx.msk $0xffff, v2  }
0x1ca: {  	v34 =	vcombine.low v59, v58;
	v3 =	vor.u32 v61, v6;
	v1 =	vld.idx.msk [tilespmem:v1+s13+$0x0], $0xffff;
	_ =	sdelay $0x1  }
0x1cb: {  	v4 =	vadd.s32 v34, v0  }
0x1cc: {  	v60 =	vand.u32 $0xFFFFFF80, v4  }
0x1cd: {  	v4 =	vand.u32 $0x7F, v4;
	v2 =	vadd.s32 v5, v60  }
0x1ce: {  	v2 =	vor.u32 v4, v2;
	[tilespmem:v3+s17+$0x0] =	vst.idx.msk $0xffff, v1;
	v3 =	vld [tilespmem:$0x1FDC0];
	_ =	sdelay $0x3  }
0x1cf: {  	v62 =	vsel vm0, v38, v37;
	v20 =	vsel vm0, v36, v43  }
0x1d0: {  	v36 =	vcombine.low v20, v62;
	v2 =	vld.idx.msk [tilespmem:v2+s13+$0x0], $0xffff;
	v3 =	vor.u32 v3, v6;
	_ =	sdelay $0x1  }
0x1d1: {  	v4 =	vadd.s32 v36, v0  }
0x1d2: {  	v21 =	vand.u32 $0xFFFFFF80, v4  }
0x1d3: {  	v4 =	vand.u32 $0x7F, v4;
	v1 =	vadd.s32 v5, v21  }
0x1d4: {  	v1 =	vor.u32 v4, v1;
	[tilespmem:v3+s17+$0x0] =	vst.idx.msk $0xffff, v2;
	v3 =	vld [tilespmem:$0x1FDD0];
	_ =	sdelay $0x3  }
0x1d5: {  	v21 =	vsel vm0, v52, v51;
	v4 =	vsel vm0, v48, v54  }
0x1d6: {  	v4 =	vcombine.low v4, v21;
	v1 =	vld.idx.msk [tilespmem:v1+s13+$0x0], $0xffff;
	v3 =	vor.u32 v3, v6;
	_ =	sdelay $0x1  }
0x1d7: {  	[tilespmem:$0x1FB60] =	vst v4;
	v4 =	vadd.s32 v4, v0  }
0x1d8: {  	v2 =	vand.u32 $0xFFFFFF80, v4  }
0x1d9: {  	v4 =	vand.u32 $0x7F, v4;
	v2 =	vadd.s32 v5, v2  }
0x1da: {  	v2 =	vor.u32 v4, v2;
	[tilespmem:v3+s17+$0x0] =	vst.idx.msk $0xffff, v1;
	v3 =	vld [tilespmem:$0x1FDE0];
	_ =	sdelay $0x4  }
0x1db: {  	v4 =	vcombine.low v8, v7;
	v2 =	vld.idx.msk [tilespmem:v2+s13+$0x0], $0xffff;
	v3 =	vor.u32 v3, v6;
	_ =	sdelay $0x1  }
0x1dc: {  	[tilespmem:$0x1FB70] =	vst v4;
	v4 =	vadd.s32 v4, v0  }
0x1dd: {  	v1 =	vand.u32 $0xFFFFFF80, v4  }
0x1de: {  	v4 =	vand.u32 $0x7F, v4;
	v1 =	vadd.s32 v5, v1  }
0x1df: {  	v1 =	vor.u32 v4, v1;
	[tilespmem:v3+s17+$0x0] =	vst.idx.msk $0xffff, v2;
	v3 =	vld [tilespmem:$0x1FDF0];
	_ =	sdelay $0x4  }
0x1e0: {  	v4 =	vcombine.low v63, v10;
	v1 =	vld.idx.msk [tilespmem:v1+s13+$0x0], $0xffff;
	v3 =	vor.u32 v3, v6;
	_ =	sdelay $0x1  }
0x1e1: {  	[tilespmem:$0x1FB80] =	vst v4;
	v4 =	vadd.s32 v4, v0  }
0x1e2: {  	v2 =	vand.u32 $0xFFFFFF80, v4  }
0x1e3: {  	v4 =	vand.u32 $0x7F, v4;
	v2 =	vadd.s32 v5, v2  }
0x1e4: {  	v2 =	vor.u32 v4, v2;
	[tilespmem:v3+s17+$0x0] =	vst.idx.msk $0xffff, v1;
	v3 =	vld [tilespmem:$0x1FE00];
	_ =	sdelay $0x4  }
0x1e5: {  	v4 =	vcombine.low v12, v45;
	v2 =	vld.idx.msk [tilespmem:v2+s13+$0x0], $0xffff;
	v3 =	vor.u32 v3, v6;
	_ =	sdelay $0x1  }
0x1e6: {  	[tilespmem:$0x1FB90] =	vst v4;
	v4 =	vadd.s32 v4, v0  }
0x1e7: {  	v1 =	vand.u32 $0xFFFFFF80, v4  }
0x1e8: {  	v4 =	vand.u32 $0x7F, v4;
	v1 =	vadd.s32 v5, v1  }
0x1e9: {  	v1 =	vor.u32 v4, v1;
	[tilespmem:v3+s17+$0x0] =	vst.idx.msk $0xffff, v2;
	v3 =	vld [tilespmem:$0x1FE10];
	_ =	sdelay $0x4  }
0x1ea: {  	v4 =	vcombine.low v46, v14;
	v1 =	vld.idx.msk [tilespmem:v1+s13+$0x0], $0xffff;
	v3 =	vor.u32 v3, v6;
	_ =	sdelay $0x1  }
0x1eb: {  	[tilespmem:$0x1FBA0] =	vst v4;
	v4 =	vadd.s32 v4, v0  }
0x1ec: {  	v2 =	vand.u32 $0xFFFFFF80, v4  }
0x1ed: {  	v4 =	vand.u32 $0x7F, v4;
	v2 =	vadd.s32 v5, v2  }
0x1ee: {  	v2 =	vor.u32 v4, v2;
	[tilespmem:v3+s17+$0x0] =	vst.idx.msk $0xffff, v1;
	v3 =	vld [tilespmem:$0x1FE20];
	_ =	sdelay $0x4  }
0x1ef: {  	v4 =	vcombine.low v56, v55;
	v2 =	vld.idx.msk [tilespmem:v2+s13+$0x0], $0xffff;
	v3 =	vor.u32 v3, v6;
	_ =	sdelay $0x1  }
0x1f0: {  	[tilespmem:$0x1FBB0] =	vst v4;
	v4 =	vadd.s32 v4, v0  }
0x1f1: {  	v1 =	vand.u32 $0xFFFFFF80, v4  }
0x1f2: {  	v4 =	vand.u32 $0x7F, v4;
	v1 =	vadd.s32 v5, v1  }
0x1f3: {  	v1 =	vor.u32 v4, v1;
	[tilespmem:v3+s17+$0x0] =	vst.idx.msk $0xffff, v2;
	v3 =	vld [tilespmem:$0x1FE30]  }
0x1f4: {  	v4 =	vcombine.low v58, v59;
	_ =	sdelay $0x1  }
0x1f5: {  	[tilespmem:$0x1FBC0] =	vst v4;
	v4 =	vadd.s32 v4, v0  }
0x1f6: {  	v2 =	vand.u32 $0xFFFFFF80, v4  }
0x1f7: {  	v4 =	vand.u32 $0x7F, v4;
	v2 =	vadd.s32 v5, v2;
	v1 =	vld.idx.msk [tilespmem:v1+s13+$0x0], $0xffff;
	v3 =	vor.u32 v3, v6  }
0x1f8: {  	v2 =	vor.u32 v4, v2  }
0x1f9: {  	v63 =	vcombine.low v62, v20;
	_ =	sdelay $0x1  }
0x1fa: {  	v0 =	vadd.s32 v63, v0  }
0x1fb: {  	v4 =	vand.u32 $0xFFFFFF80, v0;
	[tilespmem:v3+s17+$0x0] =	vst.idx.msk $0xffff, v1  }
0x1fc: {  	v0 =	vand.u32 $0x7F, v0;
	v3 =	vadd.s32 v5, v4;
	v1 =	vld.idx.msk [tilespmem:v2+s13+$0x0], $0xffff  }
0x1fd: {  	v2 =	vor.u32 v0, v3;
	v0 =	vld [tilespmem:$0x1FE40];
	_ =	sdelay $0x4  }
0x1fe: {  	v3 =	vor.u32 v0, v6;
	v0 =	vld [tilespmem:$0x1FE50];
	_ =	sdelay $0x4  }
0x1ff: {  	s28 =	simm.s32 $0x10;
	s26 =	sshll.u32 s24, $0x1;
	[tilespmem:$0x1FBD0] =	vst v63;
	v0 =	vor.u32 v0, v6  }
.LBB2_3:
0x200: {  	_ =	sdelay $0x3  }
0x201: {  	[tilespmem:v3+s17+$0x0] =	vst.idx.msk $0xffff, v1  }
0x202: {  	v1 =	vld.idx.msk [tilespmem:v2+s13+$0x0], $0xffff;
	_ =	sdelay $0x4  }
0x203: {  	s25 =	sadd.s32 $0x10, s25;
	[tilespmem:v0+s17+$0x0] =	vst.idx.msk $0xffff, v1  }
0x204: {  	v4 =	vmov s28;
	v5 =	vld [tilespmem:s25+$0x0]  }
0x205: {  	v4 =	vshll.u32 v4, $0x3  }
0x206: {  	s29 =	smov.u32 s28;
	v2 =	vand.u32 $0x400, v4;
	v4 =	vlaneseq.u32  }
0x207: {  	v3 =	vor.u32 s29, v4  }
0x208: {  	v0 =	vand.u32 $0x7F, v3  }
0x209: {  	v0 =	vor.u32 v2, v0;
	v2 =	vadd.s32 v4, v5;
	v4 =	vld [tilespmem:$0x1FA90];
	_ =	sdelay $0x4  }
0x20a: {  	v6 =	vshll.u32 v3, $0x7;
	v63 =	vadd.s32 v4, v5;
	v4 =	vand.u32 $0xFFFFFF80, v2  }
0x20b: {  	v2 =	vand.u32 $0x7F, v2;
	v4 =	vadd.s32 v6, v4  }
0x20c: {  	v2 =	vor.u32 v2, v4;
	_ =	sdelay $0x4  }
0x20d: {  	v1 =	vor.u32 v22, v0;
	v10 =	vadd.s32 v30, v5;
	v2 =	vld.idx.msk [tilespmem:v2+s13+$0x0], $0xffff  }
0x20e: {  	v9 =	vadd.s32 v24, v5;
	v4 =	vand.u32 $0xFFFFFF80, v10  }
0x20f: {  	v13 =	vand.u32 $0xFFFFFF80, v9;
	v20 =	vadd.s32 v6, v4;
	v4 =	vand.u32 $0x7F, v9;
	v9 =	vld [tilespmem:$0x1FAA0];
	_ =	sdelay $0x1  }
0x210: {  	v3 =	vadd.s32 v23, v5  }
0x211: {  	v7 =	vand.u32 $0xFFFFFF80, v3;
	[tilespmem:v1+s17+$0x0] =	vst.idx.msk $0xffff, v2;
	v2 =	vld [tilespmem:$0x1FAC0]  }
0x212: {  	v39 =	vadd.s32 v33, v5;
	v3 =	vand.u32 $0x7F, v3;
	v7 =	vadd.s32 v6, v7  }
0x213: {  	v7 =	vor.u32 v3, v7;
	v3 =	vand.u32 $0xFFFFFF80, v39;
	v17 =	vadd.s32 v9, v5  }
0x214: {  	v53 =	vld [tilespmem:$0x1FB10];
	v11 =	vadd.s32 v28, v5;
	v40 =	vadd.s32 v6, v3;
	v3 =	vand.u32 $0xFFFFFF80, v17  }
0x215: {  	v12 =	vand.u32 $0xFFFFFF80, v11;
	v23 =	vadd.s32 v6, v3;
	v3 =	vld [tilespmem:$0x1FAB0]  }
0x216: {  	v18 =	vadd.s32 v6, v12;
	v12 =	vadd.s32 v2, v5;
	v2 =	vld [tilespmem:$0x1FAD0];
	_ =	sdelay $0x2  }
0x217: {  	v15 =	vor.u32 v25, v0  }
0x218: {  	v25 =	vor.u32 v26, v0;
	v8 =	vadd.s32 v27, v5;
	v59 =	vadd.s32 v53, v5  }
0x219: {  	v7 =	vld.idx.msk [tilespmem:v7+s13+$0x0], $0xffff;
	v16 =	vadd.s32 v3, v5;
	v3 =	vadd.s32 v2, v5;
	v2 =	vadd.s32 v6, v13  }
0x21a: {  	v14 =	vand.u32 $0xFFFFFF80, v8;
	v1 =	vand.u32 $0xFFFFFF80, v16;
	v26 =	vor.u32 v4, v2;
	v2 =	vld [tilespmem:$0x1FAF0]  }
0x21b: {  	v19 =	vand.u32 $0x7F, v8;
	v22 =	vadd.s32 v6, v1;
	v1 =	vand.u32 $0xFFFFFF80, v12  }
0x21c: {  	v14 =	vadd.s32 v6, v14;
	v13 =	vadd.s32 v6, v1;
	v1 =	vand.u32 $0xFFFFFF80, v3  }
0x21d: {  	v55 =	vor.u32 v19, v14;
	v14 =	vand.u32 $0xFFFFFF80, v59;
	v9 =	vadd.s32 v6, v1;
	v1 =	vld [tilespmem:$0x1FAE0]  }
0x21e: {  	v61 =	vadd.s32 v6, v14;
	v14 =	vld [tilespmem:$0x1FB30]  }
0x21f: {  	[tilespmem:v15+s17+$0x0] =	vst.idx.msk $0xffff, v7;
	v62 =	vadd.s32 v2, v5;
	v2 =	vld [tilespmem:$0x1FB00]  }
0x220: {  	v21 =	vadd.s32 v32, v5;
	v15 =	vld.idx.msk [tilespmem:v26+s13+$0x0], $0xffff  }
0x221: {  	v8 =	vand.u32 $0xFFFFFF80, v21  }
0x222: {  	v41 =	vadd.s32 v6, v8;
	v8 =	vand.u32 $0xFFFFFF80, v63;
	v4 =	vadd.s32 v1, v5  }
0x223: {  	v19 =	vld [tilespmem:$0x1FB40];
	v24 =	vadd.s32 v6, v8;
	v1 =	vand.u32 $0xFFFFFF80, v4  }
0x224: {  	v48 =	vadd.s32 v14, v5;
	v14 =	vld [tilespmem:$0x1FB50];
	v8 =	vadd.s32 v6, v1;
	v1 =	vand.u32 $0xFFFFFF80, v62  }
0x225: {  	v60 =	vadd.s32 v2, v5;
	v2 =	vadd.s32 v6, v1;
	v1 =	vld [tilespmem:$0x1FB20];
	[tilespmem:v25+s17+$0x0] =	vst.idx.msk $0xffff, v15  }
0x226: {  	v15 =	vld.idx.msk [tilespmem:v55+s13+$0x0], $0xffff  }
0x227: {  	v55 =	vld [tilespmem:$0x1FB70]  }
0x228: {  	v45 =	vor.u32 v29, v0;
	_ =	sdelay $0x1  }
0x229: {  	v57 =	vmov v34;
	v52 =	vld [tilespmem:$0x1FB80];
	v34 =	vadd.s32 v34, v5;
	v30 =	vadd.s32 v36, v5  }
0x22a: {  	v32 =	vand.u32 $0x7F, v11;
	v37 =	vadd.s32 v19, v5;
	v33 =	vadd.s32 v14, v5  }
0x22b: {  	v14 =	vand.u32 $0xFFFFFF80, v48;
	v38 =	vadd.s32 v1, v5;
	v27 =	vadd.s32 v55, v5;
	v55 =	vld [tilespmem:$0x1FBB0]  }
0x22c: {  	v58 =	vadd.s32 v6, v14;
	v14 =	vand.u32 $0xFFFFFF80, v37;
	v54 =	vand.u32 $0xFFFFFF80, v38;
	[tilespmem:v45+s17+$0x0] =	vst.idx.msk $0xffff, v15;
	v15 =	vld [tilespmem:$0x1FBA0]  }
0x22d: {  	v43 =	vadd.s32 v6, v14;
	v14 =	vand.u32 $0xFFFFFF80, v34;
	v53 =	vadd.s32 v6, v54;
	v54 =	vld [tilespmem:$0x1FB60]  }
0x22e: {  	v51 =	vmovc v36;
	v36 =	vadd.s32 v6, v14;
	v14 =	vor.u32 v32, v18;
	v18 =	vadd.s32 v52, v5;
	v52 =	vld [tilespmem:$0x1FB90]  }
0x22f: {  	v42 =	vadd.s32 v31, v5  }
0x230: {  	v11 =	vand.u32 $0xFFFFFF80, v30;
	v10 =	vand.u32 $0x7F, v10;
	v19 =	vand.u32 $0xFFFFFF80, v33  }
0x231: {  	v35 =	vadd.s32 v6, v19;
	v32 =	vadd.s32 v6, v11;
	v19 =	vand.u32 $0xFFFFFF80, v27  }
0x232: {  	v7 =	vadd.s32 v55, v5;
	v15 =	vadd.s32 v15, v5;
	v29 =	vadd.s32 v54, v5  }
0x233: {  	v54 =	vmovc v28;
	v28 =	vadd.s32 v6, v19;
	v19 =	vadd.s32 v52, v5;
	v11 =	vand.u32 $0xFFFFFF80, v29  }
0x234: {  	v55 =	vmovc v50;
	v50 =	vor.u32 v10, v20;
	v10 =	vld [tilespmem:$0x1FBC0];
	v31 =	vadd.s32 v6, v11;
	v11 =	vand.u32 $0xFFFFFF80, v19  }
0x235: {  	v46 =	vor.u32 v49, v0;
	v52 =	vmovc v49;
	v49 =	vld.idx.msk [tilespmem:v14+s13+$0x0], $0xffff;
	v26 =	vadd.s32 v6, v11;
	v11 =	vand.u32 $0xFFFFFF80, v15  }
0x236: {  	v20 =	vadd.s32 v6, v11;
	v11 =	vld [tilespmem:$0x1FBD0]  }
0x237: {  	v44 =	vand.u32 $0xFFFFFF80, v42;
	v56 =	vand.u32 $0xFFFFFF80, v18  }
0x238: {  	v42 =	vand.u32 $0x7F, v42;
	v44 =	vadd.s32 v6, v44  }
0x239: {  	v42 =	vor.u32 v42, v44  }
0x23a: {  	v25 =	vadd.s32 v6, v56;
	v56 =	vmovc v47;
	v47 =	vor.u32 v47, v0;
	v1 =	vand.u32 $0xFFFFFF80, v60  }
0x23b: {  	v45 =	vand.u32 $0xFFFFFF80, v7;
	v10 =	vadd.s32 v10, v5;
	[tilespmem:v46+s17+$0x0] =	vst.idx.msk $0xffff, v49;
	v5 =	vadd.s32 v11, v5  }
0x23c: {  	v14 =	vadd.s32 v6, v45;
	v46 =	vld.idx.msk [tilespmem:v50+s13+$0x0], $0xffff;
	v11 =	vand.u32 $0xFFFFFF80, v10;
	v45 =	vand.u32 $0xFFFFFF80, v5  }
0x23d: {  	v1 =	vadd.s32 v6, v1;
	v11 =	vadd.s32 v6, v11;
	v6 =	vadd.s32 v6, v45;
	v45 =	vld [tilespmem:$0x1FEC0];
	_ =	sdelay $0x3  }
0x23e: {  	[tilespmem:v47+s17+$0x0] =	vst.idx.msk $0xffff, v46  }
0x23f: {  	v21 =	vand.u32 $0x7F, v21;
	v42 =	vld.idx.msk [tilespmem:v42+s13+$0x0], $0xffff;
	v45 =	vor.u32 v45, v0  }
0x240: {  	v21 =	vor.u32 v21, v41;
	_ =	sdelay $0x3  }
0x241: {  	[tilespmem:v45+s17+$0x0] =	vst.idx.msk $0xffff, v42  }
0x242: {  	v39 =	vand.u32 $0x7F, v39;
	v44 =	vor.u32 v55, v0;
	v21 =	vld.idx.msk [tilespmem:v21+s13+$0x0], $0xffff  }
0x243: {  	v39 =	vor.u32 v39, v40;
	v46 =	vld [tilespmem:$0x1FF00];
	_ =	sdelay $0x3  }
0x244: {  	[tilespmem:v44+s17+$0x0] =	vst.idx.msk $0xffff, v21  }
0x245: {  	v41 =	vor.u32 v46, v0;
	v45 =	vand.u32 $0x7F, v63;
	v21 =	vld.idx.msk [tilespmem:v39+s13+$0x0], $0xffff  }
0x246: {  	v42 =	vld [tilespmem:$0x1FF10];
	v24 =	vor.u32 v45, v24;
	_ =	sdelay $0x3  }
0x247: {  	[tilespmem:v41+s17+$0x0] =	vst.idx.msk $0xffff, v21  }
0x248: {  	v17 =	vand.u32 $0x7F, v17;
	v40 =	vor.u32 v42, v0;
	v21 =	vld.idx.msk [tilespmem:v24+s13+$0x0], $0xffff  }
0x249: {  	v17 =	vor.u32 v17, v23;
	v44 =	vld [tilespmem:$0x1FF20];
	_ =	sdelay $0x3  }
0x24a: {  	[tilespmem:v40+s17+$0x0] =	vst.idx.msk $0xffff, v21  }
0x24b: {  	v16 =	vand.u32 $0x7F, v16;
	v45 =	vor.u32 v44, v0;
	v17 =	vld.idx.msk [tilespmem:v17+s13+$0x0], $0xffff  }
0x24c: {  	v16 =	vor.u32 v16, v22;
	v41 =	vld [tilespmem:$0x1FF30];
	_ =	sdelay $0x3  }
0x24d: {  	[tilespmem:v45+s17+$0x0] =	vst.idx.msk $0xffff, v17  }
0x24e: {  	v12 =	vand.u32 $0x7F, v12;
	v23 =	vor.u32 v41, v0;
	v16 =	vld.idx.msk [tilespmem:v16+s13+$0x0], $0xffff  }
0x24f: {  	v12 =	vor.u32 v12, v13;
	v40 =	vld [tilespmem:$0x1FF40];
	_ =	sdelay $0x3  }
0x250: {  	[tilespmem:v23+s17+$0x0] =	vst.idx.msk $0xffff, v16  }
0x251: {  	v3 =	vand.u32 $0x7F, v3;
	v21 =	vor.u32 v40, v0;
	v12 =	vld.idx.msk [tilespmem:v12+s13+$0x0], $0xffff  }
0x252: {  	v3 =	vor.u32 v3, v9;
	v39 =	vld [tilespmem:$0x1FF50];
	_ =	sdelay $0x3  }
0x253: {  	[tilespmem:v21+s17+$0x0] =	vst.idx.msk $0xffff, v12  }
0x254: {  	v4 =	vand.u32 $0x7F, v4;
	v13 =	vor.u32 v39, v0;
	v3 =	vld.idx.msk [tilespmem:v3+s13+$0x0], $0xffff  }
0x255: {  	v9 =	vld [tilespmem:$0x1FF60];
	v4 =	vor.u32 v4, v8;
	_ =	sdelay $0x3  }
0x256: {  	[tilespmem:v13+s17+$0x0] =	vst.idx.msk $0xffff, v3  }
0x257: {  	v9 =	vor.u32 v9, v0;
	v3 =	vld.idx.msk [tilespmem:v4+s13+$0x0], $0xffff;
	v4 =	vand.u32 $0x7F, v62  }
0x258: {  	v63 =	vld [tilespmem:$0x1FF70];
	v2 =	vor.u32 v4, v2;
	_ =	sdelay $0x3  }
0x259: {  	[tilespmem:v9+s17+$0x0] =	vst.idx.msk $0xffff, v3  }
0x25a: {  	v8 =	vor.u32 v63, v0;
	v3 =	vand.u32 $0x7F, v60;
	v2 =	vld.idx.msk [tilespmem:v2+s13+$0x0], $0xffff  }
0x25b: {  	v62 =	vld [tilespmem:$0x1FF80];
	v1 =	vor.u32 v3, v1;
	_ =	sdelay $0x3  }
0x25c: {  	[tilespmem:v8+s17+$0x0] =	vst.idx.msk $0xffff, v2  }
0x25d: {  	v4 =	vor.u32 v62, v0;
	v2 =	vand.u32 $0x7F, v59;
	v1 =	vld.idx.msk [tilespmem:v1+s13+$0x0], $0xffff  }
0x25e: {  	v60 =	vld [tilespmem:$0x1FF90];
	v2 =	vor.u32 v2, v61;
	_ =	sdelay $0x3  }
0x25f: {  	[tilespmem:v4+s17+$0x0] =	vst.idx.msk $0xffff, v1  }
0x260: {  	v3 =	vor.u32 v60, v0;
	v1 =	vld.idx.msk [tilespmem:v2+s13+$0x0], $0xffff;
	v2 =	vand.u32 $0x7F, v38  }
0x261: {  	v59 =	vld [tilespmem:$0x1FFA0];
	v2 =	vor.u32 v2, v53;
	_ =	sdelay $0x3  }
0x262: {  	[tilespmem:v3+s17+$0x0] =	vst.idx.msk $0xffff, v1  }
0x263: {  	v8 =	vor.u32 v59, v0;
	v1 =	vld.idx.msk [tilespmem:v2+s13+$0x0], $0xffff;
	v2 =	vand.u32 $0x7F, v48  }
0x264: {  	v53 =	vld [tilespmem:$0x1FFB0];
	v2 =	vor.u32 v2, v58;
	_ =	sdelay $0x3  }
0x265: {  	[tilespmem:v8+s17+$0x0] =	vst.idx.msk $0xffff, v1  }
0x266: {  	v4 =	vor.u32 v53, v0;
	v1 =	vld.idx.msk [tilespmem:v2+s13+$0x0], $0xffff;
	v2 =	vand.u32 $0x7F, v37  }
0x267: {  	v58 =	vld [tilespmem:$0x1FFC0];
	v2 =	vor.u32 v2, v43;
	_ =	sdelay $0x3  }
0x268: {  	[tilespmem:v4+s17+$0x0] =	vst.idx.msk $0xffff, v1  }
0x269: {  	v3 =	vor.u32 v58, v0;
	v1 =	vld.idx.msk [tilespmem:v2+s13+$0x0], $0xffff;
	v2 =	vand.u32 $0x7F, v33  }
0x26a: {  	v61 =	vld [tilespmem:$0x1FFD0];
	v2 =	vor.u32 v2, v35;
	_ =	sdelay $0x3  }
0x26b: {  	[tilespmem:v3+s17+$0x0] =	vst.idx.msk $0xffff, v1  }
0x26c: {  	v8 =	vor.u32 v61, v0;
	v1 =	vld.idx.msk [tilespmem:v2+s13+$0x0], $0xffff;
	v2 =	vand.u32 $0x7F, v34  }
0x26d: {  	v9 =	vld [tilespmem:$0x1FDC0];
	v2 =	vor.u32 v2, v36;
	_ =	sdelay $0x3  }
0x26e: {  	[tilespmem:v8+s17+$0x0] =	vst.idx.msk $0xffff, v1  }
0x26f: {  	v3 =	vand.u32 $0x7F, v30;
	v1 =	vld.idx.msk [tilespmem:v2+s13+$0x0], $0xffff;
	v2 =	vor.u32 v9, v0  }
0x270: {  	v12 =	vld [tilespmem:$0x1FDD0];
	v3 =	vor.u32 v3, v32;
	_ =	sdelay $0x3  }
0x271: {  	[tilespmem:v2+s17+$0x0] =	vst.idx.msk $0xffff, v1  }
0x272: {  	v2 =	vor.u32 v12, v0;
	v1 =	vld.idx.msk [tilespmem:v3+s13+$0x0], $0xffff;
	v3 =	vand.u32 $0x7F, v29  }
0x273: {  	v16 =	vld [tilespmem:$0x1FDE0];
	v3 =	vor.u32 v3, v31;
	_ =	sdelay $0x3  }
0x274: {  	[tilespmem:v2+s17+$0x0] =	vst.idx.msk $0xffff, v1  }
0x275: {  	v2 =	vor.u32 v16, v0;
	v1 =	vld.idx.msk [tilespmem:v3+s13+$0x0], $0xffff;
	v3 =	vand.u32 $0x7F, v27  }
0x276: {  	v17 =	vld [tilespmem:$0x1FDF0];
	v3 =	vor.u32 v3, v28;
	_ =	sdelay $0x3  }
0x277: {  	[tilespmem:v2+s17+$0x0] =	vst.idx.msk $0xffff, v1  }
0x278: {  	v2 =	vor.u32 v17, v0;
	v1 =	vld.idx.msk [tilespmem:v3+s13+$0x0], $0xffff;
	v3 =	vand.u32 $0x7F, v18  }
0x279: {  	v21 =	vld [tilespmem:$0x1FE00];
	v3 =	vor.u32 v3, v25;
	_ =	sdelay $0x3  }
0x27a: {  	[tilespmem:v2+s17+$0x0] =	vst.idx.msk $0xffff, v1  }
0x27b: {  	v2 =	vor.u32 v21, v0;
	v1 =	vld.idx.msk [tilespmem:v3+s13+$0x0], $0xffff;
	v3 =	vand.u32 $0x7F, v19  }
0x27c: {  	v13 =	vld [tilespmem:$0x1FE10];
	v3 =	vor.u32 v3, v26;
	_ =	sdelay $0x3  }
0x27d: {  	[tilespmem:v2+s17+$0x0] =	vst.idx.msk $0xffff, v1  }
0x27e: {  	v2 =	vor.u32 v13, v0;
	v1 =	vld.idx.msk [tilespmem:v3+s13+$0x0], $0xffff;
	v3 =	vand.u32 $0x7F, v15  }
0x27f: {  	v15 =	vld [tilespmem:$0x1FE20];
	v3 =	vor.u32 v3, v20;
	_ =	sdelay $0x1  }
0x280: {  	v22 =	vld [tilespmem:$0x1FE90]  }
0x281: {  	v24 =	vld [tilespmem:$0x1FE60]  }
0x282: {  	v23 =	vld [tilespmem:$0x1FE80];
	[tilespmem:v2+s17+$0x0] =	vst.idx.msk $0xffff, v1  }
0x283: {  	v2 =	vor.u32 v15, v0;
	v1 =	vld.idx.msk [tilespmem:v3+s13+$0x0], $0xffff;
	v3 =	vand.u32 $0x7F, v7  }
0x284: {  	v33 =	vld [tilespmem:$0x1FEF0];
	v3 =	vor.u32 v3, v14  }
0x285: {  	v14 =	vld [tilespmem:$0x1FE30]  }
0x286: {  	v30 =	vld [tilespmem:$0x1FEB0]  }
0x287: {  	v32 =	vld [tilespmem:$0x1FED0]  }
0x288: {  	v29 =	vld [tilespmem:$0x1FEE0];
	[tilespmem:v2+s17+$0x0] =	vst.idx.msk $0xffff, v1  }
0x289: {  	v1 =	vld.idx.msk [tilespmem:v3+s13+$0x0], $0xffff  }
0x28a: {  	v2 =	vor.u32 v14, v0;
	v3 =	vand.u32 $0x7F, v10;
	v10 =	vld [tilespmem:$0x1FE40]  }
0x28b: {  	p1 =	sne.s32 s28, $0xF0;
	v3 =	vor.u32 v3, v11;
	v11 =	vld [tilespmem:$0x1FE50]  }
.Ltmp0:
0x28c: {  	v31 =	vld [tilespmem:$0x1FFF0];
	(pc) =	sbr.rel @p1 .LBB2_3-.Ltmp0, $4  }
0x28d: {  	v27 =	vld [tilespmem:$0x1FFE0]  }
0x28e: {  	v49 =	vmov v52;
	v50 =	vmov v55;
	v25 =	vld [tilespmem:$0x1FE70]  }
0x28f: {  	v47 =	vmovc v56;
	v34 =	vmovc v57;
	v36 =	vmov v51;
	v28 =	vmov v54;
	v26 =	vld [tilespmem:$0x1FEA0];
	[tilespmem:v2+s17+$0x0] =	vst.idx.msk $0xffff, v1;
	v2 =	vand.u32 $0x7F, v5  }
0x290: {  	s28 =	sadd.s32 $0x10, s28;
	v1 =	vld.idx.msk [tilespmem:v3+s13+$0x0], $0xffff;
	v3 =	vor.u32 v10, v0;
	v2 =	vor.u32 v2, v6;
	v0 =	vor.u32 v11, v0  }
0x291: {  	_ =	sdelay $0x3  }
0x292: {  	[tilespmem:v3+s17+$0x0] =	vst.idx.msk $0xffff, v1  }
0x293: {  	v1 =	vld.idx.msk [tilespmem:v2+s13+$0x0], $0xffff  }
0x294: {  	p1 =	sne.s32 s24, $0x31  }
.Ltmp1:
0x295: {  	_ = 	snop;
	(pc) =	sbr.rel @p1 .LBB2_6-.Ltmp1, $4  }
0x296: {  	_ = 	snop  }
0x297: {  	s25 =	sshll.u32 s24, $0x10  }
0x298: {  	s28 =	sadd.s32 s25, s5;
	[tilespmem:v0+s17+$0x0] =	vst.idx.msk $0xffff, v1  }
0x299: {  	v45 =	vld [tilespmem:$0x1FB20];
	[hbm4b:s28+s18] =	stream.strided.scatter [tilespmem:s17], [sflag:$0x3], $0x2000, s9, s18, $0x38  }
0x29a: {  	_ =	swait.ge [sflag:s19], $0x8000  }
0x29b: {  	v7 =	vld [tilespmem:$0x1FEC0]  }
0x29c: {  	v8 =	vld [tilespmem:$0x1FF60]  }
0x29d: {  	v19 =	vld [tilespmem:$0x1FA90]  }
0x29e: {  	v20 =	vld [tilespmem:$0x1FAA0]  }
0x29f: {  	v34 =	vld [tilespmem:$0x1FAB0]  }
0x2a0: {  	v35 =	vld [tilespmem:$0x1FAC0]  }
.Ltmp2:
0x2a1: {  	v36 =	vld [tilespmem:$0x1FAD0];
	(pc) =	sbr.rel .LBB2_7-.Ltmp2, $4  }
0x2a2: {  	v37 =	vld [tilespmem:$0x1FAE0]  }
0x2a3: {  	v38 =	vld [tilespmem:$0x1FAF0]  }
0x2a4: {  	[sflag:s19] =	ssyncset.done $0x0;
	v43 =	vld [tilespmem:$0x1FB00]  }
0x2a5: {  	v18 =	vlaneseq.u32;
	v48 =	vld [tilespmem:$0x1FB10];
	[sflag:s19] =	ssyncadd.s32 $0xFFFF8000  }
.LBB2_6:
0x2a6: {  	s26 =	sadd.s32 $0x2, s26  }
0x2a7: {  	s28 =	sshll.u32 s26, $0x8;
	s26 =	sshll.u32 s26, $0x6  }
0x2a8: {  	s28 =	sand.u32 $0xF000, s28;
	s26 =	sand.u32 $0x380, s26  }
0x2a9: {  	s26 =	sor.u32 s26, s28  }
0x2aa: {  	v0 =	vld [tilespmem:s26+$0x0];
	_ =	sdelay $0x4  }
0x2ab: {  	v1 =	vshrl.u32 v0, $0x2;
	v0 =	vshll.u32 v0, $0x5  }
0x2ac: {  	[tilespmem:$0x7000] =	vst v1;
	v0 =	vand.u32 $0x60, v0  }
0x2ad: {  	[tilespmem:$0x7200] =	vst v0  }
0x2ae: {  	v0 =	vld [tilespmem:s26+$0x10];
	_ =	sdelay $0x4  }
0x2af: {  	v48 =	vshrl.u32 v0, $0x2;
	v0 =	vshll.u32 v0, $0x5  }
0x2b0: {  	[tilespmem:$0x7010] =	vst v48;
	v0 =	vand.u32 $0x60, v0  }
0x2b1: {  	[tilespmem:$0x7210] =	vst v0  }
0x2b2: {  	v0 =	vld [tilespmem:s26+$0x20];
	_ =	sdelay $0x4  }
0x2b3: {  	v34 =	vshrl.u32 v0, $0x2;
	v0 =	vshll.u32 v0, $0x5  }
0x2b4: {  	[tilespmem:$0x7020] =	vst v34;
	v0 =	vand.u32 $0x60, v0  }
0x2b5: {  	[tilespmem:$0x7220] =	vst v0  }
0x2b6: {  	v0 =	vld [tilespmem:s26+$0x30];
	_ =	sdelay $0x4  }
0x2b7: {  	v35 =	vshrl.u32 v0, $0x2;
	v0 =	vshll.u32 v0, $0x5  }
0x2b8: {  	[tilespmem:$0x7030] =	vst v35;
	v0 =	vand.u32 $0x60, v0  }
0x2b9: {  	[tilespmem:$0x7230] =	vst v0  }
0x2ba: {  	v0 =	vld [tilespmem:s26+$0x40];
	_ =	sdelay $0x4  }
0x2bb: {  	v36 =	vshrl.u32 v0, $0x2;
	v0 =	vshll.u32 v0, $0x5  }
0x2bc: {  	[tilespmem:$0x7040] =	vst v36;
	v0 =	vand.u32 $0x60, v0  }
0x2bd: {  	[tilespmem:$0x7240] =	vst v0  }
0x2be: {  	v0 =	vld [tilespmem:s26+$0x50];
	_ =	sdelay $0x4  }
0x2bf: {  	v37 =	vshrl.u32 v0, $0x2;
	v0 =	vshll.u32 v0, $0x5  }
0x2c0: {  	[tilespmem:$0x7050] =	vst v37;
	v0 =	vand.u32 $0x60, v0  }
0x2c1: {  	[tilespmem:$0x7250] =	vst v0  }
0x2c2: {  	v0 =	vld [tilespmem:s26+$0x60];
	_ =	sdelay $0x4  }
0x2c3: {  	v38 =	vshrl.u32 v0, $0x2;
	v0 =	vshll.u32 v0, $0x5  }
0x2c4: {  	[tilespmem:$0x7060] =	vst v38;
	v0 =	vand.u32 $0x60, v0  }
0x2c5: {  	[tilespmem:$0x7260] =	vst v0  }
0x2c6: {  	v0 =	vld [tilespmem:s26+$0x70];
	_ =	sdelay $0x4  }
0x2c7: {  	v43 =	vshrl.u32 v0, $0x2;
	v0 =	vshll.u32 v0, $0x5  }
0x2c8: {  	[tilespmem:$0x7070] =	vst v43;
	v0 =	vand.u32 $0x60, v0  }
0x2c9: {  	[tilespmem:$0x7270] =	vst v0  }
0x2ca: {  	v0 =	vld [tilespmem:s26+$0x400];
	_ =	sdelay $0x4  }
0x2cb: {  	v48 =	vshrl.u32 v0, $0x2;
	v0 =	vshll.u32 v0, $0x5  }
0x2cc: {  	[tilespmem:$0x7080] =	vst v48;
	v0 =	vand.u32 $0x60, v0  }
0x2cd: {  	[tilespmem:$0x7280] =	vst v0  }
0x2ce: {  	v0 =	vld [tilespmem:s26+$0x410];
	_ =	sdelay $0x4  }
0x2cf: {  	v34 =	vshrl.u32 v0, $0x2;
	v0 =	vshll.u32 v0, $0x5  }
0x2d0: {  	[tilespmem:$0x7090] =	vst v34;
	v0 =	vand.u32 $0x60, v0  }
0x2d1: {  	[tilespmem:$0x7290] =	vst v0  }
0x2d2: {  	v0 =	vld [tilespmem:s26+$0x420];
	_ =	sdelay $0x4  }
0x2d3: {  	v35 =	vshrl.u32 v0, $0x2;
	v0 =	vshll.u32 v0, $0x5  }
0x2d4: {  	[tilespmem:$0x70A0] =	vst v35;
	v0 =	vand.u32 $0x60, v0  }
0x2d5: {  	[tilespmem:$0x72A0] =	vst v0  }
0x2d6: {  	v0 =	vld [tilespmem:s26+$0x430];
	_ =	sdelay $0x4  }
0x2d7: {  	v36 =	vshrl.u32 v0, $0x2;
	v0 =	vshll.u32 v0, $0x5  }
0x2d8: {  	[tilespmem:$0x70B0] =	vst v36;
	v0 =	vand.u32 $0x60, v0  }
0x2d9: {  	[tilespmem:$0x72B0] =	vst v0  }
0x2da: {  	v0 =	vld [tilespmem:s26+$0x440];
	_ =	sdelay $0x4  }
0x2db: {  	v37 =	vshrl.u32 v0, $0x2;
	v0 =	vshll.u32 v0, $0x5  }
0x2dc: {  	[tilespmem:$0x70C0] =	vst v37;
	v0 =	vand.u32 $0x60, v0  }
0x2dd: {  	[tilespmem:$0x72C0] =	vst v0  }
0x2de: {  	v0 =	vld [tilespmem:s26+$0x450];
	_ =	sdelay $0x4  }
0x2df: {  	v38 =	vshrl.u32 v0, $0x2;
	v0 =	vshll.u32 v0, $0x5  }
0x2e0: {  	[tilespmem:$0x70D0] =	vst v38;
	v0 =	vand.u32 $0x60, v0  }
0x2e1: {  	[tilespmem:$0x72D0] =	vst v0  }
0x2e2: {  	v0 =	vld [tilespmem:s26+$0x460];
	_ =	sdelay $0x4  }
0x2e3: {  	v43 =	vshrl.u32 v0, $0x2;
	v0 =	vshll.u32 v0, $0x5  }
0x2e4: {  	[tilespmem:$0x70E0] =	vst v43;
	v0 =	vand.u32 $0x60, v0  }
0x2e5: {  	[tilespmem:$0x72E0] =	vst v0  }
0x2e6: {  	v0 =	vld [tilespmem:s26+$0x470];
	_ =	sdelay $0x4  }
0x2e7: {  	v48 =	vshrl.u32 v0, $0x2;
	v0 =	vshll.u32 v0, $0x5  }
0x2e8: {  	[tilespmem:$0x70F0] =	vst v48;
	v0 =	vand.u32 $0x60, v0  }
0x2e9: {  	[tilespmem:$0x72F0] =	vst v0  }
0x2ea: {  	[tilespmem:s13], [sflag:$0x1] =	stream.indirect.gather [hbm4b:s3+s11], $0x80, s12, s11, $0xb8;
	[tilespmem:$0x1B400] =	vst v63  }
0x2eb: {  	_ =	swait.ge [sflag:s19], $0x8000  }
0x2ec: {  	v7 =	vld [tilespmem:$0x1FEC0]  }
0x2ed: {  	v8 =	vld [tilespmem:$0x1FF60]  }
0x2ee: {  	v19 =	vld [tilespmem:$0x1FA90]  }
0x2ef: {  	v20 =	vld [tilespmem:$0x1FAA0]  }
0x2f0: {  	v34 =	vld [tilespmem:$0x1FAB0]  }
0x2f1: {  	v35 =	vld [tilespmem:$0x1FAC0]  }
.Ltmp3:
0x2f2: {  	v36 =	vld [tilespmem:$0x1FAD0];
	(pc) =	sbr.rel @p0 .LBB2_8-.Ltmp3, $4  }
0x2f3: {  	v37 =	vld [tilespmem:$0x1FAE0]  }
0x2f4: {  	v38 =	vld [tilespmem:$0x1FAF0]  }
0x2f5: {  	[sflag:s19] =	ssyncset.done $0x0;
	v43 =	vld [tilespmem:$0x1FB00]  }
0x2f6: {  	v18 =	vlaneseq.u32;
	v48 =	vld [tilespmem:$0x1FB10];
	[sflag:s19] =	ssyncadd.s32 $0xFFFF8000  }
.LBB2_7:
0x2f7: {  	_ =	swait.ge [sflag:s20], $0x2000  }
0x2f8: {  	[sflag:s20] =	ssyncset.done $0x0  }
0x2f9: {  	[sflag:s20] =	ssyncadd.s32 $0xFFFFE000  }
.LBB2_8:
0x2fa: {  	s26 =	simm.s32 $0x7300  }
0x2fb: {  	v0 =	vld [tilespmem:s26+$0x0];
	_ =	sdelay $0x3  }
0x2fc: {  	s28 =	simm.s32 $0x0  }
0x2fd: {  	v1 =	vor.u32 s28, v18;
	v2 =	vadd.s32 v18, v0  }
0x2fe: {  	v5 =	vshll.u32 v1, $0x7;
	v3 =	vand.u32 $0xFFFFFF80, v2  }
0x2ff: {  	v2 =	vand.u32 $0x7F, v2;
	v3 =	vadd.s32 v5, v3  }
0x300: {  	v2 =	vor.u32 v2, v3  }
0x301: {  	v3 =	vmov s28  }
0x302: {  	v3 =	vshll.u32 v3, $0x3  }
0x303: {  	v1 =	vand.u32 $0x7F, v1;
	v4 =	vadd.s32 v23, v0;
	v3 =	vand.u32 $0x400, v3  }
0x304: {  	v6 =	vor.u32 v3, v1;
	v1 =	vand.u32 $0xFFFFFF80, v4  }
0x305: {  	v4 =	vand.u32 $0x7F, v4;
	v1 =	vadd.s32 v5, v1;
	v3 =	vor.u32 v22, v6;
	v2 =	vld.idx.msk [tilespmem:v2+s15+$0x0], $0xffff  }
0x306: {  	v1 =	vor.u32 v4, v1;
	_ =	sdelay $0x2  }
0x307: {  	v4 =	vadd.s32 v24, v0  }
0x308: {  	[tilespmem:v3+s21+$0x0] =	vst.idx.msk $0xffff, v2;
	v2 =	vand.u32 $0xFFFFFF80, v4  }
0x309: {  	v3 =	vor.u32 v25, v6;
	v4 =	vand.u32 $0x7F, v4;
	v2 =	vadd.s32 v5, v2;
	v1 =	vld.idx.msk [tilespmem:v1+s15+$0x0], $0xffff  }
0x30a: {  	v2 =	vor.u32 v4, v2;
	_ =	sdelay $0x2  }
0x30b: {  	v4 =	vadd.s32 v27, v0  }
0x30c: {  	[tilespmem:v3+s21+$0x0] =	vst.idx.msk $0xffff, v1;
	v1 =	vand.u32 $0xFFFFFF80, v4  }
0x30d: {  	v3 =	vor.u32 v26, v6;
	v4 =	vand.u32 $0x7F, v4;
	v1 =	vadd.s32 v5, v1;
	v2 =	vld.idx.msk [tilespmem:v2+s15+$0x0], $0xffff  }
0x30e: {  	v1 =	vor.u32 v4, v1;
	_ =	sdelay $0x2  }
0x30f: {  	v4 =	vadd.s32 v28, v0  }
0x310: {  	[tilespmem:v3+s21+$0x0] =	vst.idx.msk $0xffff, v2;
	v2 =	vand.u32 $0xFFFFFF80, v4  }
0x311: {  	v3 =	vor.u32 v29, v6;
	v4 =	vand.u32 $0x7F, v4;
	v2 =	vadd.s32 v5, v2;
	v1 =	vld.idx.msk [tilespmem:v1+s15+$0x0], $0xffff  }
0x312: {  	v2 =	vor.u32 v4, v2;
	_ =	sdelay $0x2  }
0x313: {  	v4 =	vadd.s32 v30, v0  }
0x314: {  	[tilespmem:v3+s21+$0x0] =	vst.idx.msk $0xffff, v1;
	v1 =	vand.u32 $0xFFFFFF80, v4  }
0x315: {  	v3 =	vor.u32 v49, v6;
	v4 =	vand.u32 $0x7F, v4;
	v1 =	vadd.s32 v5, v1;
	v2 =	vld.idx.msk [tilespmem:v2+s15+$0x0], $0xffff  }
0x316: {  	v1 =	vor.u32 v4, v1;
	_ =	sdelay $0x2  }
0x317: {  	v49 =	vadd.s32 v31, v0  }
0x318: {  	[tilespmem:v3+s21+$0x0] =	vst.idx.msk $0xffff, v2;
	v2 =	vand.u32 $0xFFFFFF80, v49  }
0x319: {  	v4 =	vand.u32 $0x7F, v49;
	v3 =	vor.u32 v47, v6;
	v2 =	vadd.s32 v5, v2;
	v1 =	vld.idx.msk [tilespmem:v1+s15+$0x0], $0xffff  }
0x31a: {  	v2 =	vor.u32 v4, v2;
	_ =	sdelay $0x2  }
0x31b: {  	v47 =	vadd.s32 v32, v0  }
0x31c: {  	[tilespmem:v3+s21+$0x0] =	vst.idx.msk $0xffff, v1;
	v1 =	vand.u32 $0xFFFFFF80, v47  }
0x31d: {  	v4 =	vand.u32 $0x7F, v47;
	v3 =	vor.u32 v7, v6;
	v1 =	vadd.s32 v5, v1;
	v2 =	vld.idx.msk [tilespmem:v2+s15+$0x0], $0xffff  }
0x31e: {  	v1 =	vor.u32 v4, v1;
	_ =	sdelay $0x2  }
0x31f: {  	v49 =	vadd.s32 v33, v0  }
0x320: {  	[tilespmem:v3+s21+$0x0] =	vst.idx.msk $0xffff, v2;
	v2 =	vand.u32 $0xFFFFFF80, v49  }
0x321: {  	v4 =	vand.u32 $0x7F, v49;
	v3 =	vor.u32 v50, v6;
	v2 =	vadd.s32 v5, v2;
	v1 =	vld.idx.msk [tilespmem:v1+s15+$0x0], $0xffff  }
0x322: {  	v2 =	vor.u32 v4, v2;
	_ =	sdelay $0x2  }
0x323: {  	v50 =	vadd.s32 v19, v0  }
0x324: {  	[tilespmem:v3+s21+$0x0] =	vst.idx.msk $0xffff, v1;
	v1 =	vand.u32 $0xFFFFFF80, v50  }
0x325: {  	v4 =	vand.u32 $0x7F, v50;
	v3 =	vor.u32 v46, v6;
	v1 =	vadd.s32 v5, v1;
	v2 =	vld.idx.msk [tilespmem:v2+s15+$0x0], $0xffff  }
0x326: {  	v1 =	vor.u32 v4, v1;
	_ =	sdelay $0x2  }
0x327: {  	v46 =	vadd.s32 v20, v0  }
0x328: {  	[tilespmem:v3+s21+$0x0] =	vst.idx.msk $0xffff, v2;
	v2 =	vand.u32 $0xFFFFFF80, v46  }
0x329: {  	v4 =	vand.u32 $0x7F, v46;
	v3 =	vor.u32 v42, v6;
	v2 =	vadd.s32 v5, v2;
	v1 =	vld.idx.msk [tilespmem:v1+s15+$0x0], $0xffff  }
0x32a: {  	v2 =	vor.u32 v4, v2;
	_ =	sdelay $0x2  }
0x32b: {  	v47 =	vadd.s32 v34, v0  }
0x32c: {  	[tilespmem:v3+s21+$0x0] =	vst.idx.msk $0xffff, v1;
	v1 =	vand.u32 $0xFFFFFF80, v47  }
0x32d: {  	v4 =	vand.u32 $0x7F, v47;
	v3 =	vor.u32 v44, v6;
	v1 =	vadd.s32 v5, v1;
	v2 =	vld.idx.msk [tilespmem:v2+s15+$0x0], $0xffff  }
0x32e: {  	v1 =	vor.u32 v4, v1;
	_ =	sdelay $0x2  }
0x32f: {  	v49 =	vadd.s32 v35, v0  }
0x330: {  	[tilespmem:v3+s21+$0x0] =	vst.idx.msk $0xffff, v2;
	v2 =	vand.u32 $0xFFFFFF80, v49  }
0x331: {  	v4 =	vand.u32 $0x7F, v49;
	v3 =	vor.u32 v41, v6;
	v2 =	vadd.s32 v5, v2;
	v1 =	vld.idx.msk [tilespmem:v1+s15+$0x0], $0xffff  }
0x332: {  	v2 =	vor.u32 v4, v2;
	_ =	sdelay $0x2  }
0x333: {  	v50 =	vadd.s32 v36, v0  }
0x334: {  	[tilespmem:v3+s21+$0x0] =	vst.idx.msk $0xffff, v1;
	v1 =	vand.u32 $0xFFFFFF80, v50  }
0x335: {  	v4 =	vand.u32 $0x7F, v50;
	v3 =	vor.u32 v40, v6;
	v1 =	vadd.s32 v5, v1;
	v2 =	vld.idx.msk [tilespmem:v2+s15+$0x0], $0xffff  }
0x336: {  	v1 =	vor.u32 v4, v1;
	_ =	sdelay $0x2  }
0x337: {  	v40 =	vadd.s32 v37, v0  }
0x338: {  	[tilespmem:v3+s21+$0x0] =	vst.idx.msk $0xffff, v2;
	v2 =	vand.u32 $0xFFFFFF80, v40  }
0x339: {  	v4 =	vand.u32 $0x7F, v40;
	v3 =	vor.u32 v39, v6;
	v2 =	vadd.s32 v5, v2;
	v1 =	vld.idx.msk [tilespmem:v1+s15+$0x0], $0xffff  }
0x33a: {  	v2 =	vor.u32 v4, v2;
	_ =	sdelay $0x2  }
0x33b: {  	v41 =	vadd.s32 v38, v0  }
0x33c: {  	[tilespmem:v3+s21+$0x0] =	vst.idx.msk $0xffff, v1;
	v1 =	vand.u32 $0xFFFFFF80, v41  }
0x33d: {  	v4 =	vand.u32 $0x7F, v41;
	v3 =	vor.u32 v8, v6;
	v1 =	vadd.s32 v5, v1;
	v2 =	vld.idx.msk [tilespmem:v2+s15+$0x0], $0xffff  }
0x33e: {  	v1 =	vor.u32 v4, v1;
	_ =	sdelay $0x2  }
0x33f: {  	v42 =	vadd.s32 v43, v0  }
0x340: {  	[tilespmem:v3+s21+$0x0] =	vst.idx.msk $0xffff, v2;
	v2 =	vand.u32 $0xFFFFFF80, v42  }
0x341: {  	v4 =	vand.u32 $0x7F, v42;
	v3 =	vor.u32 v63, v6;
	v2 =	vadd.s32 v5, v2;
	v1 =	vld.idx.msk [tilespmem:v1+s15+$0x0], $0xffff  }
0x342: {  	v2 =	vor.u32 v4, v2;
	_ =	sdelay $0x2  }
0x343: {  	v44 =	vadd.s32 v48, v0  }
0x344: {  	[tilespmem:v3+s21+$0x0] =	vst.idx.msk $0xffff, v1;
	v1 =	vand.u32 $0xFFFFFF80, v44  }
0x345: {  	v4 =	vand.u32 $0x7F, v44;
	v3 =	vor.u32 v62, v6;
	v1 =	vadd.s32 v5, v1;
	v2 =	vld.idx.msk [tilespmem:v2+s15+$0x0], $0xffff  }
0x346: {  	v1 =	vor.u32 v4, v1;
	_ =	sdelay $0x2  }
0x347: {  	v45 =	vadd.s32 v45, v0  }
0x348: {  	v46 =	vld [tilespmem:$0x1FB30];
	[tilespmem:v3+s21+$0x0] =	vst.idx.msk $0xffff, v2;
	v2 =	vand.u32 $0xFFFFFF80, v45  }
0x349: {  	v4 =	vand.u32 $0x7F, v45;
	v3 =	vor.u32 v60, v6;
	v2 =	vadd.s32 v5, v2;
	v1 =	vld.idx.msk [tilespmem:v1+s15+$0x0], $0xffff  }
0x34a: {  	v2 =	vor.u32 v4, v2;
	_ =	sdelay $0x2  }
0x34b: {  	v4 =	vadd.s32 v46, v0  }
0x34c: {  	v47 =	vld [tilespmem:$0x1FB40];
	[tilespmem:v3+s21+$0x0] =	vst.idx.msk $0xffff, v1;
	v1 =	vand.u32 $0xFFFFFF80, v4  }
0x34d: {  	v3 =	vor.u32 v59, v6;
	v4 =	vand.u32 $0x7F, v4;
	v1 =	vadd.s32 v5, v1;
	v2 =	vld.idx.msk [tilespmem:v2+s15+$0x0], $0xffff  }
0x34e: {  	v1 =	vor.u32 v4, v1;
	_ =	sdelay $0x2  }
0x34f: {  	v4 =	vadd.s32 v47, v0  }
0x350: {  	v49 =	vld [tilespmem:$0x1FB50];
	[tilespmem:v3+s21+$0x0] =	vst.idx.msk $0xffff, v2;
	v2 =	vand.u32 $0xFFFFFF80, v4  }
0x351: {  	v3 =	vor.u32 v53, v6;
	v4 =	vand.u32 $0x7F, v4;
	v2 =	vadd.s32 v5, v2;
	v1 =	vld.idx.msk [tilespmem:v1+s15+$0x0], $0xffff  }
0x352: {  	v2 =	vor.u32 v4, v2;
	_ =	sdelay $0x2  }
0x353: {  	v4 =	vadd.s32 v49, v0  }
0x354: {  	[tilespmem:v3+s21+$0x0] =	vst.idx.msk $0xffff, v1;
	v1 =	vand.u32 $0xFFFFFF80, v4  }
0x355: {  	v3 =	vor.u32 v58, v6;
	v4 =	vand.u32 $0x7F, v4;
	v1 =	vadd.s32 v5, v1;
	v2 =	vld.idx.msk [tilespmem:v2+s15+$0x0], $0xffff  }
0x356: {  	v1 =	vor.u32 v4, v1;
	_ =	sdelay $0x2  }
0x357: {  	v50 =	vadd.s32 v57, v0  }
0x358: {  	[tilespmem:v3+s21+$0x0] =	vst.idx.msk $0xffff, v2;
	v2 =	vand.u32 $0xFFFFFF80, v50  }
0x359: {  	v4 =	vand.u32 $0x7F, v50;
	v3 =	vor.u32 v61, v6;
	v2 =	vadd.s32 v5, v2;
	v1 =	vld.idx.msk [tilespmem:v1+s15+$0x0], $0xffff  }
0x35a: {  	v2 =	vor.u32 v4, v2;
	_ =	sdelay $0x2  }
0x35b: {  	[tilespmem:$0x1FA70] =	vst v57;
	v53 =	vadd.s32 v51, v0  }
0x35c: {  	v57 =	vld [tilespmem:$0x1FB60];
	[tilespmem:v3+s21+$0x0] =	vst.idx.msk $0xffff, v1;
	v1 =	vand.u32 $0xFFFFFF80, v53  }
0x35d: {  	v4 =	vand.u32 $0x7F, v53;
	v3 =	vor.u32 v9, v6;
	v1 =	vadd.s32 v5, v1;
	v2 =	vld.idx.msk [tilespmem:v2+s15+$0x0], $0xffff  }
0x35e: {  	v1 =	vor.u32 v4, v1;
	_ =	sdelay $0x2  }
0x35f: {  	v4 =	vadd.s32 v57, v0  }
0x360: {  	v58 =	vld [tilespmem:$0x1FB70];
	[tilespmem:v3+s21+$0x0] =	vst.idx.msk $0xffff, v2;
	v2 =	vand.u32 $0xFFFFFF80, v4  }
0x361: {  	v3 =	vor.u32 v12, v6;
	v4 =	vand.u32 $0x7F, v4;
	v2 =	vadd.s32 v5, v2;
	v1 =	vld.idx.msk [tilespmem:v1+s15+$0x0], $0xffff  }
0x362: {  	v2 =	vor.u32 v4, v2;
	_ =	sdelay $0x2  }
0x363: {  	v4 =	vadd.s32 v58, v0  }
0x364: {  	v59 =	vld [tilespmem:$0x1FB80];
	[tilespmem:v3+s21+$0x0] =	vst.idx.msk $0xffff, v1;
	v1 =	vand.u32 $0xFFFFFF80, v4  }
0x365: {  	v3 =	vor.u32 v16, v6;
	v4 =	vand.u32 $0x7F, v4;
	v1 =	vadd.s32 v5, v1;
	v2 =	vld.idx.msk [tilespmem:v2+s15+$0x0], $0xffff  }
0x366: {  	v1 =	vor.u32 v4, v1;
	_ =	sdelay $0x2  }
0x367: {  	v4 =	vadd.s32 v59, v0  }
0x368: {  	v60 =	vld [tilespmem:$0x1FB90];
	[tilespmem:v3+s21+$0x0] =	vst.idx.msk $0xffff, v2;
	v2 =	vand.u32 $0xFFFFFF80, v4  }
0x369: {  	v3 =	vor.u32 v17, v6;
	v4 =	vand.u32 $0x7F, v4;
	v2 =	vadd.s32 v5, v2;
	v1 =	vld.idx.msk [tilespmem:v1+s15+$0x0], $0xffff  }
0x36a: {  	v2 =	vor.u32 v4, v2;
	_ =	sdelay $0x2  }
0x36b: {  	v4 =	vadd.s32 v60, v0  }
0x36c: {  	v61 =	vld [tilespmem:$0x1FBA0];
	[tilespmem:v3+s21+$0x0] =	vst.idx.msk $0xffff, v1;
	v1 =	vand.u32 $0xFFFFFF80, v4  }
0x36d: {  	v3 =	vor.u32 v21, v6;
	v4 =	vand.u32 $0x7F, v4;
	v1 =	vadd.s32 v5, v1;
	v2 =	vld.idx.msk [tilespmem:v2+s15+$0x0], $0xffff  }
0x36e: {  	v1 =	vor.u32 v4, v1;
	_ =	sdelay $0x2  }
0x36f: {  	v4 =	vadd.s32 v61, v0  }
0x370: {  	v62 =	vld [tilespmem:$0x1FBB0];
	[tilespmem:v3+s21+$0x0] =	vst.idx.msk $0xffff, v2;
	v2 =	vand.u32 $0xFFFFFF80, v4  }
0x371: {  	v3 =	vor.u32 v13, v6;
	v4 =	vand.u32 $0x7F, v4;
	v2 =	vadd.s32 v5, v2;
	v1 =	vld.idx.msk [tilespmem:v1+s15+$0x0], $0xffff  }
0x372: {  	v2 =	vor.u32 v4, v2;
	_ =	sdelay $0x2  }
0x373: {  	[tilespmem:$0x1FA80] =	vst v51;
	v4 =	vadd.s32 v62, v0  }
0x374: {  	v51 =	vld [tilespmem:$0x1FBC0];
	[tilespmem:v3+s21+$0x0] =	vst.idx.msk $0xffff, v1;
	v1 =	vand.u32 $0xFFFFFF80, v4  }
0x375: {  	v3 =	vor.u32 v15, v6;
	v4 =	vand.u32 $0x7F, v4;
	v1 =	vadd.s32 v5, v1;
	v2 =	vld.idx.msk [tilespmem:v2+s15+$0x0], $0xffff  }
0x376: {  	v1 =	vor.u32 v4, v1;
	_ =	sdelay $0x2  }
0x377: {  	v63 =	vadd.s32 v51, v0  }
0x378: {  	v57 =	vld [tilespmem:$0x1FBD0];
	[tilespmem:v3+s21+$0x0] =	vst.idx.msk $0xffff, v2;
	v2 =	vand.u32 $0xFFFFFF80, v63  }
0x379: {  	v4 =	vand.u32 $0x7F, v63;
	v3 =	vor.u32 v14, v6;
	v2 =	vadd.s32 v5, v2;
	v1 =	vld.idx.msk [tilespmem:v1+s15+$0x0], $0xffff  }
0x37a: {  	v2 =	vor.u32 v4, v2;
	_ =	sdelay $0x2  }
0x37b: {  	v0 =	vadd.s32 v57, v0  }
0x37c: {  	[tilespmem:v3+s21+$0x0] =	vst.idx.msk $0xffff, v1;
	v1 =	vand.u32 $0xFFFFFF80, v0  }
0x37d: {  	v3 =	vor.u32 v10, v6;
	v0 =	vand.u32 $0x7F, v0;
	v1 =	vadd.s32 v5, v1;
	v2 =	vld.idx.msk [tilespmem:v2+s15+$0x0], $0xffff  }
0x37e: {  	v0 =	vor.u32 v0, v1;
	_ =	sdelay $0x3  }
0x37f: {  	[tilespmem:v3+s21+$0x0] =	vst.idx.msk $0xffff, v2  }
0x380: {  	s28 =	simm.s32 $0x10;
	v1 =	vld.idx.msk [tilespmem:v0+s15+$0x0], $0xffff;
	v0 =	vor.u32 v11, v6  }
.LBB2_9:
0x381: {  	_ =	sdelay $0x3  }
0x382: {  	s26 =	sadd.s32 $0x10, s26;
	[tilespmem:v0+s21+$0x0] =	vst.idx.msk $0xffff, v1  }
0x383: {  	v5 =	vld [tilespmem:s26+$0x0];
	_ =	sdelay $0x3  }
0x384: {  	v2 =	vmov s28;
	s29 =	smov.u32 s28  }
0x385: {  	v0 =	vshll.u32 v2, $0x3;
	v1 =	vor.u32 s29, v18;
	v2 =	vadd.s32 v18, v5  }
0x386: {  	v0 =	vand.u32 $0x400, v0;
	v7 =	vshll.u32 v1, $0x7;
	v4 =	vand.u32 $0xFFFFFF80, v2  }
0x387: {  	v1 =	vand.u32 $0x7F, v1;
	v2 =	vand.u32 $0x7F, v2;
	v4 =	vadd.s32 v7, v4  }
0x388: {  	v0 =	vor.u32 v0, v1;
	v1 =	vor.u32 v2, v4;
	_ =	sdelay $0x2  }
0x389: {  	v3 =	vadd.s32 v23, v5  }
0x38a: {  	v2 =	vand.u32 $0xFFFFFF80, v3  }
0x38b: {  	v9 =	vor.u32 v22, v0;
	v3 =	vand.u32 $0x7F, v3;
	v2 =	vadd.s32 v7, v2;
	v1 =	vld.idx.msk [tilespmem:v1+s15+$0x0], $0xffff  }
0x38c: {  	v2 =	vor.u32 v3, v2;
	_ =	sdelay $0x3  }
0x38d: {  	[tilespmem:v9+s21+$0x0] =	vst.idx.msk $0xffff, v1  }
0x38e: {  	v22 =	vadd.s32 v19, v5;
	v17 =	vadd.s32 v20, v5;
	v20 =	vor.u32 v25, v0;
	v19 =	vld.idx.msk [tilespmem:v2+s15+$0x0], $0xffff;
	_ =	sdelay $0x4  }
0x38f: {  	[tilespmem:v20+s21+$0x0] =	vst.idx.msk $0xffff, v19;
	v20 =	vld [tilespmem:$0x1FB20]  }
0x390: {  	v63 =	vadd.s32 v24, v5  }
0x391: {  	v6 =	vand.u32 $0xFFFFFF80, v63  }
0x392: {  	v6 =	vadd.s32 v7, v6;
	v2 =	vand.u32 $0x7F, v63  }
0x393: {  	v6 =	vor.u32 v2, v6  }
0x394: {  	v58 =	vadd.s32 v48, v5;
	v48 =	vadd.s32 v20, v5;
	v20 =	vld [tilespmem:$0x1FB30]  }
0x395: {  	v10 =	vadd.s32 v27, v5  }
0x396: {  	v8 =	vand.u32 $0xFFFFFF80, v10  }
0x397: {  	v10 =	vand.u32 $0x7F, v10;
	v15 =	vadd.s32 v7, v8;
	v19 =	vand.u32 $0xFFFFFF80, v58  }
0x398: {  	v63 =	vadd.s32 v38, v5;
	v6 =	vld.idx.msk [tilespmem:v6+s15+$0x0], $0xffff;
	v60 =	vadd.s32 v7, v19;
	v19 =	vand.u32 $0xFFFFFF80, v48  }
0x399: {  	v59 =	vadd.s32 v7, v19;
	v19 =	vld [tilespmem:$0x1FB40];
	v38 =	vadd.s32 v20, v5;
	v20 =	vor.u32 v26, v0  }
0x39a: {  	v10 =	vor.u32 v10, v15;
	_ =	sdelay $0x3  }
0x39b: {  	v2 =	vadd.s32 v37, v5;
	v46 =	vand.u32 $0xFFFFFF80, v38;
	v37 =	vadd.s32 v19, v5;
	v19 =	vld [tilespmem:$0x1FB50];
	[tilespmem:v20+s21+$0x0] =	vst.idx.msk $0xffff, v6  }
0x39c: {  	v53 =	vadd.s32 v7, v46;
	v46 =	vld.idx.msk [tilespmem:v10+s15+$0x0], $0xffff  }
0x39d: {  	v14 =	vadd.s32 v28, v5;
	v10 =	vld [tilespmem:$0x1FB70]  }
0x39e: {  	v11 =	vadd.s32 v30, v5;
	v8 =	vand.u32 $0xFFFFFF80, v14  }
0x39f: {  	v41 =	vadd.s32 v31, v5;
	v18 =	vadd.s32 v7, v8;
	v8 =	vand.u32 $0xFFFFFF80, v11  }
0x3a0: {  	v45 =	vadd.s32 v7, v8;
	v8 =	vand.u32 $0xFFFFFF80, v41  }
0x3a1: {  	v44 =	vadd.s32 v7, v8;
	v8 =	vadd.s32 v35, v5  }
0x3a2: {  	v35 =	vadd.s32 v19, v5;
	v19 =	vld [tilespmem:$0x1FA70];
	v26 =	vadd.s32 v10, v5;
	v10 =	vand.u32 $0x7F, v14  }
0x3a3: {  	v14 =	vor.u32 v10, v18;
	v10 =	vld [tilespmem:$0x1FB80];
	_ =	sdelay $0x2  }
0x3a4: {  	v61 =	vadd.s32 v43, v5  }
0x3a5: {  	v24 =	vadd.s32 v33, v5;
	v25 =	vand.u32 $0xFFFFFF80, v61;
	v33 =	vadd.s32 v19, v5;
	v19 =	vld [tilespmem:$0x1FA80]  }
0x3a6: {  	v62 =	vadd.s32 v7, v25;
	v25 =	vadd.s32 v10, v5;
	v10 =	vld [tilespmem:$0x1FB90];
	_ =	sdelay $0x1  }
0x3a7: {  	v39 =	vadd.s32 v32, v5  }
0x3a8: {  	v3 =	vand.u32 $0xFFFFFF80, v39  }
0x3a9: {  	v42 =	vadd.s32 v7, v3;
	v3 =	vand.u32 $0xFFFFFF80, v24  }
0x3aa: {  	v47 =	vand.u32 $0xFFFFFF80, v37;
	v30 =	vadd.s32 v19, v5;
	v19 =	vadd.s32 v10, v5;
	v10 =	vld [tilespmem:$0x1FBA0]  }
0x3ab: {  	v40 =	vadd.s32 v7, v3;
	v3 =	vand.u32 $0xFFFFFF80, v22;
	v43 =	vadd.s32 v7, v47;
	v47 =	vld [tilespmem:$0x1FB60]  }
0x3ac: {  	v12 =	vadd.s32 v34, v5;
	v23 =	vadd.s32 v7, v3;
	v3 =	vand.u32 $0xFFFFFF80, v17  }
0x3ad: {  	v21 =	vadd.s32 v7, v3;
	v1 =	vand.u32 $0xFFFFFF80, v12  }
0x3ae: {  	v3 =	vadd.s32 v36, v5;
	v16 =	vadd.s32 v7, v1;
	v15 =	vand.u32 $0xFFFFFF80, v25  }
0x3af: {  	v1 =	vand.u32 $0xFFFFFF80, v8;
	v27 =	vadd.s32 v7, v15;
	v15 =	vadd.s32 v10, v5;
	v10 =	vld [tilespmem:$0x1FBB0]  }
0x3b0: {  	v49 =	vand.u32 $0xFFFFFF80, v35;
	v28 =	vadd.s32 v47, v5;
	v47 =	vor.u32 v29, v0  }
0x3b1: {  	v13 =	vadd.s32 v7, v1;
	v36 =	vadd.s32 v7, v49;
	v50 =	vand.u32 $0xFFFFFF80, v33  }
0x3b2: {  	v49 =	vand.u32 $0xFFFFFF80, v28;
	v34 =	vadd.s32 v7, v50;
	v50 =	vand.u32 $0xFFFFFF80, v26  }
0x3b3: {  	v1 =	vand.u32 $0xFFFFFF80, v3;
	v31 =	vadd.s32 v7, v49;
	v29 =	vadd.s32 v7, v50  }
0x3b4: {  	v49 =	vand.u32 $0xFFFFFF80, v19;
	v50 =	vand.u32 $0xFFFFFF80, v15;
	v10 =	vadd.s32 v10, v5  }
0x3b5: {  	[tilespmem:v47+s21+$0x0] =	vst.idx.msk $0xffff, v46;
	v20 =	vadd.s32 v7, v49;
	v18 =	vadd.s32 v7, v50;
	v49 =	vand.u32 $0xFFFFFF80, v10  }
0x3b6: {  	v47 =	vld.idx.msk [tilespmem:v14+s15+$0x0], $0xffff;
	v50 =	vand.u32 $0x7F, v11;
	v14 =	vadd.s32 v7, v49;
	v49 =	vor.u32 v52, v0  }
0x3b7: {  	v9 =	vadd.s32 v7, v1;
	v1 =	vand.u32 $0xFFFFFF80, v2;
	v45 =	vor.u32 v50, v45  }
0x3b8: {  	v4 =	vadd.s32 v7, v1;
	v1 =	vand.u32 $0xFFFFFF80, v63  }
0x3b9: {  	v1 =	vadd.s32 v7, v1  }
0x3ba: {  	v6 =	vadd.s32 v51, v5;
	v32 =	vand.u32 $0xFFFFFF80, v30;
	v5 =	vadd.s32 v57, v5  }
0x3bb: {  	v46 =	vand.u32 $0xFFFFFF80, v6;
	v32 =	vadd.s32 v7, v32;
	v50 =	vand.u32 $0xFFFFFF80, v5;
	[tilespmem:v49+s21+$0x0] =	vst.idx.msk $0xffff, v47  }
0x3bc: {  	v11 =	vadd.s32 v7, v46;
	v7 =	vadd.s32 v7, v50;
	v50 =	vor.u32 v56, v0;
	v45 =	vld.idx.msk [tilespmem:v45+s15+$0x0], $0xffff;
	_ =	sdelay $0x3  }
0x3bd: {  	v41 =	vand.u32 $0x7F, v41  }
0x3be: {  	v41 =	vor.u32 v41, v44;
	[tilespmem:v50+s21+$0x0] =	vst.idx.msk $0xffff, v45;
	v45 =	vld [tilespmem:$0x1FEC0];
	_ =	sdelay $0x4  }
0x3bf: {  	v39 =	vand.u32 $0x7F, v39;
	v41 =	vld.idx.msk [tilespmem:v41+s15+$0x0], $0xffff;
	v49 =	vor.u32 v45, v0  }
0x3c0: {  	v39 =	vor.u32 v39, v42;
	_ =	sdelay $0x3  }
0x3c1: {  	[tilespmem:v49+s21+$0x0] =	vst.idx.msk $0xffff, v41  }
0x3c2: {  	v24 =	vand.u32 $0x7F, v24;
	v50 =	vor.u32 v55, v0;
	v39 =	vld.idx.msk [tilespmem:v39+s15+$0x0], $0xffff  }
0x3c3: {  	v24 =	vor.u32 v24, v40;
	v46 =	vld [tilespmem:$0x1FF00];
	_ =	sdelay $0x3  }
0x3c4: {  	[tilespmem:v50+s21+$0x0] =	vst.idx.msk $0xffff, v39  }
0x3c5: {  	v22 =	vand.u32 $0x7F, v22;
	v47 =	vor.u32 v46, v0;
	v24 =	vld.idx.msk [tilespmem:v24+s15+$0x0], $0xffff  }
0x3c6: {  	v42 =	vld [tilespmem:$0x1FF10];
	v22 =	vor.u32 v22, v23;
	_ =	sdelay $0x3  }
0x3c7: {  	[tilespmem:v47+s21+$0x0] =	vst.idx.msk $0xffff, v24  }
0x3c8: {  	v17 =	vand.u32 $0x7F, v17;
	v23 =	vor.u32 v42, v0;
	v22 =	vld.idx.msk [tilespmem:v22+s15+$0x0], $0xffff  }
0x3c9: {  	v44 =	vld [tilespmem:$0x1FF20];
	v17 =	vor.u32 v17, v21;
	_ =	sdelay $0x3  }
0x3ca: {  	[tilespmem:v23+s21+$0x0] =	vst.idx.msk $0xffff, v22  }
0x3cb: {  	v21 =	vor.u32 v44, v0;
	v12 =	vand.u32 $0x7F, v12;
	v17 =	vld.idx.msk [tilespmem:v17+s15+$0x0], $0xffff  }
0x3cc: {  	v12 =	vor.u32 v12, v16;
	v41 =	vld [tilespmem:$0x1FF30];
	_ =	sdelay $0x3  }
0x3cd: {  	[tilespmem:v21+s21+$0x0] =	vst.idx.msk $0xffff, v17  }
0x3ce: {  	v8 =	vand.u32 $0x7F, v8;
	v16 =	vor.u32 v41, v0;
	v12 =	vld.idx.msk [tilespmem:v12+s15+$0x0], $0xffff  }
0x3cf: {  	v40 =	vld [tilespmem:$0x1FF40];
	v8 =	vor.u32 v8, v13;
	_ =	sdelay $0x3  }
0x3d0: {  	[tilespmem:v16+s21+$0x0] =	vst.idx.msk $0xffff, v12  }
0x3d1: {  	v3 =	vand.u32 $0x7F, v3;
	v49 =	vor.u32 v40, v0;
	v8 =	vld.idx.msk [tilespmem:v8+s15+$0x0], $0xffff  }
0x3d2: {  	v3 =	vor.u32 v3, v9;
	v39 =	vld [tilespmem:$0x1FF50];
	_ =	sdelay $0x3  }
0x3d3: {  	[tilespmem:v49+s21+$0x0] =	vst.idx.msk $0xffff, v8  }
0x3d4: {  	v2 =	vand.u32 $0x7F, v2;
	v8 =	vor.u32 v39, v0;
	v3 =	vld.idx.msk [tilespmem:v3+s15+$0x0], $0xffff  }
0x3d5: {  	v9 =	vld [tilespmem:$0x1FF60];
	v2 =	vor.u32 v2, v4;
	_ =	sdelay $0x3  }
0x3d6: {  	[tilespmem:v8+s21+$0x0] =	vst.idx.msk $0xffff, v3  }
0x3d7: {  	v50 =	vand.u32 $0x7F, v63;
	v3 =	vor.u32 v9, v0;
	v2 =	vld.idx.msk [tilespmem:v2+s15+$0x0], $0xffff  }
0x3d8: {  	v63 =	vld [tilespmem:$0x1FF70];
	v1 =	vor.u32 v50, v1;
	_ =	sdelay $0x3  }
0x3d9: {  	[tilespmem:v3+s21+$0x0] =	vst.idx.msk $0xffff, v2  }
0x3da: {  	v2 =	vor.u32 v63, v0;
	v3 =	vand.u32 $0x7F, v61;
	v1 =	vld.idx.msk [tilespmem:v1+s15+$0x0], $0xffff  }
0x3db: {  	v3 =	vor.u32 v3, v62;
	v62 =	vld [tilespmem:$0x1FF80];
	_ =	sdelay $0x3  }
0x3dc: {  	[tilespmem:v2+s21+$0x0] =	vst.idx.msk $0xffff, v1  }
0x3dd: {  	v2 =	vor.u32 v62, v0;
	v1 =	vld.idx.msk [tilespmem:v3+s15+$0x0], $0xffff;
	v3 =	vand.u32 $0x7F, v58  }
0x3de: {  	v3 =	vor.u32 v3, v60;
	v60 =	vld [tilespmem:$0x1FF90];
	_ =	sdelay $0x3  }
0x3df: {  	[tilespmem:v2+s21+$0x0] =	vst.idx.msk $0xffff, v1  }
0x3e0: {  	v1 =	vld.idx.msk [tilespmem:v3+s15+$0x0], $0xffff;
	v2 =	vor.u32 v60, v0;
	v3 =	vand.u32 $0x7F, v48  }
0x3e1: {  	v3 =	vor.u32 v3, v59;
	v59 =	vld [tilespmem:$0x1FFA0];
	_ =	sdelay $0x3  }
0x3e2: {  	[tilespmem:v2+s21+$0x0] =	vst.idx.msk $0xffff, v1  }
0x3e3: {  	v1 =	vld.idx.msk [tilespmem:v3+s15+$0x0], $0xffff;
	v2 =	vor.u32 v59, v0;
	v3 =	vand.u32 $0x7F, v38  }
0x3e4: {  	v3 =	vor.u32 v3, v53;
	v53 =	vld [tilespmem:$0x1FFB0];
	_ =	sdelay $0x3  }
0x3e5: {  	[tilespmem:v2+s21+$0x0] =	vst.idx.msk $0xffff, v1  }
0x3e6: {  	v1 =	vld.idx.msk [tilespmem:v3+s15+$0x0], $0xffff;
	v2 =	vor.u32 v53, v0;
	v3 =	vand.u32 $0x7F, v37  }
0x3e7: {  	v58 =	vld [tilespmem:$0x1FFC0];
	v3 =	vor.u32 v3, v43;
	_ =	sdelay $0x3  }
0x3e8: {  	[tilespmem:v2+s21+$0x0] =	vst.idx.msk $0xffff, v1  }
0x3e9: {  	v2 =	vor.u32 v58, v0;
	v1 =	vld.idx.msk [tilespmem:v3+s15+$0x0], $0xffff;
	v3 =	vand.u32 $0x7F, v35  }
0x3ea: {  	v61 =	vld [tilespmem:$0x1FFD0];
	v3 =	vor.u32 v3, v36;
	_ =	sdelay $0x3  }
0x3eb: {  	[tilespmem:v2+s21+$0x0] =	vst.idx.msk $0xffff, v1  }
0x3ec: {  	v2 =	vor.u32 v61, v0;
	v1 =	vld.idx.msk [tilespmem:v3+s15+$0x0], $0xffff;
	_ =	sdelay $0x3  }
0x3ed: {  	v3 =	vand.u32 $0x7F, v33  }
0x3ee: {  	v3 =	vor.u32 v3, v34;
	[tilespmem:v2+s21+$0x0] =	vst.idx.msk $0xffff, v1;
	v2 =	vld [tilespmem:$0x1FDC0];
	_ =	sdelay $0x4  }
0x3ef: {  	v1 =	vld.idx.msk [tilespmem:v3+s15+$0x0], $0xffff;
	v2 =	vor.u32 v2, v0;
	_ =	sdelay $0x3  }
0x3f0: {  	v3 =	vand.u32 $0x7F, v30  }
0x3f1: {  	v3 =	vor.u32 v3, v32;
	[tilespmem:v2+s21+$0x0] =	vst.idx.msk $0xffff, v1;
	v2 =	vld [tilespmem:$0x1FDD0];
	_ =	sdelay $0x4  }
0x3f2: {  	v1 =	vld.idx.msk [tilespmem:v3+s15+$0x0], $0xffff;
	v2 =	vor.u32 v2, v0;
	_ =	sdelay $0x3  }
0x3f3: {  	v3 =	vand.u32 $0x7F, v28  }
0x3f4: {  	v3 =	vor.u32 v3, v31;
	[tilespmem:v2+s21+$0x0] =	vst.idx.msk $0xffff, v1;
	v2 =	vld [tilespmem:$0x1FDE0];
	_ =	sdelay $0x4  }
0x3f5: {  	v1 =	vld.idx.msk [tilespmem:v3+s15+$0x0], $0xffff;
	v2 =	vor.u32 v2, v0;
	_ =	sdelay $0x3  }
0x3f6: {  	v3 =	vand.u32 $0x7F, v26  }
0x3f7: {  	v3 =	vor.u32 v3, v29;
	[tilespmem:v2+s21+$0x0] =	vst.idx.msk $0xffff, v1;
	v2 =	vld [tilespmem:$0x1FDF0];
	_ =	sdelay $0x4  }
0x3f8: {  	v1 =	vld.idx.msk [tilespmem:v3+s15+$0x0], $0xffff;
	v2 =	vor.u32 v2, v0;
	_ =	sdelay $0x3  }
0x3f9: {  	v3 =	vand.u32 $0x7F, v25  }
0x3fa: {  	v3 =	vor.u32 v3, v27;
	[tilespmem:v2+s21+$0x0] =	vst.idx.msk $0xffff, v1;
	v2 =	vld [tilespmem:$0x1FE00];
	_ =	sdelay $0x4  }
0x3fb: {  	v1 =	vld.idx.msk [tilespmem:v3+s15+$0x0], $0xffff;
	v2 =	vor.u32 v2, v0;
	_ =	sdelay $0x3  }
0x3fc: {  	v3 =	vand.u32 $0x7F, v19  }
0x3fd: {  	v3 =	vor.u32 v3, v20;
	[tilespmem:v2+s21+$0x0] =	vst.idx.msk $0xffff, v1;
	v2 =	vld [tilespmem:$0x1FE10];
	_ =	sdelay $0x4  }
0x3fe: {  	v1 =	vld.idx.msk [tilespmem:v3+s15+$0x0], $0xffff;
	v2 =	vor.u32 v2, v0;
	_ =	sdelay $0x3  }
0x3ff: {  	v3 =	vand.u32 $0x7F, v15  }
0x400: {  	v3 =	vor.u32 v3, v18;
	[tilespmem:v2+s21+$0x0] =	vst.idx.msk $0xffff, v1;
	v2 =	vld [tilespmem:$0x1FE20];
	_ =	sdelay $0x4  }
0x401: {  	v1 =	vld.idx.msk [tilespmem:v3+s15+$0x0], $0xffff;
	v2 =	vor.u32 v2, v0;
	_ =	sdelay $0x3  }
0x402: {  	v3 =	vand.u32 $0x7F, v10  }
0x403: {  	v3 =	vor.u32 v3, v14;
	[tilespmem:v2+s21+$0x0] =	vst.idx.msk $0xffff, v1;
	v2 =	vld [tilespmem:$0x1FE30]  }
0x404: {  	v24 =	vld [tilespmem:$0x1FE60]  }
0x405: {  	v23 =	vld [tilespmem:$0x1FE80]  }
0x406: {  	v22 =	vld [tilespmem:$0x1FE90]  }
0x407: {  	v48 =	vld [tilespmem:$0x1FB10]  }
0x408: {  	v1 =	vld.idx.msk [tilespmem:v3+s15+$0x0], $0xffff;
	v2 =	vor.u32 v2, v0  }
0x409: {  	v38 =	vld [tilespmem:$0x1FAF0]  }
0x40a: {  	v37 =	vld [tilespmem:$0x1FAE0]  }
0x40b: {  	v43 =	vld [tilespmem:$0x1FB00]  }
0x40c: {  	v35 =	vld [tilespmem:$0x1FAC0];
	v3 =	vand.u32 $0x7F, v6  }
0x40d: {  	v3 =	vor.u32 v3, v11;
	[tilespmem:v2+s21+$0x0] =	vst.idx.msk $0xffff, v1;
	v2 =	vld [tilespmem:$0x1FE40]  }
0x40e: {  	v36 =	vld [tilespmem:$0x1FAD0]  }
0x40f: {  	v33 =	vld [tilespmem:$0x1FEF0]  }
0x410: {  	v34 =	vld [tilespmem:$0x1FAB0]  }
0x411: {  	v30 =	vld [tilespmem:$0x1FEB0]  }
0x412: {  	v1 =	vld.idx.msk [tilespmem:v3+s15+$0x0], $0xffff;
	v2 =	vor.u32 v2, v0  }
0x413: {  	v32 =	vld [tilespmem:$0x1FED0]  }
0x414: {  	v31 =	vld [tilespmem:$0x1FFF0]  }
0x415: {  	v26 =	vld [tilespmem:$0x1FEA0]  }
0x416: {  	v29 =	vld [tilespmem:$0x1FEE0];
	v3 =	vand.u32 $0x7F, v5  }
0x417: {  	p0 =	sne.s32 s28, $0xF0;
	v3 =	vor.u32 v3, v7;
	[tilespmem:v2+s21+$0x0] =	vst.idx.msk $0xffff, v1;
	v2 =	vld [tilespmem:$0x1FE50]  }
.Ltmp4:
0x418: {  	v25 =	vld [tilespmem:$0x1FE70];
	(pc) =	sbr.rel @p0 .LBB2_9-.Ltmp4, $4  }
0x419: {  	v27 =	vld [tilespmem:$0x1FFE0]  }
0x41a: {  	v19 =	vld [tilespmem:$0x1FA90]  }
0x41b: {  	v20 =	vld [tilespmem:$0x1FAA0]  }
0x41c: {  	s28 =	sadd.s32 $0x10, s28;
	v28 =	vmov v54;
	v18 =	vlaneseq.u32;
	v1 =	vld.idx.msk [tilespmem:v3+s15+$0x0], $0xffff;
	v0 =	vor.u32 v2, v0  }
0x41d: {  	s24 =	sadd.s32 $0x1, s24  }
0x41e: {  	p0 =	sne.s32 s24, $0x32  }
.Ltmp5:
0x41f: {  	_ = 	snop;
	(pc) =	sbr.rel @p0 .LBB2_2-.Ltmp5, $3  }
0x420: {  	_ =	sdelay $0x1  }
0x421: {  	s25 =	sadd.s32 s25, s6;
	[tilespmem:v0+s21+$0x0] =	vst.idx.msk $0xffff, v1  }
0x422: {  	v50 =	vmov v55;
	v47 =	vmov v56;
	v49 =	vmov v52;
	[hbm4b:s25+s18] =	stream.strided.scatter [tilespmem:s21], [sflag:$0x4], $0x2000, s9, s18, $0x38;
	[tilespmem:$0x1B400] =	vst v63  }
0x423: {  	s23 =	sadd.s32 $0x1, s23  }
0x424: {  	_ =	swait.ge [sflag:s22], $0x2000;
	p0 =	sne.s32 s23, s7  }
.Ltmp6:
0x425: {  	[sflag:s22] =	ssyncset.done $0x0;
	(pc) =	sbr.rel @p0 .LBB2_1-.Ltmp6, $4  }
0x426: {  	[sflag:s22] =	ssyncadd.s32 $0xFFFFE000  }
0x427: {  	_ =	swait.ge [sflag:s20], $0x2000  }
0x428: {  	[sflag:s20] =	ssyncset.done $0x0  }
0x429: {  	[sflag:s20] =	ssyncadd.s32 $0xFFFFE000  }
0x42a: {  	_ =	sfence.sel $0x180000  }
0x42b: {  	[bflag:$0x0] =	sbarrier.arrive $0xFFFF  }
0x42c: {  	p0 =	sne.s32 s2, $0x0;
	_ =	strace $0x90000047  }
0x42d: {  	s0 =	sadd.s32 @!p0 $0x100000, s0;
	[bflag:$0x2] =	sbarrier.arrive $0xFFFF  }
0x42e: {  	[sflag:s0] =	ssyncadd.tile.s32 @!p0 $0x1;
	_ =	shalt  }
.Lfunc_end2:
_tile_overlayer_lowered:
.L_overlay_start_2:
0x42f: {  	(tag) =	ssettag $0x2  }
0x430: {  	s0 =	rddreg [dreg:$0x0];
	s2 =	stileid.u32  }
0x431: {  	s1 =	rddreg [dreg:$0x1];
	p0 =	sne.s32 s2, $0x0  }
0x432: {  	s3 =	rddreg [dreg:$0x2];
	[bflag:$0x3] =	sbarrier.arrive $0xFFFF;
	s2 =	simm.s32 @!p0 $0x1C05  }
0x433: {  	[timem:s3], [sflag:s2] =	dma.local @!p0 [hbm:s0], s1  }
0x434: {  	s0 =	simm.s32 @!p0 $0x5  }
0x435: {  	_ =	swait.ge @!p0 [sflag:s0], s1  }
0x436: {  	s1 =	ssub.s32 @!p0 $0x0, s1;
	[sflag:s0] =	ssyncset.done @!p0 $0x0  }
0x437: {  	[sflag:s0] =	ssyncadd.s32 @!p0 s1  }
0x438: {  	[bflag:$0x3] =	sbarrier.arrive $0xFFFF  }
0x439: {  	_ =	shalt  }

</sc_bundles>
